<compile_context>
chip_gen: v7x
topology: tpu7x:2x2x1
jax: 0.10.2.dev20260603
libtpu: 0.0.44.dev20260713+nightly
codegen_flags: <defaults>
</compile_context>

<pallas_src>
import functools

import jax
import jax.numpy as jnp
from jax import lax
from jax.experimental import pallas as pl
from jax.experimental.pallas import tpu as pltpu
from jax.experimental.pallas import tpu_sc as plsc

_K = 64
_SIGN = -2147483648
_CAP = 1024
_NSAMP = 512
_RTARG = 6
_LANES = 16

_info = plsc.get_sparse_core_info()
_NW = _info.num_cores * _info.num_subcores


def _key16(ref, off):
    iv = lax.bitcast_convert_type(ref[pl.ds(off, _LANES)], jnp.int32)
    return iv ^ (lax.shift_right_arithmetic(iv, 31) & jnp.int32(0x7FFFFFFF))


def _lane_total(v, rot_idx):
    for idx in rot_idx:
        v = v + v.at[idx].get(mode="promise_in_bounds")
    return v[0]


def _row_threshold(rowbuf, candbuf, n, rot_idx):
    nv = n // _LANES
    one, zero = jnp.int32(1), jnp.int32(0)
    zvec = jnp.zeros((_LANES,), jnp.int32)

    def counts3(load_key, trips, unroll, c3s, c2s, c1s):
        def body(i, st):
            a3, a2, a1 = st
            base = i * (_LANES * unroll)
            for u in range(unroll):
                k = load_key(base + u * _LANES)
                a3 = a3 + jnp.where(k >= c3s, one, zero)
                a2 = a2 + jnp.where(k >= c2s, one, zero)
                a1 = a1 + jnp.where(k >= c1s, one, zero)
            return (a3, a2, a1)
        a3, a2, a1 = lax.fori_loop(0, trips, body, (zvec, zvec, zvec))
        return (_lane_total(a3, rot_idx), _lane_total(a2, rot_idx),
                _lane_total(a1, rot_idx))

    def step2bit(t, st, load_key, ntrips, unroll, stop, kmin):
        upfx, cnt = st
        trips = jnp.where(cnt > stop, ntrips, 0)
        b1 = lax.shift_left(jnp.int32(1), jnp.int32(31) - 2 * t)
        b0 = lax.shift_left(jnp.int32(1), jnp.int32(30) - 2 * t)
        c3 = upfx | b1 | b0
        c2 = upfx | b1
        c1 = upfx | b0
        n3, n2, n1 = counts3(load_key, trips, unroll,
                             c3 ^ _SIGN, c2 ^ _SIGN, c1 ^ _SIGN)
        take3 = n3 >= kmin
        take2 = jnp.logical_and(~take3, n2 >= kmin)
        take1 = jnp.logical_and(~(take3 | take2), n1 >= kmin)
        newp = jnp.where(take3, c3,
                         jnp.where(take2, c2, jnp.where(take1, c1, upfx)))
        newc = jnp.where(take3, n3,
                         jnp.where(take2, n2, jnp.where(take1, n1, cnt)))
        return (newp, newc)

    stride = (nv // (_NSAMP // _LANES)) * _LANES

    def samp_key(off):
        return _key16(rowbuf, (off // _LANES) * stride)

    piv, _ = lax.fori_loop(
        0, 16,
        lambda t, st: step2bit(t, st, samp_key, _NSAMP // _LANES, 1,
                               _RTARG, _RTARG),
        (jnp.int32(0), jnp.int32(_NSAMP)))

    limit = jnp.int32(_CAP * _LANES)
    piv_s = piv ^ _SIGN

    def gbody(g, st):
        off, tot = st
        ks, hs = [], []
        for u in range(4):
            k = _key16(rowbuf, (g * 4 + u) * _LANES)
            m = k >= piv_s
            ks.append(jnp.where(m, k, jnp.int32(_SIGN)))
            hs.append(_lane_total(jnp.where(m, one, zero), rot_idx))
        for u in range(4):
            candbuf[pl.ds(off, _LANES)] = ks[u]
            off = jnp.where(hs[u] > 0,
                            jnp.minimum(off + _LANES, limit), off)
            tot = tot + hs[u]
        return (off, tot)

    off_p, cnt_p = lax.fori_loop(0, nv // 4, gbody,
                                 (jnp.int32(0), jnp.int32(0)))
    ok = jnp.logical_and(cnt_p >= _K, cnt_p <= _CAP)

    def fb_key(off):
        return _key16(rowbuf, off)

    fb_trips = jnp.where(ok, 0, nv // 4)
    upfx_fb, cnt_fb = lax.fori_loop(
        0, 16,
        lambda t, st: step2bit(t, st, fb_key, fb_trips, 4, _CAP, _K),
        (jnp.int32(0), jnp.int32(n)))
    valid_fb = jnp.logical_and(~ok, cnt_fb <= _CAP)
    thr_fb = upfx_fb ^ _SIGN

    def cbody(i, off):
        k = _key16(rowbuf, i * _LANES)
        m = k >= thr_fb
        candbuf[pl.ds(off, _LANES)] = jnp.where(m, k, jnp.int32(_SIGN))
        hits = _lane_total(jnp.where(m, one, zero), rot_idx)
        return jnp.where(hits > 0, off + _LANES, off)

    off_fb = lax.fori_loop(0, jnp.where(valid_fb, nv, 0), cbody,
                           jnp.int32(0))

    use_fb = ~ok
    upfx_in = jnp.where(use_fb, upfx_fb, jnp.int32(0))
    cnt_in = jnp.where(use_fb, cnt_fb, cnt_p)
    off_sel = jnp.where(use_fb, off_fb, off_p)
    sv = off_sel // _LANES
    sv = jnp.where(jnp.logical_and(use_fb, ~valid_fb), 0, sv)
    for p in range(3):
        candbuf[pl.ds(off_sel + p * _LANES, _LANES)] = jnp.full(
            (_LANES,), _SIGN, jnp.int32)

    def cand_key(off):
        return candbuf[pl.ds(off, _LANES)]

    upfx, fcnt = lax.fori_loop(
        0, 16,
        lambda t, st: step2bit(t, st, cand_key, (sv + 3) // 4, 4, _K, _K),
        (upfx_in, cnt_in))

    pivhit = jnp.logical_and(ok, cnt_p == _K)
    upfx = jnp.where(pivhit, piv, upfx)
    fcnt = jnp.where(pivhit, cnt_p, fcnt)
    thr_s = upfx ^ _SIGN

    tie = fcnt > _K
    tie_trips = jnp.where(tie, nv // 4, 0)

    def gtbody(i, a):
        base = i * (_LANES * 4)
        for u in range(4):
            k = _key16(rowbuf, base + u * _LANES)
            a = a + jnp.where(k > thr_s, one, zero)
        return a

    ngt = _lane_total(lax.fori_loop(0, tie_trips, gtbody, zvec), rot_idx)
    req = _K - ngt

    lane = lax.iota(jnp.int32, _LANES)

    def idx_step(t, vpfx):
        b1 = lax.shift_left(jnp.int32(1), jnp.int32(15) - 2 * t)
        b0 = lax.shift_left(jnp.int32(1), jnp.int32(14) - 2 * t)
        c3, c2, c1 = vpfx | b1 | b0, vpfx | b1, vpfx | b0

        def body(i, st):
            a3, a2, a1 = st
            base = i * (_LANES * 4)
            for u in range(4):
                off = base + u * _LANES
                k = _key16(rowbuf, off)
                eq = k == thr_s
                rv = jnp.int32(n - 1) - (off + lane)
                a3 = a3 + jnp.where(jnp.logical_and(eq, rv >= c3), one, zero)
                a2 = a2 + jnp.where(jnp.logical_and(eq, rv >= c2), one, zero)
                a1 = a1 + jnp.where(jnp.logical_and(eq, rv >= c1), one, zero)
            return (a3, a2, a1)

        a3, a2, a1 = lax.fori_loop(0, tie_trips, body, (zvec, zvec, zvec))
        n3 = _lane_total(a3, rot_idx)
        n2 = _lane_total(a2, rot_idx)
        n1 = _lane_total(a1, rot_idx)
        take3 = n3 >= req
        take2 = jnp.logical_and(~take3, n2 >= req)
        take1 = jnp.logical_and(~(take3 | take2), n1 >= req)
        return jnp.where(take3, c3,
                         jnp.where(take2, c2, jnp.where(take1, c1, vpfx)))

    vstar = lax.fori_loop(0, 8, idx_step, jnp.int32(0))
    istar = jnp.where(tie, jnp.int32(n - 1) - vstar, jnp.int32(n - 1))

    return thr_s, istar


def _sc_thresholds(x):
    B, N = x.shape
    rows_per_w = B // _NW
    mesh = plsc.VectorSubcoreMesh(core_axis_name="c", subcore_axis_name="s")

    @functools.partial(
        pl.kernel,
        mesh=mesh,
        out_type=jax.ShapeDtypeStruct((_NW, _LANES), jnp.int32),
        scratch_types=[
            pltpu.VMEM((N,), jnp.float32),
            pltpu.VMEM((_CAP * _LANES + 4 * _LANES,), jnp.int32),
            pltpu.VMEM((_LANES,), jnp.int32),
        ],
    )
    def run(x_hbm, out_hbm, rowbuf, candbuf, outbuf):
        wid = lax.axis_index("s") * _info.num_cores + lax.axis_index("c")
        lane = lax.iota(jnp.int32, _LANES)
        rot_idx = [(lane + sh) & (_LANES - 1) for sh in (8, 4, 2, 1)]

        def row_body(rr, acc):
            row = wid * rows_per_w + rr
            pltpu.sync_copy(x_hbm.at[row], rowbuf)
            th, ist = _row_threshold(rowbuf, candbuf, N, rot_idx)
            acc = jnp.where(lane == rr, th, acc)
            return jnp.where(lane == rr + rows_per_w, ist, acc)

        acc = lax.fori_loop(0, rows_per_w, row_body,
                            jnp.zeros((_LANES,), jnp.int32))
        outbuf[...] = acc
        pltpu.sync_copy(outbuf, out_hbm.at[wid])

    return run(x)


def _tc_body(x_ref, t_ref, i_ref, o_ref):
    xv = x_ref[...]
    i = lax.bitcast_convert_type(xv, jnp.int32)
    key = i ^ (lax.shift_right_arithmetic(i, 31) & jnp.int32(0x7FFFFFFF))
    col = lax.broadcasted_iota(jnp.int32, xv.shape, 1)
    keep = jnp.logical_or(
        key > t_ref[...],
        jnp.logical_and(key == t_ref[...], col <= i_ref[...]))
    o_ref[...] = jnp.where(keep, jnp.maximum(xv, 0.0), 0.0)


def kernel(x):
    B, N = x.shape
    rows_per_w = B // _NW
    th2d = _sc_thresholds(x)
    thresh = th2d[:, :rows_per_w].reshape(B, 1)
    icut = th2d[:, rows_per_w:2 * rows_per_w].reshape(B, 1)
    block_b = 8
    return pl.pallas_call(
        _tc_body,
        grid=(B // block_b,),
        in_specs=[pl.BlockSpec((block_b, N), lambda b: (b, 0)),
                  pl.BlockSpec((block_b, 1), lambda b: (b, 0)),
                  pl.BlockSpec((block_b, 1), lambda b: (b, 0))],
        out_specs=pl.BlockSpec((block_b, N), lambda b: (b, 0)),
        out_shape=jax.ShapeDtypeStruct((B, N), x.dtype),
    )(x, thresh, icut)

# --- scband reference (transcript-rebuilt; emitter-appended) ---
"""Pipeline reference for scband-top-kactivation-50706383896773 (READ-ONLY COPY).

The authoritative reference and input builder live on the scoring server;
editing this copy changes nothing except your own understanding.
"""

import jax, jax.numpy as jnp
import numpy as np

K = 64

def setup_inputs(seed: int = 0) -> dict:
    key = jax.random.key(seed)
    x = jax.random.normal(key, (128, 32768), dtype=jnp.float32)
    return {"x": x}

def reference(x):
    # TopK sparse activation: keep k largest per row, relu them, zero the rest.
    topk_vals, topk_idx = jax.lax.top_k(x, K)  # [B, K]
    B = x.shape[0]
    rows = jnp.arange(B)[:, None]  # [B, 1]
    z = jnp.zeros_like(x)
    z = z.at[rows, topk_idx].set(jax.nn.relu(topk_vals))
    return z

if __name__ == "__main__":
    import jax
    _d = setup_inputs()
    print(jax.jit(kernel)(*tuple(_d.values())))

</pallas_src>

<mosaic_0001>
#map = affine_map<(d0, d1) -> (0, 0)>
module attributes {stable_mosaic.version = 14 : i64} {
  func.func @run(%arg0: i32, %arg1: i32, %arg2: memref<128x32768xf32, #tpu.memory_space<hbm>>, %arg3: memref<32x16xi32, #tpu.memory_space<hbm>>, %arg4: memref<32768xf32, #tpu.memory_space<vmem>>, %arg5: memref<16448xi32, #tpu.memory_space<vmem>>, %arg6: memref<16xi32, #tpu.memory_space<vmem>>) attributes {dimension_semantics = [#tpu.dimension_semantics<core_parallel>, #tpu.dimension_semantics<subcore_parallel>], iteration_bounds = array<i64: 2, 16>, scalar_prefetch = 0 : i64, scratch_operands = 3 : i64, tpu.core_type = #tpu.core_type<sc_vector_subcore>, window_params = [{transform_indices = #map}, {transform_indices = #map}]} {
    %mul3A = arith.constant 2 : i32
    %mul3A_0 = arith.muli %arg1, %mul3A : i32
    %add3A = arith.addi %mul3A_0, %arg0 : i32
    %iota3A = tpu.iota {dimensions = array<i32: 0>} : vector<16xi32>
    %add3A_1 = arith.constant 8 : i32
    %add3A_2 = vector.broadcast %add3A_1 : i32 to vector<16xi32>
    %add3A_3 = arith.addi %iota3A, %add3A_2 : vector<16xi32>
    %and3A = arith.constant 15 : i32
    %and3A_4 = vector.broadcast %and3A : i32 to vector<16xi32>
    %and3A_5 = arith.andi %add3A_3, %and3A_4 : vector<16xi32>
    %add3A_6 = arith.constant 4 : i32
    %add3A_7 = vector.broadcast %add3A_6 : i32 to vector<16xi32>
    %add3A_8 = arith.addi %iota3A, %add3A_7 : vector<16xi32>
    %and3A_9 = arith.constant 15 : i32
    %and3A_10 = vector.broadcast %and3A_9 : i32 to vector<16xi32>
    %and3A_11 = arith.andi %add3A_8, %and3A_10 : vector<16xi32>
    %add3A_12 = arith.constant 2 : i32
    %add3A_13 = vector.broadcast %add3A_12 : i32 to vector<16xi32>
    %add3A_14 = arith.addi %iota3A, %add3A_13 : vector<16xi32>
    %and3A_15 = arith.constant 15 : i32
    %and3A_16 = vector.broadcast %and3A_15 : i32 to vector<16xi32>
    %and3A_17 = arith.andi %add3A_14, %and3A_16 : vector<16xi32>
    %add3A_18 = arith.constant 1 : i32
    %add3A_19 = vector.broadcast %add3A_18 : i32 to vector<16xi32>
    %add3A_20 = arith.addi %iota3A, %add3A_19 : vector<16xi32>
    %and3A_21 = arith.constant 15 : i32
    %and3A_22 = vector.broadcast %and3A_21 : i32 to vector<16xi32>
    %and3A_23 = arith.andi %add3A_20, %and3A_22 : vector<16xi32>
    %broadcast_in_dim3A = arith.constant 0 : i32
    %broadcast_in_dim3A_24 = vector.broadcast %broadcast_in_dim3A : i32 to vector<16xi32>
    %scan3A = arith.constant 0 : i32
    %scan3A_25 = arith.constant 4 : i32
    %scan3A_26 = arith.addi %scan3A, %scan3A_25 : i32
    %scan3A_27 = arith.constant 1 : i32
    %scan3A_28 = scf.for %scan3A_33 = %scan3A to %scan3A_26 step %scan3A_27 iter_args(%scan3A_34 = %broadcast_in_dim3A_24) -> (vector<16xi32>)  : i32 {
      %mul3A_35 = arith.constant 4 : i32
      %mul3A_36 = arith.muli %add3A, %mul3A_35 : i32
      %add3A_37 = arith.addi %mul3A_36, %scan3A_33 : i32
      "tpu.region"() ({
        %run_scoped3A = tpu.sem_alloc : memref<!tpu.dma_semaphore, #tpu.memory_space<semaphore_mem>>
        %dma_start3A = arith.constant 0 : i32
        %dma_start3A_251 = tpu.memref_slice %arg2[%add3A_37, %dma_start3A] : memref<128x32768xf32, #tpu.memory_space<hbm>> -> memref<1x32768xf32, #tpu.memory_space<hbm>>
        %dma_start3A_252 = tpu.memref_squeeze %dma_start3A_251 : memref<1x32768xf32, #tpu.memory_space<hbm>> -> memref<32768xf32, #tpu.memory_space<hbm>>
        %dma_start3A_253 = arith.constant 0 : i32
        %dma_start3A_254 = tpu.memref_slice %arg2[%add3A_37, %dma_start3A_253] : memref<128x32768xf32, #tpu.memory_space<hbm>> -> memref<1x32768xf32, #tpu.memory_space<hbm>>
        %dma_start3A_255 = tpu.memref_squeeze %dma_start3A_254 : memref<1x32768xf32, #tpu.memory_space<hbm>> -> memref<32768xf32, #tpu.memory_space<hbm>>
        tpu.enqueue_dma source(%dma_start3A_255 : memref<32768xf32, #tpu.memory_space<hbm>>) target(%arg4 : memref<32768xf32, #tpu.memory_space<vmem>>) target_semaphore(%run_scoped3A : memref<!tpu.dma_semaphore, #tpu.memory_space<semaphore_mem>>)
        %dma_wait3A = arith.constant 0 : i32
        %dma_wait3A_256 = tpu.memref_slice %arg2[%add3A_37, %dma_wait3A] : memref<128x32768xf32, #tpu.memory_space<hbm>> -> memref<1x32768xf32, #tpu.memory_space<hbm>>
        %dma_wait3A_257 = tpu.memref_squeeze %dma_wait3A_256 : memref<1x32768xf32, #tpu.memory_space<hbm>> -> memref<32768xf32, #tpu.memory_space<hbm>>
        %dma_wait3A_258 = arith.constant 0 : i32
        %dma_wait3A_259 = tpu.memref_slice %arg2[%add3A_37, %dma_wait3A_258] : memref<128x32768xf32, #tpu.memory_space<hbm>> -> memref<1x32768xf32, #tpu.memory_space<hbm>>
        %dma_wait3A_260 = tpu.memref_squeeze %dma_wait3A_259 : memref<1x32768xf32, #tpu.memory_space<hbm>> -> memref<32768xf32, #tpu.memory_space<hbm>>
        tpu.wait_dma2 semaphore(%run_scoped3A : memref<!tpu.dma_semaphore, #tpu.memory_space<semaphore_mem>>) src(%dma_wait3A_260 : memref<32768xf32, #tpu.memory_space<hbm>>) dst(%arg4 : memref<32768xf32, #tpu.memory_space<vmem>>)
        tpu.yield
      }) : () -> ()
      %broadcast_in_dim3A_38 = arith.constant 0 : i32
      %broadcast_in_dim3A_39 = vector.broadcast %broadcast_in_dim3A_38 : i32 to vector<16xi32>
      %scan3A_40 = arith.constant 1 : i32
      %scan3A_41 = arith.constant 0 : i32
      %scan3A_42 = arith.constant 0 : i32
      %scan3A_43 = arith.constant 512 : i32
      %scan3A_44 = arith.constant 0 : i32
      %scan3A_45 = arith.constant 16 : i32
      %scan3A_46 = arith.addi %scan3A_44, %scan3A_45 : i32
      %scan3A_47 = arith.constant 1 : i32
      %scan3A_48:2 = scf.for %scan3A_251 = %scan3A_44 to %scan3A_46 step %scan3A_47 iter_args(%scan3A_252 = %scan3A_42, %scan3A_253 = %scan3A_43) -> (i32, i32)  : i32 {
        %gt3A_254 = arith.constant 6 : i32
        %gt3A_255 = arith.cmpi sgt, %scan3A_253, %gt3A_254 : i32
        %jit3A_256 = arith.constant 32 : i32
        %jit3A_257 = arith.constant 0 : i32
        %select_n3A_258 = arith.select %gt3A_255, %jit3A_256, %jit3A_257 : i32
        %mul3A_259 = arith.constant 2 : i32
        %mul3A_260 = arith.muli %mul3A_259, %scan3A_251 : i32
        %sub3A_261 = arith.constant 31 : i32
        %sub3A_262 = arith.subi %sub3A_261, %mul3A_260 : i32
        %shift_left3A = arith.constant 1 : i32
        %shift_left3A_263 = arith.shli %shift_left3A, %sub3A_262 : i32
        %mul3A_264 = arith.constant 2 : i32
        %mul3A_265 = arith.muli %mul3A_264, %scan3A_251 : i32
        %sub3A_266 = arith.constant 30 : i32
        %sub3A_267 = arith.subi %sub3A_266, %mul3A_265 : i32
        %shift_left3A_268 = arith.constant 1 : i32
        %shift_left3A_269 = arith.shli %shift_left3A_268, %sub3A_267 : i32
        %or3A = arith.ori %scan3A_252, %shift_left3A_263 : i32
        %or3A_270 = arith.ori %or3A, %shift_left3A_269 : i32
        %or3A_271 = arith.ori %scan3A_252, %shift_left3A_263 : i32
        %or3A_272 = arith.ori %scan3A_252, %shift_left3A_269 : i32
        %xor3A_273 = arith.constant -2147483648 : i32
        %xor3A_274 = arith.xori %or3A_270, %xor3A_273 : i32
        %xor3A_275 = arith.constant -2147483648 : i32
        %xor3A_276 = arith.xori %or3A_271, %xor3A_275 : i32
        %xor3A_277 = arith.constant -2147483648 : i32
        %xor3A_278 = arith.xori %or3A_272, %xor3A_277 : i32
        %while3A_279 = arith.constant 0 : i32
        %while3A_280 = arith.subi %select_n3A_258, %while3A_279 : i32
        %while3A_281 = arith.addi %while3A_279, %while3A_280 : i32
        %while3A_282 = arith.constant 1 : i32
        %while3A_283 = arith.divsi %while3A_280, %while3A_282 : i32
        %while3A_284 = arith.muli %while3A_283, %while3A_282 : i32
        %while3A_285 = arith.addi %while3A_279, %while3A_284 : i32
        %while3A_286 = arith.constant 1 : i32
        %while3A_287:3 = scf.for %while3A_447 = %while3A_279 to %while3A_285 step %while3A_286 iter_args(%while3A_448 = %broadcast_in_dim3A_39, %while3A_449 = %broadcast_in_dim3A_39, %while3A_450 = %broadcast_in_dim3A_39) -> (vector<16xi32>, vector<16xi32>, vector<16xi32>)  : i32 {
          %mul3A_451 = arith.constant 16 : i32
          %mul3A_452 = arith.muli %while3A_447, %mul3A_451 : i32
          %add3A_453 = arith.constant 0 : i32
          %add3A_454 = arith.addi %mul3A_452, %add3A_453 : i32
          %jit3A_455 = arith.constant 16 : i32
          %div3A_456 = arith.divsi %add3A_454, %jit3A_455 : i32
          %sign3A_457 = arith.constant 0 : i32
          %sign3A_458 = arith.cmpi sgt, %add3A_454, %sign3A_457 : i32
          %sign3A_459 = arith.extui %sign3A_458 : i1 to i32
          %sign3A_460 = arith.constant 0 : i32
          %sign3A_461 = arith.cmpi slt, %add3A_454, %sign3A_460 : i32
          %sign3A_462 = arith.extui %sign3A_461 : i1 to i32
          %sign3A_463 = arith.subi %sign3A_459, %sign3A_462 : i32
          %sign3A_464 = arith.constant 0 : i32
          %sign3A_465 = arith.cmpi sgt, %jit3A_455, %sign3A_464 : i32
          %sign3A_466 = arith.extui %sign3A_465 : i1 to i32
          %sign3A_467 = arith.constant 0 : i32
          %sign3A_468 = arith.cmpi slt, %jit3A_455, %sign3A_467 : i32
          %sign3A_469 = arith.extui %sign3A_468 : i1 to i32
          %sign3A_470 = arith.subi %sign3A_466, %sign3A_469 : i32
          %ne3A_471 = arith.cmpi ne, %sign3A_463, %sign3A_470 : i32
          %rem3A_472 = arith.remsi %add3A_454, %jit3A_455 : i32
          %ne3A_473 = arith.constant 0 : i32
          %ne3A_474 = arith.cmpi ne, %rem3A_472, %ne3A_473 : i32
          %and3A_475 = arith.andi %ne3A_471, %ne3A_474 : i1
          %sub3A_476 = arith.constant 1 : i32
          %sub3A_477 = arith.subi %div3A_456, %sub3A_476 : i32
          %select_n3A_478 = arith.select %and3A_475, %sub3A_477, %div3A_456 : i32
          %mul3A_479 = arith.constant 1024 : i32
          %mul3A_480 = arith.muli %select_n3A_478, %mul3A_479 : i32
          %get3A = arith.index_cast %mul3A_480 : i32 to index
          %get3A_481 = tpu.vector_load %arg4[%get3A] {strides = array<i32>} : memref<32768xf32, #tpu.memory_space<vmem>>, vector<16xf32>,
          %get3A_482 = vector.shape_cast %get3A_481 : vector<16xf32> to vector<16xf32>
          %bitcast_convert_type3A = tpu.bitcast %get3A_482 : vector<16xf32> -> vector<16xi32>
          %shift_right_arithmetic3A = arith.constant 31 : i32
          %shift_right_arithmetic3A_483 = vector.broadcast %shift_right_arithmetic3A : i32 to vector<16xi32>
          %shift_right_arithmetic3A_484 = arith.shrsi %bitcast_convert_type3A, %shift_right_arithmetic3A_483 : vector<16xi32>
          %and3A_485 = arith.constant 2147483647 : i32
          %and3A_486 = vector.broadcast %and3A_485 : i32 to vector<16xi32>
          %and3A_487 = arith.andi %shift_right_arithmetic3A_484, %and3A_486 : vector<16xi32>
          %xor3A_488 = arith.xori %bitcast_convert_type3A, %and3A_487 : vector<16xi32>
          %ge3A_489 = vector.broadcast %xor3A_274 : i32 to vector<16xi32>
          %ge3A_490 = arith.cmpi sge, %xor3A_488, %ge3A_489 : vector<16xi32>
          %broadcast_in_dim3A_491 = vector.broadcast %scan3A_40 : i32 to vector<16xi32>
          %broadcast_in_dim3A_492 = vector.broadcast %scan3A_41 : i32 to vector<16xi32>
          %select_n3A_493 = arith.select %ge3A_490, %broadcast_in_dim3A_491, %broadcast_in_dim3A_492 : vector<16xi1>, vector<16xi32>
          %add3A_494 = arith.addi %while3A_448, %select_n3A_493 : vector<16xi32>
          %ge3A_495 = vector.broadcast %xor3A_276 : i32 to vector<16xi32>
          %ge3A_496 = arith.cmpi sge, %xor3A_488, %ge3A_495 : vector<16xi32>
          %broadcast_in_dim3A_497 = vector.broadcast %scan3A_40 : i32 to vector<16xi32>
          %broadcast_in_dim3A_498 = vector.broadcast %scan3A_41 : i32 to vector<16xi32>
          %select_n3A_499 = arith.select %ge3A_496, %broadcast_in_dim3A_497, %broadcast_in_dim3A_498 : vector<16xi1>, vector<16xi32>
          %add3A_500 = arith.addi %while3A_449, %select_n3A_499 : vector<16xi32>
          %ge3A_501 = vector.broadcast %xor3A_278 : i32 to vector<16xi32>
          %ge3A_502 = arith.cmpi sge, %xor3A_488, %ge3A_501 : vector<16xi32>
          %broadcast_in_dim3A_503 = vector.broadcast %scan3A_40 : i32 to vector<16xi32>
          %broadcast_in_dim3A_504 = vector.broadcast %scan3A_41 : i32 to vector<16xi32>
          %select_n3A_505 = arith.select %ge3A_502, %broadcast_in_dim3A_503, %broadcast_in_dim3A_504 : vector<16xi1>, vector<16xi32>
          %add3A_506 = arith.addi %while3A_450, %select_n3A_505 : vector<16xi32>
          scf.yield %add3A_494, %add3A_500, %add3A_506 : vector<16xi32>, vector<16xi32>, vector<16xi32>
        }
        %while3A_288 = arith.constant 1 : i32
        %while3A_289:3 = scf.for %while3A_447 = %while3A_285 to %while3A_281 step %while3A_288 iter_args(%while3A_448 = %while3A_287#0, %while3A_449 = %while3A_287#1, %while3A_450 = %while3A_287#2) -> (vector<16xi32>, vector<16xi32>, vector<16xi32>)  : i32 {
          %mul3A_451 = arith.constant 16 : i32
          %mul3A_452 = arith.muli %while3A_447, %mul3A_451 : i32
          %add3A_453 = arith.constant 0 : i32
          %add3A_454 = arith.addi %mul3A_452, %add3A_453 : i32
          %jit3A_455 = arith.constant 16 : i32
          %div3A_456 = arith.divsi %add3A_454, %jit3A_455 : i32
          %sign3A_457 = arith.constant 0 : i32
          %sign3A_458 = arith.cmpi sgt, %add3A_454, %sign3A_457 : i32
          %sign3A_459 = arith.extui %sign3A_458 : i1 to i32
          %sign3A_460 = arith.constant 0 : i32
          %sign3A_461 = arith.cmpi slt, %add3A_454, %sign3A_460 : i32
          %sign3A_462 = arith.extui %sign3A_461 : i1 to i32
          %sign3A_463 = arith.subi %sign3A_459, %sign3A_462 : i32
          %sign3A_464 = arith.constant 0 : i32
          %sign3A_465 = arith.cmpi sgt, %jit3A_455, %sign3A_464 : i32
          %sign3A_466 = arith.extui %sign3A_465 : i1 to i32
          %sign3A_467 = arith.constant 0 : i32
          %sign3A_468 = arith.cmpi slt, %jit3A_455, %sign3A_467 : i32
          %sign3A_469 = arith.extui %sign3A_468 : i1 to i32
          %sign3A_470 = arith.subi %sign3A_466, %sign3A_469 : i32
          %ne3A_471 = arith.cmpi ne, %sign3A_463, %sign3A_470 : i32
          %rem3A_472 = arith.remsi %add3A_454, %jit3A_455 : i32
          %ne3A_473 = arith.constant 0 : i32
          %ne3A_474 = arith.cmpi ne, %rem3A_472, %ne3A_473 : i32
          %and3A_475 = arith.andi %ne3A_471, %ne3A_474 : i1
          %sub3A_476 = arith.constant 1 : i32
          %sub3A_477 = arith.subi %div3A_456, %sub3A_476 : i32
          %select_n3A_478 = arith.select %and3A_475, %sub3A_477, %div3A_456 : i32
          %mul3A_479 = arith.constant 1024 : i32
          %mul3A_480 = arith.muli %select_n3A_478, %mul3A_479 : i32
          %get3A = arith.index_cast %mul3A_480 : i32 to index
          %get3A_481 = tpu.vector_load %arg4[%get3A] {strides = array<i32>} : memref<32768xf32, #tpu.memory_space<vmem>>, vector<16xf32>,
          %get3A_482 = vector.shape_cast %get3A_481 : vector<16xf32> to vector<16xf32>
          %bitcast_convert_type3A = tpu.bitcast %get3A_482 : vector<16xf32> -> vector<16xi32>
          %shift_right_arithmetic3A = arith.constant 31 : i32
          %shift_right_arithmetic3A_483 = vector.broadcast %shift_right_arithmetic3A : i32 to vector<16xi32>
          %shift_right_arithmetic3A_484 = arith.shrsi %bitcast_convert_type3A, %shift_right_arithmetic3A_483 : vector<16xi32>
          %and3A_485 = arith.constant 2147483647 : i32
          %and3A_486 = vector.broadcast %and3A_485 : i32 to vector<16xi32>
          %and3A_487 = arith.andi %shift_right_arithmetic3A_484, %and3A_486 : vector<16xi32>
          %xor3A_488 = arith.xori %bitcast_convert_type3A, %and3A_487 : vector<16xi32>
          %ge3A_489 = vector.broadcast %xor3A_274 : i32 to vector<16xi32>
          %ge3A_490 = arith.cmpi sge, %xor3A_488, %ge3A_489 : vector<16xi32>
          %broadcast_in_dim3A_491 = vector.broadcast %scan3A_40 : i32 to vector<16xi32>
          %broadcast_in_dim3A_492 = vector.broadcast %scan3A_41 : i32 to vector<16xi32>
          %select_n3A_493 = arith.select %ge3A_490, %broadcast_in_dim3A_491, %broadcast_in_dim3A_492 : vector<16xi1>, vector<16xi32>
          %add3A_494 = arith.addi %while3A_448, %select_n3A_493 : vector<16xi32>
          %ge3A_495 = vector.broadcast %xor3A_276 : i32 to vector<16xi32>
          %ge3A_496 = arith.cmpi sge, %xor3A_488, %ge3A_495 : vector<16xi32>
          %broadcast_in_dim3A_497 = vector.broadcast %scan3A_40 : i32 to vector<16xi32>
          %broadcast_in_dim3A_498 = vector.broadcast %scan3A_41 : i32 to vector<16xi32>
          %select_n3A_499 = arith.select %ge3A_496, %broadcast_in_dim3A_497, %broadcast_in_dim3A_498 : vector<16xi1>, vector<16xi32>
          %add3A_500 = arith.addi %while3A_449, %select_n3A_499 : vector<16xi32>
          %ge3A_501 = vector.broadcast %xor3A_278 : i32 to vector<16xi32>
          %ge3A_502 = arith.cmpi sge, %xor3A_488, %ge3A_501 : vector<16xi32>
          %broadcast_in_dim3A_503 = vector.broadcast %scan3A_40 : i32 to vector<16xi32>
          %broadcast_in_dim3A_504 = vector.broadcast %scan3A_41 : i32 to vector<16xi32>
          %select_n3A_505 = arith.select %ge3A_502, %broadcast_in_dim3A_503, %broadcast_in_dim3A_504 : vector<16xi1>, vector<16xi32>
          %add3A_506 = arith.addi %while3A_450, %select_n3A_505 : vector<16xi32>
          scf.yield %add3A_494, %add3A_500, %add3A_506 : vector<16xi32>, vector<16xi32>, vector<16xi32>
        }
        %lt3A_290 = arith.constant 0 : i32
        %lt3A_291 = vector.broadcast %lt3A_290 : i32 to vector<16xi32>
        %lt3A_292 = arith.cmpi slt, %and3A_5, %lt3A_291 : vector<16xi32>
        %add3A_293 = arith.constant 16 : i32
        %add3A_294 = vector.broadcast %add3A_293 : i32 to vector<16xi32>
        %add3A_295 = arith.addi %and3A_5, %add3A_294 : vector<16xi32>
        %select_n3A_296 = arith.select %lt3A_292, %add3A_295, %and3A_5 : vector<16xi1>, vector<16xi32>
        %broadcast_in_dim3A_297 = vector.shape_cast %select_n3A_296 : vector<16xi32> to vector<16x1xi32>
        %gather3A_298 = vector.shape_cast %broadcast_in_dim3A_297 : vector<16x1xi32> to vector<16xi32>
        %gather3A_299 = tpu.dynamic_gather %while3A_289#0[%gather3A_298] in [0] : vector<16xi32>, vector<16xi32> -> vector<16xi32>
        %add3A_300 = arith.addi %while3A_289#0, %gather3A_299 : vector<16xi32>
        %lt3A_301 = arith.constant 0 : i32
        %lt3A_302 = vector.broadcast %lt3A_301 : i32 to vector<16xi32>
        %lt3A_303 = arith.cmpi slt, %and3A_11, %lt3A_302 : vector<16xi32>
        %add3A_304 = arith.constant 16 : i32
        %add3A_305 = vector.broadcast %add3A_304 : i32 to vector<16xi32>
        %add3A_306 = arith.addi %and3A_11, %add3A_305 : vector<16xi32>
        %select_n3A_307 = arith.select %lt3A_303, %add3A_306, %and3A_11 : vector<16xi1>, vector<16xi32>
        %broadcast_in_dim3A_308 = vector.shape_cast %select_n3A_307 : vector<16xi32> to vector<16x1xi32>
        %gather3A_309 = vector.shape_cast %broadcast_in_dim3A_308 : vector<16x1xi32> to vector<16xi32>
        %gather3A_310 = tpu.dynamic_gather %add3A_300[%gather3A_309] in [0] : vector<16xi32>, vector<16xi32> -> vector<16xi32>
        %add3A_311 = arith.addi %add3A_300, %gather3A_310 : vector<16xi32>
        %lt3A_312 = arith.constant 0 : i32
        %lt3A_313 = vector.broadcast %lt3A_312 : i32 to vector<16xi32>
        %lt3A_314 = arith.cmpi slt, %and3A_17, %lt3A_313 : vector<16xi32>
        %add3A_315 = arith.constant 16 : i32
        %add3A_316 = vector.broadcast %add3A_315 : i32 to vector<16xi32>
        %add3A_317 = arith.addi %and3A_17, %add3A_316 : vector<16xi32>
        %select_n3A_318 = arith.select %lt3A_314, %add3A_317, %and3A_17 : vector<16xi1>, vector<16xi32>
        %broadcast_in_dim3A_319 = vector.shape_cast %select_n3A_318 : vector<16xi32> to vector<16x1xi32>
        %gather3A_320 = vector.shape_cast %broadcast_in_dim3A_319 : vector<16x1xi32> to vector<16xi32>
        %gather3A_321 = tpu.dynamic_gather %add3A_311[%gather3A_320] in [0] : vector<16xi32>, vector<16xi32> -> vector<16xi32>
        %add3A_322 = arith.addi %add3A_311, %gather3A_321 : vector<16xi32>
        %lt3A_323 = arith.constant 0 : i32
        %lt3A_324 = vector.broadcast %lt3A_323 : i32 to vector<16xi32>
        %lt3A_325 = arith.cmpi slt, %and3A_23, %lt3A_324 : vector<16xi32>
        %add3A_326 = arith.constant 16 : i32
        %add3A_327 = vector.broadcast %add3A_326 : i32 to vector<16xi32>
        %add3A_328 = arith.addi %and3A_23, %add3A_327 : vector<16xi32>
        %select_n3A_329 = arith.select %lt3A_325, %add3A_328, %and3A_23 : vector<16xi1>, vector<16xi32>
        %broadcast_in_dim3A_330 = vector.shape_cast %select_n3A_329 : vector<16xi32> to vector<16x1xi32>
        %gather3A_331 = vector.shape_cast %broadcast_in_dim3A_330 : vector<16x1xi32> to vector<16xi32>
        %gather3A_332 = tpu.dynamic_gather %add3A_322[%gather3A_331] in [0] : vector<16xi32>, vector<16xi32> -> vector<16xi32>
        %add3A_333 = arith.addi %add3A_322, %gather3A_332 : vector<16xi32>
        %slice3A_334 = vector.extract_strided_slice %add3A_333 {offsets = [0], sizes = [1], strides = [1]} : vector<16xi32> to vector<1xi32>
        %squeeze3A_335 = vector.extract %slice3A_334[0] : i32 from vector<1xi32>
        %lt3A_336 = arith.constant 0 : i32
        %lt3A_337 = vector.broadcast %lt3A_336 : i32 to vector<16xi32>
        %lt3A_338 = arith.cmpi slt, %and3A_5, %lt3A_337 : vector<16xi32>
        %add3A_339 = arith.constant 16 : i32
        %add3A_340 = vector.broadcast %add3A_339 : i32 to vector<16xi32>
        %add3A_341 = arith.addi %and3A_5, %add3A_340 : vector<16xi32>
        %select_n3A_342 = arith.select %lt3A_338, %add3A_341, %and3A_5 : vector<16xi1>, vector<16xi32>
        %broadcast_in_dim3A_343 = vector.shape_cast %select_n3A_342 : vector<16xi32> to vector<16x1xi32>
        %gather3A_344 = vector.shape_cast %broadcast_in_dim3A_343 : vector<16x1xi32> to vector<16xi32>
        %gather3A_345 = tpu.dynamic_gather %while3A_289#1[%gather3A_344] in [0] : vector<16xi32>, vector<16xi32> -> vector<16xi32>
        %add3A_346 = arith.addi %while3A_289#1, %gather3A_345 : vector<16xi32>
        %lt3A_347 = arith.constant 0 : i32
        %lt3A_348 = vector.broadcast %lt3A_347 : i32 to vector<16xi32>
        %lt3A_349 = arith.cmpi slt, %and3A_11, %lt3A_348 : vector<16xi32>
        %add3A_350 = arith.constant 16 : i32
        %add3A_351 = vector.broadcast %add3A_350 : i32 to vector<16xi32>
        %add3A_352 = arith.addi %and3A_11, %add3A_351 : vector<16xi32>
        %select_n3A_353 = arith.select %lt3A_349, %add3A_352, %and3A_11 : vector<16xi1>, vector<16xi32>
        %broadcast_in_dim3A_354 = vector.shape_cast %select_n3A_353 : vector<16xi32> to vector<16x1xi32>
        %gather3A_355 = vector.shape_cast %broadcast_in_dim3A_354 : vector<16x1xi32> to vector<16xi32>
        %gather3A_356 = tpu.dynamic_gather %add3A_346[%gather3A_355] in [0] : vector<16xi32>, vector<16xi32> -> vector<16xi32>
        %add3A_357 = arith.addi %add3A_346, %gather3A_356 : vector<16xi32>
        %lt3A_358 = arith.constant 0 : i32
        %lt3A_359 = vector.broadcast %lt3A_358 : i32 to vector<16xi32>
        %lt3A_360 = arith.cmpi slt, %and3A_17, %lt3A_359 : vector<16xi32>
        %add3A_361 = arith.constant 16 : i32
        %add3A_362 = vector.broadcast %add3A_361 : i32 to vector<16xi32>
        %add3A_363 = arith.addi %and3A_17, %add3A_362 : vector<16xi32>
        %select_n3A_364 = arith.select %lt3A_360, %add3A_363, %and3A_17 : vector<16xi1>, vector<16xi32>
        %broadcast_in_dim3A_365 = vector.shape_cast %select_n3A_364 : vector<16xi32> to vector<16x1xi32>
        %gather3A_366 = vector.shape_cast %broadcast_in_dim3A_365 : vector<16x1xi32> to vector<16xi32>
        %gather3A_367 = tpu.dynamic_gather %add3A_357[%gather3A_366] in [0] : vector<16xi32>, vector<16xi32> -> vector<16xi32>
        %add3A_368 = arith.addi %add3A_357, %gather3A_367 : vector<16xi32>
        %lt3A_369 = arith.constant 0 : i32
        %lt3A_370 = vector.broadcast %lt3A_369 : i32 to vector<16xi32>
        %lt3A_371 = arith.cmpi slt, %and3A_23, %lt3A_370 : vector<16xi32>
        %add3A_372 = arith.constant 16 : i32
        %add3A_373 = vector.broadcast %add3A_372 : i32 to vector<16xi32>
        %add3A_374 = arith.addi %and3A_23, %add3A_373 : vector<16xi32>
        %select_n3A_375 = arith.select %lt3A_371, %add3A_374, %and3A_23 : vector<16xi1>, vector<16xi32>
        %broadcast_in_dim3A_376 = vector.shape_cast %select_n3A_375 : vector<16xi32> to vector<16x1xi32>
        %gather3A_377 = vector.shape_cast %broadcast_in_dim3A_376 : vector<16x1xi32> to vector<16xi32>
        %gather3A_378 = tpu.dynamic_gather %add3A_368[%gather3A_377] in [0] : vector<16xi32>, vector<16xi32> -> vector<16xi32>
        %add3A_379 = arith.addi %add3A_368, %gather3A_378 : vector<16xi32>
        %slice3A_380 = vector.extract_strided_slice %add3A_379 {offsets = [0], sizes = [1], strides = [1]} : vector<16xi32> to vector<1xi32>
        %squeeze3A_381 = vector.extract %slice3A_380[0] : i32 from vector<1xi32>
        %lt3A_382 = arith.constant 0 : i32
        %lt3A_383 = vector.broadcast %lt3A_382 : i32 to vector<16xi32>
        %lt3A_384 = arith.cmpi slt, %and3A_5, %lt3A_383 : vector<16xi32>
        %add3A_385 = arith.constant 16 : i32
        %add3A_386 = vector.broadcast %add3A_385 : i32 to vector<16xi32>
        %add3A_387 = arith.addi %and3A_5, %add3A_386 : vector<16xi32>
        %select_n3A_388 = arith.select %lt3A_384, %add3A_387, %and3A_5 : vector<16xi1>, vector<16xi32>
        %broadcast_in_dim3A_389 = vector.shape_cast %select_n3A_388 : vector<16xi32> to vector<16x1xi32>
        %gather3A_390 = vector.shape_cast %broadcast_in_dim3A_389 : vector<16x1xi32> to vector<16xi32>
        %gather3A_391 = tpu.dynamic_gather %while3A_289#2[%gather3A_390] in [0] : vector<16xi32>, vector<16xi32> -> vector<16xi32>
        %add3A_392 = arith.addi %while3A_289#2, %gather3A_391 : vector<16xi32>
        %lt3A_393 = arith.constant 0 : i32
        %lt3A_394 = vector.broadcast %lt3A_393 : i32 to vector<16xi32>
        %lt3A_395 = arith.cmpi slt, %and3A_11, %lt3A_394 : vector<16xi32>
        %add3A_396 = arith.constant 16 : i32
        %add3A_397 = vector.broadcast %add3A_396 : i32 to vector<16xi32>
        %add3A_398 = arith.addi %and3A_11, %add3A_397 : vector<16xi32>
        %select_n3A_399 = arith.select %lt3A_395, %add3A_398, %and3A_11 : vector<16xi1>, vector<16xi32>
        %broadcast_in_dim3A_400 = vector.shape_cast %select_n3A_399 : vector<16xi32> to vector<16x1xi32>
        %gather3A_401 = vector.shape_cast %broadcast_in_dim3A_400 : vector<16x1xi32> to vector<16xi32>
        %gather3A_402 = tpu.dynamic_gather %add3A_392[%gather3A_401] in [0] : vector<16xi32>, vector<16xi32> -> vector<16xi32>
        %add3A_403 = arith.addi %add3A_392, %gather3A_402 : vector<16xi32>
        %lt3A_404 = arith.constant 0 : i32
        %lt3A_405 = vector.broadcast %lt3A_404 : i32 to vector<16xi32>
        %lt3A_406 = arith.cmpi slt, %and3A_17, %lt3A_405 : vector<16xi32>
        %add3A_407 = arith.constant 16 : i32
        %add3A_408 = vector.broadcast %add3A_407 : i32 to vector<16xi32>
        %add3A_409 = arith.addi %and3A_17, %add3A_408 : vector<16xi32>
        %select_n3A_410 = arith.select %lt3A_406, %add3A_409, %and3A_17 : vector<16xi1>, vector<16xi32>
        %broadcast_in_dim3A_411 = vector.shape_cast %select_n3A_410 : vector<16xi32> to vector<16x1xi32>
        %gather3A_412 = vector.shape_cast %broadcast_in_dim3A_411 : vector<16x1xi32> to vector<16xi32>
        %gather3A_413 = tpu.dynamic_gather %add3A_403[%gather3A_412] in [0] : vector<16xi32>, vector<16xi32> -> vector<16xi32>
        %add3A_414 = arith.addi %add3A_403, %gather3A_413 : vector<16xi32>
        %lt3A_415 = arith.constant 0 : i32
        %lt3A_416 = vector.broadcast %lt3A_415 : i32 to vector<16xi32>
        %lt3A_417 = arith.cmpi slt, %and3A_23, %lt3A_416 : vector<16xi32>
        %add3A_418 = arith.constant 16 : i32
        %add3A_419 = vector.broadcast %add3A_418 : i32 to vector<16xi32>
        %add3A_420 = arith.addi %and3A_23, %add3A_419 : vector<16xi32>
        %select_n3A_421 = arith.select %lt3A_417, %add3A_420, %and3A_23 : vector<16xi1>, vector<16xi32>
        %broadcast_in_dim3A_422 = vector.shape_cast %select_n3A_421 : vector<16xi32> to vector<16x1xi32>
        %gather3A_423 = vector.shape_cast %broadcast_in_dim3A_422 : vector<16x1xi32> to vector<16xi32>
        %gather3A_424 = tpu.dynamic_gather %add3A_414[%gather3A_423] in [0] : vector<16xi32>, vector<16xi32> -> vector<16xi32>
        %add3A_425 = arith.addi %add3A_414, %gather3A_424 : vector<16xi32>
        %slice3A_426 = vector.extract_strided_slice %add3A_425 {offsets = [0], sizes = [1], strides = [1]} : vector<16xi32> to vector<1xi32>
        %squeeze3A_427 = vector.extract %slice3A_426[0] : i32 from vector<1xi32>
        %ge3A_428 = arith.constant 6 : i32
        %ge3A_429 = arith.cmpi sge, %squeeze3A_335, %ge3A_428 : i32
        %not3A_430 = arith.constant true
        %not3A_431 = arith.xori %ge3A_429, %not3A_430 : i1
        %ge3A_432 = arith.constant 6 : i32
        %ge3A_433 = arith.cmpi sge, %squeeze3A_381, %ge3A_432 : i32
        %and3A_434 = arith.andi %not3A_431, %ge3A_433 : i1
        %or3A_435 = arith.ori %ge3A_429, %and3A_434 : i1
        %not3A_436 = arith.constant true
        %not3A_437 = arith.xori %or3A_435, %not3A_436 : i1
        %ge3A_438 = arith.constant 6 : i32
        %ge3A_439 = arith.cmpi sge, %squeeze3A_427, %ge3A_438 : i32
        %and3A_440 = arith.andi %not3A_437, %ge3A_439 : i1
        %select_n3A_441 = arith.select %and3A_440, %or3A_272, %scan3A_252 : i32
        %select_n3A_442 = arith.select %and3A_434, %or3A_271, %select_n3A_441 : i32
        %select_n3A_443 = arith.select %ge3A_429, %or3A_270, %select_n3A_442 : i32
        %select_n3A_444 = arith.select %and3A_440, %squeeze3A_427, %scan3A_253 : i32
        %select_n3A_445 = arith.select %and3A_434, %squeeze3A_381, %select_n3A_444 : i32
        %select_n3A_446 = arith.select %ge3A_429, %squeeze3A_335, %select_n3A_445 : i32
        scf.yield %select_n3A_443, %select_n3A_446 : i32, i32
      }
      %scan3A_49 = arith.constant 16 : i32
      %xor3A = arith.constant -2147483648 : i32
      %xor3A_50 = arith.xori %scan3A_48#0, %xor3A : i32
      %scan3A_51 = arith.constant 1 : i32
      %scan3A_52 = arith.constant 0 : i32
      %scan3A_53 = arith.constant 16384 : i32
      %scan3A_54 = arith.constant 0 : i32
      %scan3A_55 = arith.constant 0 : i32
      %scan3A_56 = arith.constant 0 : i32
      %scan3A_57 = arith.constant 512 : i32
      %scan3A_58 = arith.addi %scan3A_56, %scan3A_57 : i32
      %scan3A_59 = arith.constant 1 : i32
      %scan3A_60:2 = scf.for %scan3A_251 = %scan3A_56 to %scan3A_58 step %scan3A_59 iter_args(%scan3A_252 = %scan3A_54, %scan3A_253 = %scan3A_55) -> (i32, i32)  : i32 {
        %mul3A_254 = arith.constant 4 : i32
        %mul3A_255 = arith.muli %scan3A_251, %mul3A_254 : i32
        %add3A_256 = arith.constant 0 : i32
        %add3A_257 = arith.addi %mul3A_255, %add3A_256 : i32
        %mul3A_258 = arith.constant 16 : i32
        %mul3A_259 = arith.muli %add3A_257, %mul3A_258 : i32
        %get3A = arith.index_cast %mul3A_259 : i32 to index
        %get3A_260 = tpu.vector_load %arg4[%get3A] {strides = array<i32>} : memref<32768xf32, #tpu.memory_space<vmem>>, vector<16xf32>,
        %get3A_261 = vector.shape_cast %get3A_260 : vector<16xf32> to vector<16xf32>
        %bitcast_convert_type3A = tpu.bitcast %get3A_261 : vector<16xf32> -> vector<16xi32>
        %shift_right_arithmetic3A = arith.constant 31 : i32
        %shift_right_arithmetic3A_262 = vector.broadcast %shift_right_arithmetic3A : i32 to vector<16xi32>
        %shift_right_arithmetic3A_263 = arith.shrsi %bitcast_convert_type3A, %shift_right_arithmetic3A_262 : vector<16xi32>
        %and3A_264 = arith.constant 2147483647 : i32
        %and3A_265 = vector.broadcast %and3A_264 : i32 to vector<16xi32>
        %and3A_266 = arith.andi %shift_right_arithmetic3A_263, %and3A_265 : vector<16xi32>
        %xor3A_267 = arith.xori %bitcast_convert_type3A, %and3A_266 : vector<16xi32>
        %ge3A_268 = vector.broadcast %xor3A_50 : i32 to vector<16xi32>
        %ge3A_269 = arith.cmpi sge, %xor3A_267, %ge3A_268 : vector<16xi32>
        %jit3A_270 = arith.constant -2147483648 : i32
        %broadcast_in_dim3A_271 = vector.broadcast %jit3A_270 : i32 to vector<16xi32>
        %select_n3A_272 = arith.select %ge3A_269, %xor3A_267, %broadcast_in_dim3A_271 : vector<16xi1>, vector<16xi32>
        %broadcast_in_dim3A_273 = vector.broadcast %scan3A_51 : i32 to vector<16xi32>
        %broadcast_in_dim3A_274 = vector.broadcast %scan3A_52 : i32 to vector<16xi32>
        %select_n3A_275 = arith.select %ge3A_269, %broadcast_in_dim3A_273, %broadcast_in_dim3A_274 : vector<16xi1>, vector<16xi32>
        %lt3A_276 = arith.constant 0 : i32
        %lt3A_277 = vector.broadcast %lt3A_276 : i32 to vector<16xi32>
        %lt3A_278 = arith.cmpi slt, %and3A_5, %lt3A_277 : vector<16xi32>
        %add3A_279 = arith.constant 16 : i32
        %add3A_280 = vector.broadcast %add3A_279 : i32 to vector<16xi32>
        %add3A_281 = arith.addi %and3A_5, %add3A_280 : vector<16xi32>
        %select_n3A_282 = arith.select %lt3A_278, %add3A_281, %and3A_5 : vector<16xi1>, vector<16xi32>
        %broadcast_in_dim3A_283 = vector.shape_cast %select_n3A_282 : vector<16xi32> to vector<16x1xi32>
        %gather3A_284 = vector.shape_cast %broadcast_in_dim3A_283 : vector<16x1xi32> to vector<16xi32>
        %gather3A_285 = tpu.dynamic_gather %select_n3A_275[%gather3A_284] in [0] : vector<16xi32>, vector<16xi32> -> vector<16xi32>
        %add3A_286 = arith.addi %select_n3A_275, %gather3A_285 : vector<16xi32>
        %lt3A_287 = arith.constant 0 : i32
        %lt3A_288 = vector.broadcast %lt3A_287 : i32 to vector<16xi32>
        %lt3A_289 = arith.cmpi slt, %and3A_11, %lt3A_288 : vector<16xi32>
        %add3A_290 = arith.constant 16 : i32
        %add3A_291 = vector.broadcast %add3A_290 : i32 to vector<16xi32>
        %add3A_292 = arith.addi %and3A_11, %add3A_291 : vector<16xi32>
        %select_n3A_293 = arith.select %lt3A_289, %add3A_292, %and3A_11 : vector<16xi1>, vector<16xi32>
        %broadcast_in_dim3A_294 = vector.shape_cast %select_n3A_293 : vector<16xi32> to vector<16x1xi32>
        %gather3A_295 = vector.shape_cast %broadcast_in_dim3A_294 : vector<16x1xi32> to vector<16xi32>
        %gather3A_296 = tpu.dynamic_gather %add3A_286[%gather3A_295] in [0] : vector<16xi32>, vector<16xi32> -> vector<16xi32>
        %add3A_297 = arith.addi %add3A_286, %gather3A_296 : vector<16xi32>
        %lt3A_298 = arith.constant 0 : i32
        %lt3A_299 = vector.broadcast %lt3A_298 : i32 to vector<16xi32>
        %lt3A_300 = arith.cmpi slt, %and3A_17, %lt3A_299 : vector<16xi32>
        %add3A_301 = arith.constant 16 : i32
        %add3A_302 = vector.broadcast %add3A_301 : i32 to vector<16xi32>
        %add3A_303 = arith.addi %and3A_17, %add3A_302 : vector<16xi32>
        %select_n3A_304 = arith.select %lt3A_300, %add3A_303, %and3A_17 : vector<16xi1>, vector<16xi32>
        %broadcast_in_dim3A_305 = vector.shape_cast %select_n3A_304 : vector<16xi32> to vector<16x1xi32>
        %gather3A_306 = vector.shape_cast %broadcast_in_dim3A_305 : vector<16x1xi32> to vector<16xi32>
        %gather3A_307 = tpu.dynamic_gather %add3A_297[%gather3A_306] in [0] : vector<16xi32>, vector<16xi32> -> vector<16xi32>
        %add3A_308 = arith.addi %add3A_297, %gather3A_307 : vector<16xi32>
        %lt3A_309 = arith.constant 0 : i32
        %lt3A_310 = vector.broadcast %lt3A_309 : i32 to vector<16xi32>
        %lt3A_311 = arith.cmpi slt, %and3A_23, %lt3A_310 : vector<16xi32>
        %add3A_312 = arith.constant 16 : i32
        %add3A_313 = vector.broadcast %add3A_312 : i32 to vector<16xi32>
        %add3A_314 = arith.addi %and3A_23, %add3A_313 : vector<16xi32>
        %select_n3A_315 = arith.select %lt3A_311, %add3A_314, %and3A_23 : vector<16xi1>, vector<16xi32>
        %broadcast_in_dim3A_316 = vector.shape_cast %select_n3A_315 : vector<16xi32> to vector<16x1xi32>
        %gather3A_317 = vector.shape_cast %broadcast_in_dim3A_316 : vector<16x1xi32> to vector<16xi32>
        %gather3A_318 = tpu.dynamic_gather %add3A_308[%gather3A_317] in [0] : vector<16xi32>, vector<16xi32> -> vector<16xi32>
        %add3A_319 = arith.addi %add3A_308, %gather3A_318 : vector<16xi32>
        %slice3A_320 = vector.extract_strided_slice %add3A_319 {offsets = [0], sizes = [1], strides = [1]} : vector<16xi32> to vector<1xi32>
        %squeeze3A_321 = vector.extract %slice3A_320[0] : i32 from vector<1xi32>
        %mul3A_322 = arith.constant 4 : i32
        %mul3A_323 = arith.muli %scan3A_251, %mul3A_322 : i32
        %add3A_324 = arith.constant 1 : i32
        %add3A_325 = arith.addi %mul3A_323, %add3A_324 : i32
        %mul3A_326 = arith.constant 16 : i32
        %mul3A_327 = arith.muli %add3A_325, %mul3A_326 : i32
        %get3A_328 = arith.index_cast %mul3A_327 : i32 to index
        %get3A_329 = tpu.vector_load %arg4[%get3A_328] {strides = array<i32>} : memref<32768xf32, #tpu.memory_space<vmem>>, vector<16xf32>,
        %get3A_330 = vector.shape_cast %get3A_329 : vector<16xf32> to vector<16xf32>
        %bitcast_convert_type3A_331 = tpu.bitcast %get3A_330 : vector<16xf32> -> vector<16xi32>
        %shift_right_arithmetic3A_332 = arith.constant 31 : i32
        %shift_right_arithmetic3A_333 = vector.broadcast %shift_right_arithmetic3A_332 : i32 to vector<16xi32>
        %shift_right_arithmetic3A_334 = arith.shrsi %bitcast_convert_type3A_331, %shift_right_arithmetic3A_333 : vector<16xi32>
        %and3A_335 = arith.constant 2147483647 : i32
        %and3A_336 = vector.broadcast %and3A_335 : i32 to vector<16xi32>
        %and3A_337 = arith.andi %shift_right_arithmetic3A_334, %and3A_336 : vector<16xi32>
        %xor3A_338 = arith.xori %bitcast_convert_type3A_331, %and3A_337 : vector<16xi32>
        %ge3A_339 = vector.broadcast %xor3A_50 : i32 to vector<16xi32>
        %ge3A_340 = arith.cmpi sge, %xor3A_338, %ge3A_339 : vector<16xi32>
        %jit3A_341 = arith.constant -2147483648 : i32
        %broadcast_in_dim3A_342 = vector.broadcast %jit3A_341 : i32 to vector<16xi32>
        %select_n3A_343 = arith.select %ge3A_340, %xor3A_338, %broadcast_in_dim3A_342 : vector<16xi1>, vector<16xi32>
        %broadcast_in_dim3A_344 = vector.broadcast %scan3A_51 : i32 to vector<16xi32>
        %broadcast_in_dim3A_345 = vector.broadcast %scan3A_52 : i32 to vector<16xi32>
        %select_n3A_346 = arith.select %ge3A_340, %broadcast_in_dim3A_344, %broadcast_in_dim3A_345 : vector<16xi1>, vector<16xi32>
        %lt3A_347 = arith.constant 0 : i32
        %lt3A_348 = vector.broadcast %lt3A_347 : i32 to vector<16xi32>
        %lt3A_349 = arith.cmpi slt, %and3A_5, %lt3A_348 : vector<16xi32>
        %add3A_350 = arith.constant 16 : i32
        %add3A_351 = vector.broadcast %add3A_350 : i32 to vector<16xi32>
        %add3A_352 = arith.addi %and3A_5, %add3A_351 : vector<16xi32>
        %select_n3A_353 = arith.select %lt3A_349, %add3A_352, %and3A_5 : vector<16xi1>, vector<16xi32>
        %broadcast_in_dim3A_354 = vector.shape_cast %select_n3A_353 : vector<16xi32> to vector<16x1xi32>
        %gather3A_355 = vector.shape_cast %broadcast_in_dim3A_354 : vector<16x1xi32> to vector<16xi32>
        %gather3A_356 = tpu.dynamic_gather %select_n3A_346[%gather3A_355] in [0] : vector<16xi32>, vector<16xi32> -> vector<16xi32>
        %add3A_357 = arith.addi %select_n3A_346, %gather3A_356 : vector<16xi32>
        %lt3A_358 = arith.constant 0 : i32
        %lt3A_359 = vector.broadcast %lt3A_358 : i32 to vector<16xi32>
        %lt3A_360 = arith.cmpi slt, %and3A_11, %lt3A_359 : vector<16xi32>
        %add3A_361 = arith.constant 16 : i32
        %add3A_362 = vector.broadcast %add3A_361 : i32 to vector<16xi32>
        %add3A_363 = arith.addi %and3A_11, %add3A_362 : vector<16xi32>
        %select_n3A_364 = arith.select %lt3A_360, %add3A_363, %and3A_11 : vector<16xi1>, vector<16xi32>
        %broadcast_in_dim3A_365 = vector.shape_cast %select_n3A_364 : vector<16xi32> to vector<16x1xi32>
        %gather3A_366 = vector.shape_cast %broadcast_in_dim3A_365 : vector<16x1xi32> to vector<16xi32>
        %gather3A_367 = tpu.dynamic_gather %add3A_357[%gather3A_366] in [0] : vector<16xi32>, vector<16xi32> -> vector<16xi32>
        %add3A_368 = arith.addi %add3A_357, %gather3A_367 : vector<16xi32>
        %lt3A_369 = arith.constant 0 : i32
        %lt3A_370 = vector.broadcast %lt3A_369 : i32 to vector<16xi32>
        %lt3A_371 = arith.cmpi slt, %and3A_17, %lt3A_370 : vector<16xi32>
        %add3A_372 = arith.constant 16 : i32
        %add3A_373 = vector.broadcast %add3A_372 : i32 to vector<16xi32>
        %add3A_374 = arith.addi %and3A_17, %add3A_373 : vector<16xi32>
        %select_n3A_375 = arith.select %lt3A_371, %add3A_374, %and3A_17 : vector<16xi1>, vector<16xi32>
        %broadcast_in_dim3A_376 = vector.shape_cast %select_n3A_375 : vector<16xi32> to vector<16x1xi32>
        %gather3A_377 = vector.shape_cast %broadcast_in_dim3A_376 : vector<16x1xi32> to vector<16xi32>
        %gather3A_378 = tpu.dynamic_gather %add3A_368[%gather3A_377] in [0] : vector<16xi32>, vector<16xi32> -> vector<16xi32>
        %add3A_379 = arith.addi %add3A_368, %gather3A_378 : vector<16xi32>
        %lt3A_380 = arith.constant 0 : i32
        %lt3A_381 = vector.broadcast %lt3A_380 : i32 to vector<16xi32>
        %lt3A_382 = arith.cmpi slt, %and3A_23, %lt3A_381 : vector<16xi32>
        %add3A_383 = arith.constant 16 : i32
        %add3A_384 = vector.broadcast %add3A_383 : i32 to vector<16xi32>
        %add3A_385 = arith.addi %and3A_23, %add3A_384 : vector<16xi32>
        %select_n3A_386 = arith.select %lt3A_382, %add3A_385, %and3A_23 : vector<16xi1>, vector<16xi32>
        %broadcast_in_dim3A_387 = vector.shape_cast %select_n3A_386 : vector<16xi32> to vector<16x1xi32>
        %gather3A_388 = vector.shape_cast %broadcast_in_dim3A_387 : vector<16x1xi32> to vector<16xi32>
        %gather3A_389 = tpu.dynamic_gather %add3A_379[%gather3A_388] in [0] : vector<16xi32>, vector<16xi32> -> vector<16xi32>
        %add3A_390 = arith.addi %add3A_379, %gather3A_389 : vector<16xi32>
        %slice3A_391 = vector.extract_strided_slice %add3A_390 {offsets = [0], sizes = [1], strides = [1]} : vector<16xi32> to vector<1xi32>
        %squeeze3A_392 = vector.extract %slice3A_391[0] : i32 from vector<1xi32>
        %mul3A_393 = arith.constant 4 : i32
        %mul3A_394 = arith.muli %scan3A_251, %mul3A_393 : i32
        %add3A_395 = arith.constant 2 : i32
        %add3A_396 = arith.addi %mul3A_394, %add3A_395 : i32
        %mul3A_397 = arith.constant 16 : i32
        %mul3A_398 = arith.muli %add3A_396, %mul3A_397 : i32
        %get3A_399 = arith.index_cast %mul3A_398 : i32 to index
        %get3A_400 = tpu.vector_load %arg4[%get3A_399] {strides = array<i32>} : memref<32768xf32, #tpu.memory_space<vmem>>, vector<16xf32>,
        %get3A_401 = vector.shape_cast %get3A_400 : vector<16xf32> to vector<16xf32>
        %bitcast_convert_type3A_402 = tpu.bitcast %get3A_401 : vector<16xf32> -> vector<16xi32>
        %shift_right_arithmetic3A_403 = arith.constant 31 : i32
        %shift_right_arithmetic3A_404 = vector.broadcast %shift_right_arithmetic3A_403 : i32 to vector<16xi32>
        %shift_right_arithmetic3A_405 = arith.shrsi %bitcast_convert_type3A_402, %shift_right_arithmetic3A_404 : vector<16xi32>
        %and3A_406 = arith.constant 2147483647 : i32
        %and3A_407 = vector.broadcast %and3A_406 : i32 to vector<16xi32>
        %and3A_408 = arith.andi %shift_right_arithmetic3A_405, %and3A_407 : vector<16xi32>
        %xor3A_409 = arith.xori %bitcast_convert_type3A_402, %and3A_408 : vector<16xi32>
        %ge3A_410 = vector.broadcast %xor3A_50 : i32 to vector<16xi32>
        %ge3A_411 = arith.cmpi sge, %xor3A_409, %ge3A_410 : vector<16xi32>
        %jit3A_412 = arith.constant -2147483648 : i32
        %broadcast_in_dim3A_413 = vector.broadcast %jit3A_412 : i32 to vector<16xi32>
        %select_n3A_414 = arith.select %ge3A_411, %xor3A_409, %broadcast_in_dim3A_413 : vector<16xi1>, vector<16xi32>
        %broadcast_in_dim3A_415 = vector.broadcast %scan3A_51 : i32 to vector<16xi32>
        %broadcast_in_dim3A_416 = vector.broadcast %scan3A_52 : i32 to vector<16xi32>
        %select_n3A_417 = arith.select %ge3A_411, %broadcast_in_dim3A_415, %broadcast_in_dim3A_416 : vector<16xi1>, vector<16xi32>
        %lt3A_418 = arith.constant 0 : i32
        %lt3A_419 = vector.broadcast %lt3A_418 : i32 to vector<16xi32>
        %lt3A_420 = arith.cmpi slt, %and3A_5, %lt3A_419 : vector<16xi32>
        %add3A_421 = arith.constant 16 : i32
        %add3A_422 = vector.broadcast %add3A_421 : i32 to vector<16xi32>
        %add3A_423 = arith.addi %and3A_5, %add3A_422 : vector<16xi32>
        %select_n3A_424 = arith.select %lt3A_420, %add3A_423, %and3A_5 : vector<16xi1>, vector<16xi32>
        %broadcast_in_dim3A_425 = vector.shape_cast %select_n3A_424 : vector<16xi32> to vector<16x1xi32>
        %gather3A_426 = vector.shape_cast %broadcast_in_dim3A_425 : vector<16x1xi32> to vector<16xi32>
        %gather3A_427 = tpu.dynamic_gather %select_n3A_417[%gather3A_426] in [0] : vector<16xi32>, vector<16xi32> -> vector<16xi32>
        %add3A_428 = arith.addi %select_n3A_417, %gather3A_427 : vector<16xi32>
        %lt3A_429 = arith.constant 0 : i32
        %lt3A_430 = vector.broadcast %lt3A_429 : i32 to vector<16xi32>
        %lt3A_431 = arith.cmpi slt, %and3A_11, %lt3A_430 : vector<16xi32>
        %add3A_432 = arith.constant 16 : i32
        %add3A_433 = vector.broadcast %add3A_432 : i32 to vector<16xi32>
        %add3A_434 = arith.addi %and3A_11, %add3A_433 : vector<16xi32>
        %select_n3A_435 = arith.select %lt3A_431, %add3A_434, %and3A_11 : vector<16xi1>, vector<16xi32>
        %broadcast_in_dim3A_436 = vector.shape_cast %select_n3A_435 : vector<16xi32> to vector<16x1xi32>
        %gather3A_437 = vector.shape_cast %broadcast_in_dim3A_436 : vector<16x1xi32> to vector<16xi32>
        %gather3A_438 = tpu.dynamic_gather %add3A_428[%gather3A_437] in [0] : vector<16xi32>, vector<16xi32> -> vector<16xi32>
        %add3A_439 = arith.addi %add3A_428, %gather3A_438 : vector<16xi32>
        %lt3A_440 = arith.constant 0 : i32
        %lt3A_441 = vector.broadcast %lt3A_440 : i32 to vector<16xi32>
        %lt3A_442 = arith.cmpi slt, %and3A_17, %lt3A_441 : vector<16xi32>
        %add3A_443 = arith.constant 16 : i32
        %add3A_444 = vector.broadcast %add3A_443 : i32 to vector<16xi32>
        %add3A_445 = arith.addi %and3A_17, %add3A_444 : vector<16xi32>
        %select_n3A_446 = arith.select %lt3A_442, %add3A_445, %and3A_17 : vector<16xi1>, vector<16xi32>
        %broadcast_in_dim3A_447 = vector.shape_cast %select_n3A_446 : vector<16xi32> to vector<16x1xi32>
        %gather3A_448 = vector.shape_cast %broadcast_in_dim3A_447 : vector<16x1xi32> to vector<16xi32>
        %gather3A_449 = tpu.dynamic_gather %add3A_439[%gather3A_448] in [0] : vector<16xi32>, vector<16xi32> -> vector<16xi32>
        %add3A_450 = arith.addi %add3A_439, %gather3A_449 : vector<16xi32>
        %lt3A_451 = arith.constant 0 : i32
        %lt3A_452 = vector.broadcast %lt3A_451 : i32 to vector<16xi32>
        %lt3A_453 = arith.cmpi slt, %and3A_23, %lt3A_452 : vector<16xi32>
        %add3A_454 = arith.constant 16 : i32
        %add3A_455 = vector.broadcast %add3A_454 : i32 to vector<16xi32>
        %add3A_456 = arith.addi %and3A_23, %add3A_455 : vector<16xi32>
        %select_n3A_457 = arith.select %lt3A_453, %add3A_456, %and3A_23 : vector<16xi1>, vector<16xi32>
        %broadcast_in_dim3A_458 = vector.shape_cast %select_n3A_457 : vector<16xi32> to vector<16x1xi32>
        %gather3A_459 = vector.shape_cast %broadcast_in_dim3A_458 : vector<16x1xi32> to vector<16xi32>
        %gather3A_460 = tpu.dynamic_gather %add3A_450[%gather3A_459] in [0] : vector<16xi32>, vector<16xi32> -> vector<16xi32>
        %add3A_461 = arith.addi %add3A_450, %gather3A_460 : vector<16xi32>
        %slice3A_462 = vector.extract_strided_slice %add3A_461 {offsets = [0], sizes = [1], strides = [1]} : vector<16xi32> to vector<1xi32>
        %squeeze3A_463 = vector.extract %slice3A_462[0] : i32 from vector<1xi32>
        %mul3A_464 = arith.constant 4 : i32
        %mul3A_465 = arith.muli %scan3A_251, %mul3A_464 : i32
        %add3A_466 = arith.constant 3 : i32
        %add3A_467 = arith.addi %mul3A_465, %add3A_466 : i32
        %mul3A_468 = arith.constant 16 : i32
        %mul3A_469 = arith.muli %add3A_467, %mul3A_468 : i32
        %get3A_470 = arith.index_cast %mul3A_469 : i32 to index
        %get3A_471 = tpu.vector_load %arg4[%get3A_470] {strides = array<i32>} : memref<32768xf32, #tpu.memory_space<vmem>>, vector<16xf32>,
        %get3A_472 = vector.shape_cast %get3A_471 : vector<16xf32> to vector<16xf32>
        %bitcast_convert_type3A_473 = tpu.bitcast %get3A_472 : vector<16xf32> -> vector<16xi32>
        %shift_right_arithmetic3A_474 = arith.constant 31 : i32
        %shift_right_arithmetic3A_475 = vector.broadcast %shift_right_arithmetic3A_474 : i32 to vector<16xi32>
        %shift_right_arithmetic3A_476 = arith.shrsi %bitcast_convert_type3A_473, %shift_right_arithmetic3A_475 : vector<16xi32>
        %and3A_477 = arith.constant 2147483647 : i32
        %and3A_478 = vector.broadcast %and3A_477 : i32 to vector<16xi32>
        %and3A_479 = arith.andi %shift_right_arithmetic3A_476, %and3A_478 : vector<16xi32>
        %xor3A_480 = arith.xori %bitcast_convert_type3A_473, %and3A_479 : vector<16xi32>
        %ge3A_481 = vector.broadcast %xor3A_50 : i32 to vector<16xi32>
        %ge3A_482 = arith.cmpi sge, %xor3A_480, %ge3A_481 : vector<16xi32>
        %jit3A_483 = arith.constant -2147483648 : i32
        %broadcast_in_dim3A_484 = vector.broadcast %jit3A_483 : i32 to vector<16xi32>
        %select_n3A_485 = arith.select %ge3A_482, %xor3A_480, %broadcast_in_dim3A_484 : vector<16xi1>, vector<16xi32>
        %broadcast_in_dim3A_486 = vector.broadcast %scan3A_51 : i32 to vector<16xi32>
        %broadcast_in_dim3A_487 = vector.broadcast %scan3A_52 : i32 to vector<16xi32>
        %select_n3A_488 = arith.select %ge3A_482, %broadcast_in_dim3A_486, %broadcast_in_dim3A_487 : vector<16xi1>, vector<16xi32>
        %lt3A_489 = arith.constant 0 : i32
        %lt3A_490 = vector.broadcast %lt3A_489 : i32 to vector<16xi32>
        %lt3A_491 = arith.cmpi slt, %and3A_5, %lt3A_490 : vector<16xi32>
        %add3A_492 = arith.constant 16 : i32
        %add3A_493 = vector.broadcast %add3A_492 : i32 to vector<16xi32>
        %add3A_494 = arith.addi %and3A_5, %add3A_493 : vector<16xi32>
        %select_n3A_495 = arith.select %lt3A_491, %add3A_494, %and3A_5 : vector<16xi1>, vector<16xi32>
        %broadcast_in_dim3A_496 = vector.shape_cast %select_n3A_495 : vector<16xi32> to vector<16x1xi32>
        %gather3A_497 = vector.shape_cast %broadcast_in_dim3A_496 : vector<16x1xi32> to vector<16xi32>
        %gather3A_498 = tpu.dynamic_gather %select_n3A_488[%gather3A_497] in [0] : vector<16xi32>, vector<16xi32> -> vector<16xi32>
        %add3A_499 = arith.addi %select_n3A_488, %gather3A_498 : vector<16xi32>
        %lt3A_500 = arith.constant 0 : i32
        %lt3A_501 = vector.broadcast %lt3A_500 : i32 to vector<16xi32>
        %lt3A_502 = arith.cmpi slt, %and3A_11, %lt3A_501 : vector<16xi32>
        %add3A_503 = arith.constant 16 : i32
        %add3A_504 = vector.broadcast %add3A_503 : i32 to vector<16xi32>
        %add3A_505 = arith.addi %and3A_11, %add3A_504 : vector<16xi32>
        %select_n3A_506 = arith.select %lt3A_502, %add3A_505, %and3A_11 : vector<16xi1>, vector<16xi32>
        %broadcast_in_dim3A_507 = vector.shape_cast %select_n3A_506 : vector<16xi32> to vector<16x1xi32>
        %gather3A_508 = vector.shape_cast %broadcast_in_dim3A_507 : vector<16x1xi32> to vector<16xi32>
        %gather3A_509 = tpu.dynamic_gather %add3A_499[%gather3A_508] in [0] : vector<16xi32>, vector<16xi32> -> vector<16xi32>
        %add3A_510 = arith.addi %add3A_499, %gather3A_509 : vector<16xi32>
        %lt3A_511 = arith.constant 0 : i32
        %lt3A_512 = vector.broadcast %lt3A_511 : i32 to vector<16xi32>
        %lt3A_513 = arith.cmpi slt, %and3A_17, %lt3A_512 : vector<16xi32>
        %add3A_514 = arith.constant 16 : i32
        %add3A_515 = vector.broadcast %add3A_514 : i32 to vector<16xi32>
        %add3A_516 = arith.addi %and3A_17, %add3A_515 : vector<16xi32>
        %select_n3A_517 = arith.select %lt3A_513, %add3A_516, %and3A_17 : vector<16xi1>, vector<16xi32>
        %broadcast_in_dim3A_518 = vector.shape_cast %select_n3A_517 : vector<16xi32> to vector<16x1xi32>
        %gather3A_519 = vector.shape_cast %broadcast_in_dim3A_518 : vector<16x1xi32> to vector<16xi32>
        %gather3A_520 = tpu.dynamic_gather %add3A_510[%gather3A_519] in [0] : vector<16xi32>, vector<16xi32> -> vector<16xi32>
        %add3A_521 = arith.addi %add3A_510, %gather3A_520 : vector<16xi32>
        %lt3A_522 = arith.constant 0 : i32
        %lt3A_523 = vector.broadcast %lt3A_522 : i32 to vector<16xi32>
        %lt3A_524 = arith.cmpi slt, %and3A_23, %lt3A_523 : vector<16xi32>
        %add3A_525 = arith.constant 16 : i32
        %add3A_526 = vector.broadcast %add3A_525 : i32 to vector<16xi32>
        %add3A_527 = arith.addi %and3A_23, %add3A_526 : vector<16xi32>
        %select_n3A_528 = arith.select %lt3A_524, %add3A_527, %and3A_23 : vector<16xi1>, vector<16xi32>
        %broadcast_in_dim3A_529 = vector.shape_cast %select_n3A_528 : vector<16xi32> to vector<16x1xi32>
        %gather3A_530 = vector.shape_cast %broadcast_in_dim3A_529 : vector<16x1xi32> to vector<16xi32>
        %gather3A_531 = tpu.dynamic_gather %add3A_521[%gather3A_530] in [0] : vector<16xi32>, vector<16xi32> -> vector<16xi32>
        %add3A_532 = arith.addi %add3A_521, %gather3A_531 : vector<16xi32>
        %slice3A_533 = vector.extract_strided_slice %add3A_532 {offsets = [0], sizes = [1], strides = [1]} : vector<16xi32> to vector<1xi32>
        %squeeze3A_534 = vector.extract %slice3A_533[0] : i32 from vector<1xi32>
        %swap3A_535 = arith.index_cast %scan3A_252 : i32 to index
        %swap3A_536 = tpu.vector_load %arg5[%swap3A_535] {strides = array<i32>} : memref<16448xi32, #tpu.memory_space<vmem>>, vector<16xi32>,
        %swap3A_537 = vector.shape_cast %swap3A_536 : vector<16xi32> to vector<16xi32>
        %swap3A_538 = vector.shape_cast %select_n3A_272 : vector<16xi32> to vector<16xi32>
        tpu.vector_store %arg5[%swap3A_535], %swap3A_538 {strides = array<i32>} : memref<16448xi32, #tpu.memory_space<vmem>>, vector<16xi32>,
        %gt3A_539 = arith.constant 0 : i32
        %gt3A_540 = arith.cmpi sgt, %squeeze3A_321, %gt3A_539 : i32
        %add3A_541 = arith.constant 16 : i32
        %add3A_542 = arith.addi %scan3A_252, %add3A_541 : i32
        %min3A = arith.minsi %add3A_542, %scan3A_53 : i32
        %select_n3A_543 = arith.select %gt3A_540, %min3A, %scan3A_252 : i32
        %add3A_544 = arith.addi %scan3A_253, %squeeze3A_321 : i32
        %swap3A_545 = arith.index_cast %select_n3A_543 : i32 to index
        %swap3A_546 = tpu.vector_load %arg5[%swap3A_545] {strides = array<i32>} : memref<16448xi32, #tpu.memory_space<vmem>>, vector<16xi32>,
        %swap3A_547 = vector.shape_cast %swap3A_546 : vector<16xi32> to vector<16xi32>
        %swap3A_548 = vector.shape_cast %select_n3A_343 : vector<16xi32> to vector<16xi32>
        tpu.vector_store %arg5[%swap3A_545], %swap3A_548 {strides = array<i32>} : memref<16448xi32, #tpu.memory_space<vmem>>, vector<16xi32>,
        %gt3A_549 = arith.constant 0 : i32
        %gt3A_550 = arith.cmpi sgt, %squeeze3A_392, %gt3A_549 : i32
        %add3A_551 = arith.constant 16 : i32
        %add3A_552 = arith.addi %select_n3A_543, %add3A_551 : i32
        %min3A_553 = arith.minsi %add3A_552, %scan3A_53 : i32
        %select_n3A_554 = arith.select %gt3A_550, %min3A_553, %select_n3A_543 : i32
        %add3A_555 = arith.addi %add3A_544, %squeeze3A_392 : i32
        %swap3A_556 = arith.index_cast %select_n3A_554 : i32 to index
        %swap3A_557 = tpu.vector_load %arg5[%swap3A_556] {strides = array<i32>} : memref<16448xi32, #tpu.memory_space<vmem>>, vector<16xi32>,
        %swap3A_558 = vector.shape_cast %swap3A_557 : vector<16xi32> to vector<16xi32>
        %swap3A_559 = vector.shape_cast %select_n3A_414 : vector<16xi32> to vector<16xi32>
        tpu.vector_store %arg5[%swap3A_556], %swap3A_559 {strides = array<i32>} : memref<16448xi32, #tpu.memory_space<vmem>>, vector<16xi32>,
        %gt3A_560 = arith.constant 0 : i32
        %gt3A_561 = arith.cmpi sgt, %squeeze3A_463, %gt3A_560 : i32
        %add3A_562 = arith.constant 16 : i32
        %add3A_563 = arith.addi %select_n3A_554, %add3A_562 : i32
        %min3A_564 = arith.minsi %add3A_563, %scan3A_53 : i32
        %select_n3A_565 = arith.select %gt3A_561, %min3A_564, %select_n3A_554 : i32
        %add3A_566 = arith.addi %add3A_555, %squeeze3A_463 : i32
        %swap3A_567 = arith.index_cast %select_n3A_565 : i32 to index
        %swap3A_568 = tpu.vector_load %arg5[%swap3A_567] {strides = array<i32>} : memref<16448xi32, #tpu.memory_space<vmem>>, vector<16xi32>,
        %swap3A_569 = vector.shape_cast %swap3A_568 : vector<16xi32> to vector<16xi32>
        %swap3A_570 = vector.shape_cast %select_n3A_485 : vector<16xi32> to vector<16xi32>
        tpu.vector_store %arg5[%swap3A_567], %swap3A_570 {strides = array<i32>} : memref<16448xi32, #tpu.memory_space<vmem>>, vector<16xi32>,
        %gt3A_571 = arith.constant 0 : i32
        %gt3A_572 = arith.cmpi sgt, %squeeze3A_534, %gt3A_571 : i32
        %add3A_573 = arith.constant 16 : i32
        %add3A_574 = arith.addi %select_n3A_565, %add3A_573 : i32
        %min3A_575 = arith.minsi %add3A_574, %scan3A_53 : i32
        %select_n3A_576 = arith.select %gt3A_572, %min3A_575, %select_n3A_565 : i32
        %add3A_577 = arith.addi %add3A_566, %squeeze3A_534 : i32
        scf.yield %select_n3A_576, %add3A_577 : i32, i32
      }
      %scan3A_61 = arith.constant 512 : i32
      %ge3A = arith.constant 64 : i32
      %ge3A_62 = arith.cmpi sge, %scan3A_60#1, %ge3A : i32
      %le3A = arith.constant 1024 : i32
      %le3A_63 = arith.cmpi sle, %scan3A_60#1, %le3A : i32
      %and3A_64 = arith.andi %ge3A_62, %le3A_63 : i1
      %jit3A = arith.constant 0 : i32
      %jit3A_65 = arith.constant 512 : i32
      %select_n3A = arith.select %and3A_64, %jit3A, %jit3A_65 : i32
      %scan3A_66 = arith.constant 1 : i32
      %scan3A_67 = arith.constant 0 : i32
      %scan3A_68 = arith.constant 0 : i32
      %scan3A_69 = arith.constant 32768 : i32
      %scan3A_70 = arith.constant 0 : i32
      %scan3A_71 = arith.constant 16 : i32
      %scan3A_72 = arith.addi %scan3A_70, %scan3A_71 : i32
      %scan3A_73 = arith.constant 1 : i32
      %scan3A_74:2 = scf.for %scan3A_251 = %scan3A_70 to %scan3A_72 step %scan3A_73 iter_args(%scan3A_252 = %scan3A_68, %scan3A_253 = %scan3A_69) -> (i32, i32)  : i32 {
        %gt3A_254 = arith.constant 1024 : i32
        %gt3A_255 = arith.cmpi sgt, %scan3A_253, %gt3A_254 : i32
        %jit3A_256 = arith.constant 0 : i32
        %select_n3A_257 = arith.select %gt3A_255, %select_n3A, %jit3A_256 : i32
        %mul3A_258 = arith.constant 2 : i32
        %mul3A_259 = arith.muli %mul3A_258, %scan3A_251 : i32
        %sub3A_260 = arith.constant 31 : i32
        %sub3A_261 = arith.subi %sub3A_260, %mul3A_259 : i32
        %shift_left3A = arith.constant 1 : i32
        %shift_left3A_262 = arith.shli %shift_left3A, %sub3A_261 : i32
        %mul3A_263 = arith.constant 2 : i32
        %mul3A_264 = arith.muli %mul3A_263, %scan3A_251 : i32
        %sub3A_265 = arith.constant 30 : i32
        %sub3A_266 = arith.subi %sub3A_265, %mul3A_264 : i32
        %shift_left3A_267 = arith.constant 1 : i32
        %shift_left3A_268 = arith.shli %shift_left3A_267, %sub3A_266 : i32
        %or3A = arith.ori %scan3A_252, %shift_left3A_262 : i32
        %or3A_269 = arith.ori %or3A, %shift_left3A_268 : i32
        %or3A_270 = arith.ori %scan3A_252, %shift_left3A_262 : i32
        %or3A_271 = arith.ori %scan3A_252, %shift_left3A_268 : i32
        %xor3A_272 = arith.constant -2147483648 : i32
        %xor3A_273 = arith.xori %or3A_269, %xor3A_272 : i32
        %xor3A_274 = arith.constant -2147483648 : i32
        %xor3A_275 = arith.xori %or3A_270, %xor3A_274 : i32
        %xor3A_276 = arith.constant -2147483648 : i32
        %xor3A_277 = arith.xori %or3A_271, %xor3A_276 : i32
        %while3A_278 = arith.constant 0 : i32
        %while3A_279 = arith.subi %select_n3A_257, %while3A_278 : i32
        %while3A_280 = arith.addi %while3A_278, %while3A_279 : i32
        %while3A_281 = arith.constant 1 : i32
        %while3A_282 = arith.divsi %while3A_279, %while3A_281 : i32
        %while3A_283 = arith.muli %while3A_282, %while3A_281 : i32
        %while3A_284 = arith.addi %while3A_278, %while3A_283 : i32
        %while3A_285 = arith.constant 1 : i32
        %while3A_286:3 = scf.for %while3A_446 = %while3A_278 to %while3A_284 step %while3A_285 iter_args(%while3A_447 = %broadcast_in_dim3A_39, %while3A_448 = %broadcast_in_dim3A_39, %while3A_449 = %broadcast_in_dim3A_39) -> (vector<16xi32>, vector<16xi32>, vector<16xi32>)  : i32 {
          %mul3A_450 = arith.constant 64 : i32
          %mul3A_451 = arith.muli %while3A_446, %mul3A_450 : i32
          %add3A_452 = arith.constant 0 : i32
          %add3A_453 = arith.addi %mul3A_451, %add3A_452 : i32
          %get3A = arith.index_cast %add3A_453 : i32 to index
          %get3A_454 = tpu.vector_load %arg4[%get3A] {strides = array<i32>} : memref<32768xf32, #tpu.memory_space<vmem>>, vector<16xf32>,
          %get3A_455 = vector.shape_cast %get3A_454 : vector<16xf32> to vector<16xf32>
          %bitcast_convert_type3A = tpu.bitcast %get3A_455 : vector<16xf32> -> vector<16xi32>
          %shift_right_arithmetic3A = arith.constant 31 : i32
          %shift_right_arithmetic3A_456 = vector.broadcast %shift_right_arithmetic3A : i32 to vector<16xi32>
          %shift_right_arithmetic3A_457 = arith.shrsi %bitcast_convert_type3A, %shift_right_arithmetic3A_456 : vector<16xi32>
          %and3A_458 = arith.constant 2147483647 : i32
          %and3A_459 = vector.broadcast %and3A_458 : i32 to vector<16xi32>
          %and3A_460 = arith.andi %shift_right_arithmetic3A_457, %and3A_459 : vector<16xi32>
          %xor3A_461 = arith.xori %bitcast_convert_type3A, %and3A_460 : vector<16xi32>
          %ge3A_462 = vector.broadcast %xor3A_273 : i32 to vector<16xi32>
          %ge3A_463 = arith.cmpi sge, %xor3A_461, %ge3A_462 : vector<16xi32>
          %broadcast_in_dim3A_464 = vector.broadcast %scan3A_66 : i32 to vector<16xi32>
          %broadcast_in_dim3A_465 = vector.broadcast %scan3A_67 : i32 to vector<16xi32>
          %select_n3A_466 = arith.select %ge3A_463, %broadcast_in_dim3A_464, %broadcast_in_dim3A_465 : vector<16xi1>, vector<16xi32>
          %add3A_467 = arith.addi %while3A_447, %select_n3A_466 : vector<16xi32>
          %ge3A_468 = vector.broadcast %xor3A_275 : i32 to vector<16xi32>
          %ge3A_469 = arith.cmpi sge, %xor3A_461, %ge3A_468 : vector<16xi32>
          %broadcast_in_dim3A_470 = vector.broadcast %scan3A_66 : i32 to vector<16xi32>
          %broadcast_in_dim3A_471 = vector.broadcast %scan3A_67 : i32 to vector<16xi32>
          %select_n3A_472 = arith.select %ge3A_469, %broadcast_in_dim3A_470, %broadcast_in_dim3A_471 : vector<16xi1>, vector<16xi32>
          %add3A_473 = arith.addi %while3A_448, %select_n3A_472 : vector<16xi32>
          %ge3A_474 = vector.broadcast %xor3A_277 : i32 to vector<16xi32>
          %ge3A_475 = arith.cmpi sge, %xor3A_461, %ge3A_474 : vector<16xi32>
          %broadcast_in_dim3A_476 = vector.broadcast %scan3A_66 : i32 to vector<16xi32>
          %broadcast_in_dim3A_477 = vector.broadcast %scan3A_67 : i32 to vector<16xi32>
          %select_n3A_478 = arith.select %ge3A_475, %broadcast_in_dim3A_476, %broadcast_in_dim3A_477 : vector<16xi1>, vector<16xi32>
          %add3A_479 = arith.addi %while3A_449, %select_n3A_478 : vector<16xi32>
          %add3A_480 = arith.constant 16 : i32
          %add3A_481 = arith.addi %mul3A_451, %add3A_480 : i32
          %get3A_482 = arith.index_cast %add3A_481 : i32 to index
          %get3A_483 = tpu.vector_load %arg4[%get3A_482] {strides = array<i32>} : memref<32768xf32, #tpu.memory_space<vmem>>, vector<16xf32>,
          %get3A_484 = vector.shape_cast %get3A_483 : vector<16xf32> to vector<16xf32>
          %bitcast_convert_type3A_485 = tpu.bitcast %get3A_484 : vector<16xf32> -> vector<16xi32>
          %shift_right_arithmetic3A_486 = arith.constant 31 : i32
          %shift_right_arithmetic3A_487 = vector.broadcast %shift_right_arithmetic3A_486 : i32 to vector<16xi32>
          %shift_right_arithmetic3A_488 = arith.shrsi %bitcast_convert_type3A_485, %shift_right_arithmetic3A_487 : vector<16xi32>
          %and3A_489 = arith.constant 2147483647 : i32
          %and3A_490 = vector.broadcast %and3A_489 : i32 to vector<16xi32>
          %and3A_491 = arith.andi %shift_right_arithmetic3A_488, %and3A_490 : vector<16xi32>
          %xor3A_492 = arith.xori %bitcast_convert_type3A_485, %and3A_491 : vector<16xi32>
          %ge3A_493 = vector.broadcast %xor3A_273 : i32 to vector<16xi32>
          %ge3A_494 = arith.cmpi sge, %xor3A_492, %ge3A_493 : vector<16xi32>
          %broadcast_in_dim3A_495 = vector.broadcast %scan3A_66 : i32 to vector<16xi32>
          %broadcast_in_dim3A_496 = vector.broadcast %scan3A_67 : i32 to vector<16xi32>
          %select_n3A_497 = arith.select %ge3A_494, %broadcast_in_dim3A_495, %broadcast_in_dim3A_496 : vector<16xi1>, vector<16xi32>
          %add3A_498 = arith.addi %add3A_467, %select_n3A_497 : vector<16xi32>
          %ge3A_499 = vector.broadcast %xor3A_275 : i32 to vector<16xi32>
          %ge3A_500 = arith.cmpi sge, %xor3A_492, %ge3A_499 : vector<16xi32>
          %broadcast_in_dim3A_501 = vector.broadcast %scan3A_66 : i32 to vector<16xi32>
          %broadcast_in_dim3A_502 = vector.broadcast %scan3A_67 : i32 to vector<16xi32>
          %select_n3A_503 = arith.select %ge3A_500, %broadcast_in_dim3A_501, %broadcast_in_dim3A_502 : vector<16xi1>, vector<16xi32>
          %add3A_504 = arith.addi %add3A_473, %select_n3A_503 : vector<16xi32>
          %ge3A_505 = vector.broadcast %xor3A_277 : i32 to vector<16xi32>
          %ge3A_506 = arith.cmpi sge, %xor3A_492, %ge3A_505 : vector<16xi32>
          %broadcast_in_dim3A_507 = vector.broadcast %scan3A_66 : i32 to vector<16xi32>
          %broadcast_in_dim3A_508 = vector.broadcast %scan3A_67 : i32 to vector<16xi32>
          %select_n3A_509 = arith.select %ge3A_506, %broadcast_in_dim3A_507, %broadcast_in_dim3A_508 : vector<16xi1>, vector<16xi32>
          %add3A_510 = arith.addi %add3A_479, %select_n3A_509 : vector<16xi32>
          %add3A_511 = arith.constant 32 : i32
          %add3A_512 = arith.addi %mul3A_451, %add3A_511 : i32
          %get3A_513 = arith.index_cast %add3A_512 : i32 to index
          %get3A_514 = tpu.vector_load %arg4[%get3A_513] {strides = array<i32>} : memref<32768xf32, #tpu.memory_space<vmem>>, vector<16xf32>,
          %get3A_515 = vector.shape_cast %get3A_514 : vector<16xf32> to vector<16xf32>
          %bitcast_convert_type3A_516 = tpu.bitcast %get3A_515 : vector<16xf32> -> vector<16xi32>
          %shift_right_arithmetic3A_517 = arith.constant 31 : i32
          %shift_right_arithmetic3A_518 = vector.broadcast %shift_right_arithmetic3A_517 : i32 to vector<16xi32>
          %shift_right_arithmetic3A_519 = arith.shrsi %bitcast_convert_type3A_516, %shift_right_arithmetic3A_518 : vector<16xi32>
          %and3A_520 = arith.constant 2147483647 : i32
          %and3A_521 = vector.broadcast %and3A_520 : i32 to vector<16xi32>
          %and3A_522 = arith.andi %shift_right_arithmetic3A_519, %and3A_521 : vector<16xi32>
          %xor3A_523 = arith.xori %bitcast_convert_type3A_516, %and3A_522 : vector<16xi32>
          %ge3A_524 = vector.broadcast %xor3A_273 : i32 to vector<16xi32>
          %ge3A_525 = arith.cmpi sge, %xor3A_523, %ge3A_524 : vector<16xi32>
          %broadcast_in_dim3A_526 = vector.broadcast %scan3A_66 : i32 to vector<16xi32>
          %broadcast_in_dim3A_527 = vector.broadcast %scan3A_67 : i32 to vector<16xi32>
          %select_n3A_528 = arith.select %ge3A_525, %broadcast_in_dim3A_526, %broadcast_in_dim3A_527 : vector<16xi1>, vector<16xi32>
          %add3A_529 = arith.addi %add3A_498, %select_n3A_528 : vector<16xi32>
          %ge3A_530 = vector.broadcast %xor3A_275 : i32 to vector<16xi32>
          %ge3A_531 = arith.cmpi sge, %xor3A_523, %ge3A_530 : vector<16xi32>
          %broadcast_in_dim3A_532 = vector.broadcast %scan3A_66 : i32 to vector<16xi32>
          %broadcast_in_dim3A_533 = vector.broadcast %scan3A_67 : i32 to vector<16xi32>
          %select_n3A_534 = arith.select %ge3A_531, %broadcast_in_dim3A_532, %broadcast_in_dim3A_533 : vector<16xi1>, vector<16xi32>
          %add3A_535 = arith.addi %add3A_504, %select_n3A_534 : vector<16xi32>
          %ge3A_536 = vector.broadcast %xor3A_277 : i32 to vector<16xi32>
          %ge3A_537 = arith.cmpi sge, %xor3A_523, %ge3A_536 : vector<16xi32>
          %broadcast_in_dim3A_538 = vector.broadcast %scan3A_66 : i32 to vector<16xi32>
          %broadcast_in_dim3A_539 = vector.broadcast %scan3A_67 : i32 to vector<16xi32>
          %select_n3A_540 = arith.select %ge3A_537, %broadcast_in_dim3A_538, %broadcast_in_dim3A_539 : vector<16xi1>, vector<16xi32>
          %add3A_541 = arith.addi %add3A_510, %select_n3A_540 : vector<16xi32>
          %add3A_542 = arith.constant 48 : i32
          %add3A_543 = arith.addi %mul3A_451, %add3A_542 : i32
          %get3A_544 = arith.index_cast %add3A_543 : i32 to index
          %get3A_545 = tpu.vector_load %arg4[%get3A_544] {strides = array<i32>} : memref<32768xf32, #tpu.memory_space<vmem>>, vector<16xf32>,
          %get3A_546 = vector.shape_cast %get3A_545 : vector<16xf32> to vector<16xf32>
          %bitcast_convert_type3A_547 = tpu.bitcast %get3A_546 : vector<16xf32> -> vector<16xi32>
          %shift_right_arithmetic3A_548 = arith.constant 31 : i32
          %shift_right_arithmetic3A_549 = vector.broadcast %shift_right_arithmetic3A_548 : i32 to vector<16xi32>
          %shift_right_arithmetic3A_550 = arith.shrsi %bitcast_convert_type3A_547, %shift_right_arithmetic3A_549 : vector<16xi32>
          %and3A_551 = arith.constant 2147483647 : i32
          %and3A_552 = vector.broadcast %and3A_551 : i32 to vector<16xi32>
          %and3A_553 = arith.andi %shift_right_arithmetic3A_550, %and3A_552 : vector<16xi32>
          %xor3A_554 = arith.xori %bitcast_convert_type3A_547, %and3A_553 : vector<16xi32>
          %ge3A_555 = vector.broadcast %xor3A_273 : i32 to vector<16xi32>
          %ge3A_556 = arith.cmpi sge, %xor3A_554, %ge3A_555 : vector<16xi32>
          %broadcast_in_dim3A_557 = vector.broadcast %scan3A_66 : i32 to vector<16xi32>
          %broadcast_in_dim3A_558 = vector.broadcast %scan3A_67 : i32 to vector<16xi32>
          %select_n3A_559 = arith.select %ge3A_556, %broadcast_in_dim3A_557, %broadcast_in_dim3A_558 : vector<16xi1>, vector<16xi32>
          %add3A_560 = arith.addi %add3A_529, %select_n3A_559 : vector<16xi32>
          %ge3A_561 = vector.broadcast %xor3A_275 : i32 to vector<16xi32>
          %ge3A_562 = arith.cmpi sge, %xor3A_554, %ge3A_561 : vector<16xi32>
          %broadcast_in_dim3A_563 = vector.broadcast %scan3A_66 : i32 to vector<16xi32>
          %broadcast_in_dim3A_564 = vector.broadcast %scan3A_67 : i32 to vector<16xi32>
          %select_n3A_565 = arith.select %ge3A_562, %broadcast_in_dim3A_563, %broadcast_in_dim3A_564 : vector<16xi1>, vector<16xi32>
          %add3A_566 = arith.addi %add3A_535, %select_n3A_565 : vector<16xi32>
          %ge3A_567 = vector.broadcast %xor3A_277 : i32 to vector<16xi32>
          %ge3A_568 = arith.cmpi sge, %xor3A_554, %ge3A_567 : vector<16xi32>
          %broadcast_in_dim3A_569 = vector.broadcast %scan3A_66 : i32 to vector<16xi32>
          %broadcast_in_dim3A_570 = vector.broadcast %scan3A_67 : i32 to vector<16xi32>
          %select_n3A_571 = arith.select %ge3A_568, %broadcast_in_dim3A_569, %broadcast_in_dim3A_570 : vector<16xi1>, vector<16xi32>
          %add3A_572 = arith.addi %add3A_541, %select_n3A_571 : vector<16xi32>
          scf.yield %add3A_560, %add3A_566, %add3A_572 : vector<16xi32>, vector<16xi32>, vector<16xi32>
        }
        %while3A_287 = arith.constant 1 : i32
        %while3A_288:3 = scf.for %while3A_446 = %while3A_284 to %while3A_280 step %while3A_287 iter_args(%while3A_447 = %while3A_286#0, %while3A_448 = %while3A_286#1, %while3A_449 = %while3A_286#2) -> (vector<16xi32>, vector<16xi32>, vector<16xi32>)  : i32 {
          %mul3A_450 = arith.constant 64 : i32
          %mul3A_451 = arith.muli %while3A_446, %mul3A_450 : i32
          %add3A_452 = arith.constant 0 : i32
          %add3A_453 = arith.addi %mul3A_451, %add3A_452 : i32
          %get3A = arith.index_cast %add3A_453 : i32 to index
          %get3A_454 = tpu.vector_load %arg4[%get3A] {strides = array<i32>} : memref<32768xf32, #tpu.memory_space<vmem>>, vector<16xf32>,
          %get3A_455 = vector.shape_cast %get3A_454 : vector<16xf32> to vector<16xf32>
          %bitcast_convert_type3A = tpu.bitcast %get3A_455 : vector<16xf32> -> vector<16xi32>
          %shift_right_arithmetic3A = arith.constant 31 : i32
          %shift_right_arithmetic3A_456 = vector.broadcast %shift_right_arithmetic3A : i32 to vector<16xi32>
          %shift_right_arithmetic3A_457 = arith.shrsi %bitcast_convert_type3A, %shift_right_arithmetic3A_456 : vector<16xi32>
          %and3A_458 = arith.constant 2147483647 : i32
          %and3A_459 = vector.broadcast %and3A_458 : i32 to vector<16xi32>
          %and3A_460 = arith.andi %shift_right_arithmetic3A_457, %and3A_459 : vector<16xi32>
          %xor3A_461 = arith.xori %bitcast_convert_type3A, %and3A_460 : vector<16xi32>
          %ge3A_462 = vector.broadcast %xor3A_273 : i32 to vector<16xi32>
          %ge3A_463 = arith.cmpi sge, %xor3A_461, %ge3A_462 : vector<16xi32>
          %broadcast_in_dim3A_464 = vector.broadcast %scan3A_66 : i32 to vector<16xi32>
          %broadcast_in_dim3A_465 = vector.broadcast %scan3A_67 : i32 to vector<16xi32>
          %select_n3A_466 = arith.select %ge3A_463, %broadcast_in_dim3A_464, %broadcast_in_dim3A_465 : vector<16xi1>, vector<16xi32>
          %add3A_467 = arith.addi %while3A_447, %select_n3A_466 : vector<16xi32>
          %ge3A_468 = vector.broadcast %xor3A_275 : i32 to vector<16xi32>
          %ge3A_469 = arith.cmpi sge, %xor3A_461, %ge3A_468 : vector<16xi32>
          %broadcast_in_dim3A_470 = vector.broadcast %scan3A_66 : i32 to vector<16xi32>
          %broadcast_in_dim3A_471 = vector.broadcast %scan3A_67 : i32 to vector<16xi32>
          %select_n3A_472 = arith.select %ge3A_469, %broadcast_in_dim3A_470, %broadcast_in_dim3A_471 : vector<16xi1>, vector<16xi32>
          %add3A_473 = arith.addi %while3A_448, %select_n3A_472 : vector<16xi32>
          %ge3A_474 = vector.broadcast %xor3A_277 : i32 to vector<16xi32>
          %ge3A_475 = arith.cmpi sge, %xor3A_461, %ge3A_474 : vector<16xi32>
          %broadcast_in_dim3A_476 = vector.broadcast %scan3A_66 : i32 to vector<16xi32>
          %broadcast_in_dim3A_477 = vector.broadcast %scan3A_67 : i32 to vector<16xi32>
          %select_n3A_478 = arith.select %ge3A_475, %broadcast_in_dim3A_476, %broadcast_in_dim3A_477 : vector<16xi1>, vector<16xi32>
          %add3A_479 = arith.addi %while3A_449, %select_n3A_478 : vector<16xi32>
          %add3A_480 = arith.constant 16 : i32
          %add3A_481 = arith.addi %mul3A_451, %add3A_480 : i32
          %get3A_482 = arith.index_cast %add3A_481 : i32 to index
          %get3A_483 = tpu.vector_load %arg4[%get3A_482] {strides = array<i32>} : memref<32768xf32, #tpu.memory_space<vmem>>, vector<16xf32>,
          %get3A_484 = vector.shape_cast %get3A_483 : vector<16xf32> to vector<16xf32>
          %bitcast_convert_type3A_485 = tpu.bitcast %get3A_484 : vector<16xf32> -> vector<16xi32>
          %shift_right_arithmetic3A_486 = arith.constant 31 : i32
          %shift_right_arithmetic3A_487 = vector.broadcast %shift_right_arithmetic3A_486 : i32 to vector<16xi32>
          %shift_right_arithmetic3A_488 = arith.shrsi %bitcast_convert_type3A_485, %shift_right_arithmetic3A_487 : vector<16xi32>
          %and3A_489 = arith.constant 2147483647 : i32
          %and3A_490 = vector.broadcast %and3A_489 : i32 to vector<16xi32>
          %and3A_491 = arith.andi %shift_right_arithmetic3A_488, %and3A_490 : vector<16xi32>
          %xor3A_492 = arith.xori %bitcast_convert_type3A_485, %and3A_491 : vector<16xi32>
          %ge3A_493 = vector.broadcast %xor3A_273 : i32 to vector<16xi32>
          %ge3A_494 = arith.cmpi sge, %xor3A_492, %ge3A_493 : vector<16xi32>
          %broadcast_in_dim3A_495 = vector.broadcast %scan3A_66 : i32 to vector<16xi32>
          %broadcast_in_dim3A_496 = vector.broadcast %scan3A_67 : i32 to vector<16xi32>
          %select_n3A_497 = arith.select %ge3A_494, %broadcast_in_dim3A_495, %broadcast_in_dim3A_496 : vector<16xi1>, vector<16xi32>
          %add3A_498 = arith.addi %add3A_467, %select_n3A_497 : vector<16xi32>
          %ge3A_499 = vector.broadcast %xor3A_275 : i32 to vector<16xi32>
          %ge3A_500 = arith.cmpi sge, %xor3A_492, %ge3A_499 : vector<16xi32>
          %broadcast_in_dim3A_501 = vector.broadcast %scan3A_66 : i32 to vector<16xi32>
          %broadcast_in_dim3A_502 = vector.broadcast %scan3A_67 : i32 to vector<16xi32>
          %select_n3A_503 = arith.select %ge3A_500, %broadcast_in_dim3A_501, %broadcast_in_dim3A_502 : vector<16xi1>, vector<16xi32>
          %add3A_504 = arith.addi %add3A_473, %select_n3A_503 : vector<16xi32>
          %ge3A_505 = vector.broadcast %xor3A_277 : i32 to vector<16xi32>
          %ge3A_506 = arith.cmpi sge, %xor3A_492, %ge3A_505 : vector<16xi32>
          %broadcast_in_dim3A_507 = vector.broadcast %scan3A_66 : i32 to vector<16xi32>
          %broadcast_in_dim3A_508 = vector.broadcast %scan3A_67 : i32 to vector<16xi32>
          %select_n3A_509 = arith.select %ge3A_506, %broadcast_in_dim3A_507, %broadcast_in_dim3A_508 : vector<16xi1>, vector<16xi32>
          %add3A_510 = arith.addi %add3A_479, %select_n3A_509 : vector<16xi32>
          %add3A_511 = arith.constant 32 : i32
          %add3A_512 = arith.addi %mul3A_451, %add3A_511 : i32
          %get3A_513 = arith.index_cast %add3A_512 : i32 to index
          %get3A_514 = tpu.vector_load %arg4[%get3A_513] {strides = array<i32>} : memref<32768xf32, #tpu.memory_space<vmem>>, vector<16xf32>,
          %get3A_515 = vector.shape_cast %get3A_514 : vector<16xf32> to vector<16xf32>
          %bitcast_convert_type3A_516 = tpu.bitcast %get3A_515 : vector<16xf32> -> vector<16xi32>
          %shift_right_arithmetic3A_517 = arith.constant 31 : i32
          %shift_right_arithmetic3A_518 = vector.broadcast %shift_right_arithmetic3A_517 : i32 to vector<16xi32>
          %shift_right_arithmetic3A_519 = arith.shrsi %bitcast_convert_type3A_516, %shift_right_arithmetic3A_518 : vector<16xi32>
          %and3A_520 = arith.constant 2147483647 : i32
          %and3A_521 = vector.broadcast %and3A_520 : i32 to vector<16xi32>
          %and3A_522 = arith.andi %shift_right_arithmetic3A_519, %and3A_521 : vector<16xi32>
          %xor3A_523 = arith.xori %bitcast_convert_type3A_516, %and3A_522 : vector<16xi32>
          %ge3A_524 = vector.broadcast %xor3A_273 : i32 to vector<16xi32>
          %ge3A_525 = arith.cmpi sge, %xor3A_523, %ge3A_524 : vector<16xi32>
          %broadcast_in_dim3A_526 = vector.broadcast %scan3A_66 : i32 to vector<16xi32>
          %broadcast_in_dim3A_527 = vector.broadcast %scan3A_67 : i32 to vector<16xi32>
          %select_n3A_528 = arith.select %ge3A_525, %broadcast_in_dim3A_526, %broadcast_in_dim3A_527 : vector<16xi1>, vector<16xi32>
          %add3A_529 = arith.addi %add3A_498, %select_n3A_528 : vector<16xi32>
          %ge3A_530 = vector.broadcast %xor3A_275 : i32 to vector<16xi32>
          %ge3A_531 = arith.cmpi sge, %xor3A_523, %ge3A_530 : vector<16xi32>
          %broadcast_in_dim3A_532 = vector.broadcast %scan3A_66 : i32 to vector<16xi32>
          %broadcast_in_dim3A_533 = vector.broadcast %scan3A_67 : i32 to vector<16xi32>
          %select_n3A_534 = arith.select %ge3A_531, %broadcast_in_dim3A_532, %broadcast_in_dim3A_533 : vector<16xi1>, vector<16xi32>
          %add3A_535 = arith.addi %add3A_504, %select_n3A_534 : vector<16xi32>
          %ge3A_536 = vector.broadcast %xor3A_277 : i32 to vector<16xi32>
          %ge3A_537 = arith.cmpi sge, %xor3A_523, %ge3A_536 : vector<16xi32>
          %broadcast_in_dim3A_538 = vector.broadcast %scan3A_66 : i32 to vector<16xi32>
          %broadcast_in_dim3A_539 = vector.broadcast %scan3A_67 : i32 to vector<16xi32>
          %select_n3A_540 = arith.select %ge3A_537, %broadcast_in_dim3A_538, %broadcast_in_dim3A_539 : vector<16xi1>, vector<16xi32>
          %add3A_541 = arith.addi %add3A_510, %select_n3A_540 : vector<16xi32>
          %add3A_542 = arith.constant 48 : i32
          %add3A_543 = arith.addi %mul3A_451, %add3A_542 : i32
          %get3A_544 = arith.index_cast %add3A_543 : i32 to index
          %get3A_545 = tpu.vector_load %arg4[%get3A_544] {strides = array<i32>} : memref<32768xf32, #tpu.memory_space<vmem>>, vector<16xf32>,
          %get3A_546 = vector.shape_cast %get3A_545 : vector<16xf32> to vector<16xf32>
          %bitcast_convert_type3A_547 = tpu.bitcast %get3A_546 : vector<16xf32> -> vector<16xi32>
          %shift_right_arithmetic3A_548 = arith.constant 31 : i32
          %shift_right_arithmetic3A_549 = vector.broadcast %shift_right_arithmetic3A_548 : i32 to vector<16xi32>
          %shift_right_arithmetic3A_550 = arith.shrsi %bitcast_convert_type3A_547, %shift_right_arithmetic3A_549 : vector<16xi32>
          %and3A_551 = arith.constant 2147483647 : i32
          %and3A_552 = vector.broadcast %and3A_551 : i32 to vector<16xi32>
          %and3A_553 = arith.andi %shift_right_arithmetic3A_550, %and3A_552 : vector<16xi32>
          %xor3A_554 = arith.xori %bitcast_convert_type3A_547, %and3A_553 : vector<16xi32>
          %ge3A_555 = vector.broadcast %xor3A_273 : i32 to vector<16xi32>
          %ge3A_556 = arith.cmpi sge, %xor3A_554, %ge3A_555 : vector<16xi32>
          %broadcast_in_dim3A_557 = vector.broadcast %scan3A_66 : i32 to vector<16xi32>
          %broadcast_in_dim3A_558 = vector.broadcast %scan3A_67 : i32 to vector<16xi32>
          %select_n3A_559 = arith.select %ge3A_556, %broadcast_in_dim3A_557, %broadcast_in_dim3A_558 : vector<16xi1>, vector<16xi32>
          %add3A_560 = arith.addi %add3A_529, %select_n3A_559 : vector<16xi32>
          %ge3A_561 = vector.broadcast %xor3A_275 : i32 to vector<16xi32>
          %ge3A_562 = arith.cmpi sge, %xor3A_554, %ge3A_561 : vector<16xi32>
          %broadcast_in_dim3A_563 = vector.broadcast %scan3A_66 : i32 to vector<16xi32>
          %broadcast_in_dim3A_564 = vector.broadcast %scan3A_67 : i32 to vector<16xi32>
          %select_n3A_565 = arith.select %ge3A_562, %broadcast_in_dim3A_563, %broadcast_in_dim3A_564 : vector<16xi1>, vector<16xi32>
          %add3A_566 = arith.addi %add3A_535, %select_n3A_565 : vector<16xi32>
          %ge3A_567 = vector.broadcast %xor3A_277 : i32 to vector<16xi32>
          %ge3A_568 = arith.cmpi sge, %xor3A_554, %ge3A_567 : vector<16xi32>
          %broadcast_in_dim3A_569 = vector.broadcast %scan3A_66 : i32 to vector<16xi32>
          %broadcast_in_dim3A_570 = vector.broadcast %scan3A_67 : i32 to vector<16xi32>
          %select_n3A_571 = arith.select %ge3A_568, %broadcast_in_dim3A_569, %broadcast_in_dim3A_570 : vector<16xi1>, vector<16xi32>
          %add3A_572 = arith.addi %add3A_541, %select_n3A_571 : vector<16xi32>
          scf.yield %add3A_560, %add3A_566, %add3A_572 : vector<16xi32>, vector<16xi32>, vector<16xi32>
        }
        %lt3A_289 = arith.constant 0 : i32
        %lt3A_290 = vector.broadcast %lt3A_289 : i32 to vector<16xi32>
        %lt3A_291 = arith.cmpi slt, %and3A_5, %lt3A_290 : vector<16xi32>
        %add3A_292 = arith.constant 16 : i32
        %add3A_293 = vector.broadcast %add3A_292 : i32 to vector<16xi32>
        %add3A_294 = arith.addi %and3A_5, %add3A_293 : vector<16xi32>
        %select_n3A_295 = arith.select %lt3A_291, %add3A_294, %and3A_5 : vector<16xi1>, vector<16xi32>
        %broadcast_in_dim3A_296 = vector.shape_cast %select_n3A_295 : vector<16xi32> to vector<16x1xi32>
        %gather3A_297 = vector.shape_cast %broadcast_in_dim3A_296 : vector<16x1xi32> to vector<16xi32>
        %gather3A_298 = tpu.dynamic_gather %while3A_288#0[%gather3A_297] in [0] : vector<16xi32>, vector<16xi32> -> vector<16xi32>
        %add3A_299 = arith.addi %while3A_288#0, %gather3A_298 : vector<16xi32>
        %lt3A_300 = arith.constant 0 : i32
        %lt3A_301 = vector.broadcast %lt3A_300 : i32 to vector<16xi32>
        %lt3A_302 = arith.cmpi slt, %and3A_11, %lt3A_301 : vector<16xi32>
        %add3A_303 = arith.constant 16 : i32
        %add3A_304 = vector.broadcast %add3A_303 : i32 to vector<16xi32>
        %add3A_305 = arith.addi %and3A_11, %add3A_304 : vector<16xi32>
        %select_n3A_306 = arith.select %lt3A_302, %add3A_305, %and3A_11 : vector<16xi1>, vector<16xi32>
        %broadcast_in_dim3A_307 = vector.shape_cast %select_n3A_306 : vector<16xi32> to vector<16x1xi32>
        %gather3A_308 = vector.shape_cast %broadcast_in_dim3A_307 : vector<16x1xi32> to vector<16xi32>
        %gather3A_309 = tpu.dynamic_gather %add3A_299[%gather3A_308] in [0] : vector<16xi32>, vector<16xi32> -> vector<16xi32>
        %add3A_310 = arith.addi %add3A_299, %gather3A_309 : vector<16xi32>
        %lt3A_311 = arith.constant 0 : i32
        %lt3A_312 = vector.broadcast %lt3A_311 : i32 to vector<16xi32>
        %lt3A_313 = arith.cmpi slt, %and3A_17, %lt3A_312 : vector<16xi32>
        %add3A_314 = arith.constant 16 : i32
        %add3A_315 = vector.broadcast %add3A_314 : i32 to vector<16xi32>
        %add3A_316 = arith.addi %and3A_17, %add3A_315 : vector<16xi32>
        %select_n3A_317 = arith.select %lt3A_313, %add3A_316, %and3A_17 : vector<16xi1>, vector<16xi32>
        %broadcast_in_dim3A_318 = vector.shape_cast %select_n3A_317 : vector<16xi32> to vector<16x1xi32>
        %gather3A_319 = vector.shape_cast %broadcast_in_dim3A_318 : vector<16x1xi32> to vector<16xi32>
        %gather3A_320 = tpu.dynamic_gather %add3A_310[%gather3A_319] in [0] : vector<16xi32>, vector<16xi32> -> vector<16xi32>
        %add3A_321 = arith.addi %add3A_310, %gather3A_320 : vector<16xi32>
        %lt3A_322 = arith.constant 0 : i32
        %lt3A_323 = vector.broadcast %lt3A_322 : i32 to vector<16xi32>
        %lt3A_324 = arith.cmpi slt, %and3A_23, %lt3A_323 : vector<16xi32>
        %add3A_325 = arith.constant 16 : i32
        %add3A_326 = vector.broadcast %add3A_325 : i32 to vector<16xi32>
        %add3A_327 = arith.addi %and3A_23, %add3A_326 : vector<16xi32>
        %select_n3A_328 = arith.select %lt3A_324, %add3A_327, %and3A_23 : vector<16xi1>, vector<16xi32>
        %broadcast_in_dim3A_329 = vector.shape_cast %select_n3A_328 : vector<16xi32> to vector<16x1xi32>
        %gather3A_330 = vector.shape_cast %broadcast_in_dim3A_329 : vector<16x1xi32> to vector<16xi32>
        %gather3A_331 = tpu.dynamic_gather %add3A_321[%gather3A_330] in [0] : vector<16xi32>, vector<16xi32> -> vector<16xi32>
        %add3A_332 = arith.addi %add3A_321, %gather3A_331 : vector<16xi32>
        %slice3A_333 = vector.extract_strided_slice %add3A_332 {offsets = [0], sizes = [1], strides = [1]} : vector<16xi32> to vector<1xi32>
        %squeeze3A_334 = vector.extract %slice3A_333[0] : i32 from vector<1xi32>
        %lt3A_335 = arith.constant 0 : i32
        %lt3A_336 = vector.broadcast %lt3A_335 : i32 to vector<16xi32>
        %lt3A_337 = arith.cmpi slt, %and3A_5, %lt3A_336 : vector<16xi32>
        %add3A_338 = arith.constant 16 : i32
        %add3A_339 = vector.broadcast %add3A_338 : i32 to vector<16xi32>
        %add3A_340 = arith.addi %and3A_5, %add3A_339 : vector<16xi32>
        %select_n3A_341 = arith.select %lt3A_337, %add3A_340, %and3A_5 : vector<16xi1>, vector<16xi32>
        %broadcast_in_dim3A_342 = vector.shape_cast %select_n3A_341 : vector<16xi32> to vector<16x1xi32>
        %gather3A_343 = vector.shape_cast %broadcast_in_dim3A_342 : vector<16x1xi32> to vector<16xi32>
        %gather3A_344 = tpu.dynamic_gather %while3A_288#1[%gather3A_343] in [0] : vector<16xi32>, vector<16xi32> -> vector<16xi32>
        %add3A_345 = arith.addi %while3A_288#1, %gather3A_344 : vector<16xi32>
        %lt3A_346 = arith.constant 0 : i32
        %lt3A_347 = vector.broadcast %lt3A_346 : i32 to vector<16xi32>
        %lt3A_348 = arith.cmpi slt, %and3A_11, %lt3A_347 : vector<16xi32>
        %add3A_349 = arith.constant 16 : i32
        %add3A_350 = vector.broadcast %add3A_349 : i32 to vector<16xi32>
        %add3A_351 = arith.addi %and3A_11, %add3A_350 : vector<16xi32>
        %select_n3A_352 = arith.select %lt3A_348, %add3A_351, %and3A_11 : vector<16xi1>, vector<16xi32>
        %broadcast_in_dim3A_353 = vector.shape_cast %select_n3A_352 : vector<16xi32> to vector<16x1xi32>
        %gather3A_354 = vector.shape_cast %broadcast_in_dim3A_353 : vector<16x1xi32> to vector<16xi32>
        %gather3A_355 = tpu.dynamic_gather %add3A_345[%gather3A_354] in [0] : vector<16xi32>, vector<16xi32> -> vector<16xi32>
        %add3A_356 = arith.addi %add3A_345, %gather3A_355 : vector<16xi32>
        %lt3A_357 = arith.constant 0 : i32
        %lt3A_358 = vector.broadcast %lt3A_357 : i32 to vector<16xi32>
        %lt3A_359 = arith.cmpi slt, %and3A_17, %lt3A_358 : vector<16xi32>
        %add3A_360 = arith.constant 16 : i32
        %add3A_361 = vector.broadcast %add3A_360 : i32 to vector<16xi32>
        %add3A_362 = arith.addi %and3A_17, %add3A_361 : vector<16xi32>
        %select_n3A_363 = arith.select %lt3A_359, %add3A_362, %and3A_17 : vector<16xi1>, vector<16xi32>
        %broadcast_in_dim3A_364 = vector.shape_cast %select_n3A_363 : vector<16xi32> to vector<16x1xi32>
        %gather3A_365 = vector.shape_cast %broadcast_in_dim3A_364 : vector<16x1xi32> to vector<16xi32>
        %gather3A_366 = tpu.dynamic_gather %add3A_356[%gather3A_365] in [0] : vector<16xi32>, vector<16xi32> -> vector<16xi32>
        %add3A_367 = arith.addi %add3A_356, %gather3A_366 : vector<16xi32>
        %lt3A_368 = arith.constant 0 : i32
        %lt3A_369 = vector.broadcast %lt3A_368 : i32 to vector<16xi32>
        %lt3A_370 = arith.cmpi slt, %and3A_23, %lt3A_369 : vector<16xi32>
        %add3A_371 = arith.constant 16 : i32
        %add3A_372 = vector.broadcast %add3A_371 : i32 to vector<16xi32>
        %add3A_373 = arith.addi %and3A_23, %add3A_372 : vector<16xi32>
        %select_n3A_374 = arith.select %lt3A_370, %add3A_373, %and3A_23 : vector<16xi1>, vector<16xi32>
        %broadcast_in_dim3A_375 = vector.shape_cast %select_n3A_374 : vector<16xi32> to vector<16x1xi32>
        %gather3A_376 = vector.shape_cast %broadcast_in_dim3A_375 : vector<16x1xi32> to vector<16xi32>
        %gather3A_377 = tpu.dynamic_gather %add3A_367[%gather3A_376] in [0] : vector<16xi32>, vector<16xi32> -> vector<16xi32>
        %add3A_378 = arith.addi %add3A_367, %gather3A_377 : vector<16xi32>
        %slice3A_379 = vector.extract_strided_slice %add3A_378 {offsets = [0], sizes = [1], strides = [1]} : vector<16xi32> to vector<1xi32>
        %squeeze3A_380 = vector.extract %slice3A_379[0] : i32 from vector<1xi32>
        %lt3A_381 = arith.constant 0 : i32
        %lt3A_382 = vector.broadcast %lt3A_381 : i32 to vector<16xi32>
        %lt3A_383 = arith.cmpi slt, %and3A_5, %lt3A_382 : vector<16xi32>
        %add3A_384 = arith.constant 16 : i32
        %add3A_385 = vector.broadcast %add3A_384 : i32 to vector<16xi32>
        %add3A_386 = arith.addi %and3A_5, %add3A_385 : vector<16xi32>
        %select_n3A_387 = arith.select %lt3A_383, %add3A_386, %and3A_5 : vector<16xi1>, vector<16xi32>
        %broadcast_in_dim3A_388 = vector.shape_cast %select_n3A_387 : vector<16xi32> to vector<16x1xi32>
        %gather3A_389 = vector.shape_cast %broadcast_in_dim3A_388 : vector<16x1xi32> to vector<16xi32>
        %gather3A_390 = tpu.dynamic_gather %while3A_288#2[%gather3A_389] in [0] : vector<16xi32>, vector<16xi32> -> vector<16xi32>
        %add3A_391 = arith.addi %while3A_288#2, %gather3A_390 : vector<16xi32>
        %lt3A_392 = arith.constant 0 : i32
        %lt3A_393 = vector.broadcast %lt3A_392 : i32 to vector<16xi32>
        %lt3A_394 = arith.cmpi slt, %and3A_11, %lt3A_393 : vector<16xi32>
        %add3A_395 = arith.constant 16 : i32
        %add3A_396 = vector.broadcast %add3A_395 : i32 to vector<16xi32>
        %add3A_397 = arith.addi %and3A_11, %add3A_396 : vector<16xi32>
        %select_n3A_398 = arith.select %lt3A_394, %add3A_397, %and3A_11 : vector<16xi1>, vector<16xi32>
        %broadcast_in_dim3A_399 = vector.shape_cast %select_n3A_398 : vector<16xi32> to vector<16x1xi32>
        %gather3A_400 = vector.shape_cast %broadcast_in_dim3A_399 : vector<16x1xi32> to vector<16xi32>
        %gather3A_401 = tpu.dynamic_gather %add3A_391[%gather3A_400] in [0] : vector<16xi32>, vector<16xi32> -> vector<16xi32>
        %add3A_402 = arith.addi %add3A_391, %gather3A_401 : vector<16xi32>
        %lt3A_403 = arith.constant 0 : i32
        %lt3A_404 = vector.broadcast %lt3A_403 : i32 to vector<16xi32>
        %lt3A_405 = arith.cmpi slt, %and3A_17, %lt3A_404 : vector<16xi32>
        %add3A_406 = arith.constant 16 : i32
        %add3A_407 = vector.broadcast %add3A_406 : i32 to vector<16xi32>
        %add3A_408 = arith.addi %and3A_17, %add3A_407 : vector<16xi32>
        %select_n3A_409 = arith.select %lt3A_405, %add3A_408, %and3A_17 : vector<16xi1>, vector<16xi32>
        %broadcast_in_dim3A_410 = vector.shape_cast %select_n3A_409 : vector<16xi32> to vector<16x1xi32>
        %gather3A_411 = vector.shape_cast %broadcast_in_dim3A_410 : vector<16x1xi32> to vector<16xi32>
        %gather3A_412 = tpu.dynamic_gather %add3A_402[%gather3A_411] in [0] : vector<16xi32>, vector<16xi32> -> vector<16xi32>
        %add3A_413 = arith.addi %add3A_402, %gather3A_412 : vector<16xi32>
        %lt3A_414 = arith.constant 0 : i32
        %lt3A_415 = vector.broadcast %lt3A_414 : i32 to vector<16xi32>
        %lt3A_416 = arith.cmpi slt, %and3A_23, %lt3A_415 : vector<16xi32>
        %add3A_417 = arith.constant 16 : i32
        %add3A_418 = vector.broadcast %add3A_417 : i32 to vector<16xi32>
        %add3A_419 = arith.addi %and3A_23, %add3A_418 : vector<16xi32>
        %select_n3A_420 = arith.select %lt3A_416, %add3A_419, %and3A_23 : vector<16xi1>, vector<16xi32>
        %broadcast_in_dim3A_421 = vector.shape_cast %select_n3A_420 : vector<16xi32> to vector<16x1xi32>
        %gather3A_422 = vector.shape_cast %broadcast_in_dim3A_421 : vector<16x1xi32> to vector<16xi32>
        %gather3A_423 = tpu.dynamic_gather %add3A_413[%gather3A_422] in [0] : vector<16xi32>, vector<16xi32> -> vector<16xi32>
        %add3A_424 = arith.addi %add3A_413, %gather3A_423 : vector<16xi32>
        %slice3A_425 = vector.extract_strided_slice %add3A_424 {offsets = [0], sizes = [1], strides = [1]} : vector<16xi32> to vector<1xi32>
        %squeeze3A_426 = vector.extract %slice3A_425[0] : i32 from vector<1xi32>
        %ge3A_427 = arith.constant 64 : i32
        %ge3A_428 = arith.cmpi sge, %squeeze3A_334, %ge3A_427 : i32
        %not3A_429 = arith.constant true
        %not3A_430 = arith.xori %ge3A_428, %not3A_429 : i1
        %ge3A_431 = arith.constant 64 : i32
        %ge3A_432 = arith.cmpi sge, %squeeze3A_380, %ge3A_431 : i32
        %and3A_433 = arith.andi %not3A_430, %ge3A_432 : i1
        %or3A_434 = arith.ori %ge3A_428, %and3A_433 : i1
        %not3A_435 = arith.constant true
        %not3A_436 = arith.xori %or3A_434, %not3A_435 : i1
        %ge3A_437 = arith.constant 64 : i32
        %ge3A_438 = arith.cmpi sge, %squeeze3A_426, %ge3A_437 : i32
        %and3A_439 = arith.andi %not3A_436, %ge3A_438 : i1
        %select_n3A_440 = arith.select %and3A_439, %or3A_271, %scan3A_252 : i32
        %select_n3A_441 = arith.select %and3A_433, %or3A_270, %select_n3A_440 : i32
        %select_n3A_442 = arith.select %ge3A_428, %or3A_269, %select_n3A_441 : i32
        %select_n3A_443 = arith.select %and3A_439, %squeeze3A_426, %scan3A_253 : i32
        %select_n3A_444 = arith.select %and3A_433, %squeeze3A_380, %select_n3A_443 : i32
        %select_n3A_445 = arith.select %ge3A_428, %squeeze3A_334, %select_n3A_444 : i32
        scf.yield %select_n3A_442, %select_n3A_445 : i32, i32
      }
      %scan3A_75 = arith.constant 16 : i32
      %not3A = arith.constant true
      %not3A_76 = arith.xori %and3A_64, %not3A : i1
      %le3A_77 = arith.constant 1024 : i32
      %le3A_78 = arith.cmpi sle, %scan3A_74#1, %le3A_77 : i32
      %and3A_79 = arith.andi %not3A_76, %le3A_78 : i1
      %xor3A_80 = arith.constant -2147483648 : i32
      %xor3A_81 = arith.xori %scan3A_74#0, %xor3A_80 : i32
      %jit3A_82 = arith.constant 2048 : i32
      %jit3A_83 = arith.constant 0 : i32
      %select_n3A_84 = arith.select %and3A_79, %jit3A_82, %jit3A_83 : i32
      %while3A = arith.constant 1 : i32
      %while3A_85 = arith.constant 0 : i32
      %while3A_86 = arith.constant 0 : i32
      %while3A_87 = arith.constant 0 : i32
      %while3A_88 = arith.subi %select_n3A_84, %while3A_86 : i32
      %while3A_89 = arith.addi %while3A_86, %while3A_88 : i32
      %while3A_90 = arith.constant 1 : i32
      %while3A_91 = arith.divsi %while3A_88, %while3A_90 : i32
      %while3A_92 = arith.muli %while3A_91, %while3A_90 : i32
      %while3A_93 = arith.addi %while3A_86, %while3A_92 : i32
      %while3A_94 = arith.constant 1 : i32
      %while3A_95 = scf.for %while3A_251 = %while3A_86 to %while3A_93 step %while3A_94 iter_args(%while3A_252 = %while3A_87) -> (i32)  : i32 {
        %mul3A_253 = arith.constant 16 : i32
        %mul3A_254 = arith.muli %while3A_251, %mul3A_253 : i32
        %get3A = arith.index_cast %mul3A_254 : i32 to index
        %get3A_255 = tpu.vector_load %arg4[%get3A] {strides = array<i32>} : memref<32768xf32, #tpu.memory_space<vmem>>, vector<16xf32>,
        %get3A_256 = vector.shape_cast %get3A_255 : vector<16xf32> to vector<16xf32>
        %bitcast_convert_type3A = tpu.bitcast %get3A_256 : vector<16xf32> -> vector<16xi32>
        %shift_right_arithmetic3A = arith.constant 31 : i32
        %shift_right_arithmetic3A_257 = vector.broadcast %shift_right_arithmetic3A : i32 to vector<16xi32>
        %shift_right_arithmetic3A_258 = arith.shrsi %bitcast_convert_type3A, %shift_right_arithmetic3A_257 : vector<16xi32>
        %and3A_259 = arith.constant 2147483647 : i32
        %and3A_260 = vector.broadcast %and3A_259 : i32 to vector<16xi32>
        %and3A_261 = arith.andi %shift_right_arithmetic3A_258, %and3A_260 : vector<16xi32>
        %xor3A_262 = arith.xori %bitcast_convert_type3A, %and3A_261 : vector<16xi32>
        %ge3A_263 = vector.broadcast %xor3A_81 : i32 to vector<16xi32>
        %ge3A_264 = arith.cmpi sge, %xor3A_262, %ge3A_263 : vector<16xi32>
        %jit3A_265 = arith.constant -2147483648 : i32
        %broadcast_in_dim3A_266 = vector.broadcast %jit3A_265 : i32 to vector<16xi32>
        %select_n3A_267 = arith.select %ge3A_264, %xor3A_262, %broadcast_in_dim3A_266 : vector<16xi1>, vector<16xi32>
        %swap3A_268 = arith.index_cast %while3A_252 : i32 to index
        %swap3A_269 = tpu.vector_load %arg5[%swap3A_268] {strides = array<i32>} : memref<16448xi32, #tpu.memory_space<vmem>>, vector<16xi32>,
        %swap3A_270 = vector.shape_cast %swap3A_269 : vector<16xi32> to vector<16xi32>
        %swap3A_271 = vector.shape_cast %select_n3A_267 : vector<16xi32> to vector<16xi32>
        tpu.vector_store %arg5[%swap3A_268], %swap3A_271 {strides = array<i32>} : memref<16448xi32, #tpu.memory_space<vmem>>, vector<16xi32>,
        %broadcast_in_dim3A_272 = vector.broadcast %while3A : i32 to vector<16xi32>
        %broadcast_in_dim3A_273 = vector.broadcast %while3A_85 : i32 to vector<16xi32>
        %select_n3A_274 = arith.select %ge3A_264, %broadcast_in_dim3A_272, %broadcast_in_dim3A_273 : vector<16xi1>, vector<16xi32>
        %lt3A_275 = arith.constant 0 : i32
        %lt3A_276 = vector.broadcast %lt3A_275 : i32 to vector<16xi32>
        %lt3A_277 = arith.cmpi slt, %and3A_5, %lt3A_276 : vector<16xi32>
        %add3A_278 = arith.constant 16 : i32
        %add3A_279 = vector.broadcast %add3A_278 : i32 to vector<16xi32>
        %add3A_280 = arith.addi %and3A_5, %add3A_279 : vector<16xi32>
        %select_n3A_281 = arith.select %lt3A_277, %add3A_280, %and3A_5 : vector<16xi1>, vector<16xi32>
        %broadcast_in_dim3A_282 = vector.shape_cast %select_n3A_281 : vector<16xi32> to vector<16x1xi32>
        %gather3A_283 = vector.shape_cast %broadcast_in_dim3A_282 : vector<16x1xi32> to vector<16xi32>
        %gather3A_284 = tpu.dynamic_gather %select_n3A_274[%gather3A_283] in [0] : vector<16xi32>, vector<16xi32> -> vector<16xi32>
        %add3A_285 = arith.addi %select_n3A_274, %gather3A_284 : vector<16xi32>
        %lt3A_286 = arith.constant 0 : i32
        %lt3A_287 = vector.broadcast %lt3A_286 : i32 to vector<16xi32>
        %lt3A_288 = arith.cmpi slt, %and3A_11, %lt3A_287 : vector<16xi32>
        %add3A_289 = arith.constant 16 : i32
        %add3A_290 = vector.broadcast %add3A_289 : i32 to vector<16xi32>
        %add3A_291 = arith.addi %and3A_11, %add3A_290 : vector<16xi32>
        %select_n3A_292 = arith.select %lt3A_288, %add3A_291, %and3A_11 : vector<16xi1>, vector<16xi32>
        %broadcast_in_dim3A_293 = vector.shape_cast %select_n3A_292 : vector<16xi32> to vector<16x1xi32>
        %gather3A_294 = vector.shape_cast %broadcast_in_dim3A_293 : vector<16x1xi32> to vector<16xi32>
        %gather3A_295 = tpu.dynamic_gather %add3A_285[%gather3A_294] in [0] : vector<16xi32>, vector<16xi32> -> vector<16xi32>
        %add3A_296 = arith.addi %add3A_285, %gather3A_295 : vector<16xi32>
        %lt3A_297 = arith.constant 0 : i32
        %lt3A_298 = vector.broadcast %lt3A_297 : i32 to vector<16xi32>
        %lt3A_299 = arith.cmpi slt, %and3A_17, %lt3A_298 : vector<16xi32>
        %add3A_300 = arith.constant 16 : i32
        %add3A_301 = vector.broadcast %add3A_300 : i32 to vector<16xi32>
        %add3A_302 = arith.addi %and3A_17, %add3A_301 : vector<16xi32>
        %select_n3A_303 = arith.select %lt3A_299, %add3A_302, %and3A_17 : vector<16xi1>, vector<16xi32>
        %broadcast_in_dim3A_304 = vector.shape_cast %select_n3A_303 : vector<16xi32> to vector<16x1xi32>
        %gather3A_305 = vector.shape_cast %broadcast_in_dim3A_304 : vector<16x1xi32> to vector<16xi32>
        %gather3A_306 = tpu.dynamic_gather %add3A_296[%gather3A_305] in [0] : vector<16xi32>, vector<16xi32> -> vector<16xi32>
        %add3A_307 = arith.addi %add3A_296, %gather3A_306 : vector<16xi32>
        %lt3A_308 = arith.constant 0 : i32
        %lt3A_309 = vector.broadcast %lt3A_308 : i32 to vector<16xi32>
        %lt3A_310 = arith.cmpi slt, %and3A_23, %lt3A_309 : vector<16xi32>
        %add3A_311 = arith.constant 16 : i32
        %add3A_312 = vector.broadcast %add3A_311 : i32 to vector<16xi32>
        %add3A_313 = arith.addi %and3A_23, %add3A_312 : vector<16xi32>
        %select_n3A_314 = arith.select %lt3A_310, %add3A_313, %and3A_23 : vector<16xi1>, vector<16xi32>
        %broadcast_in_dim3A_315 = vector.shape_cast %select_n3A_314 : vector<16xi32> to vector<16x1xi32>
        %gather3A_316 = vector.shape_cast %broadcast_in_dim3A_315 : vector<16x1xi32> to vector<16xi32>
        %gather3A_317 = tpu.dynamic_gather %add3A_307[%gather3A_316] in [0] : vector<16xi32>, vector<16xi32> -> vector<16xi32>
        %add3A_318 = arith.addi %add3A_307, %gather3A_317 : vector<16xi32>
        %slice3A_319 = vector.extract_strided_slice %add3A_318 {offsets = [0], sizes = [1], strides = [1]} : vector<16xi32> to vector<1xi32>
        %squeeze3A_320 = vector.extract %slice3A_319[0] : i32 from vector<1xi32>
        %gt3A_321 = arith.constant 0 : i32
        %gt3A_322 = arith.cmpi sgt, %squeeze3A_320, %gt3A_321 : i32
        %add3A_323 = arith.constant 16 : i32
        %add3A_324 = arith.addi %while3A_252, %add3A_323 : i32
        %select_n3A_325 = arith.select %gt3A_322, %add3A_324, %while3A_252 : i32
        scf.yield %select_n3A_325 : i32
      }
      %while3A_96 = arith.constant 1 : i32
      %while3A_97 = scf.for %while3A_251 = %while3A_93 to %while3A_89 step %while3A_96 iter_args(%while3A_252 = %while3A_95) -> (i32)  : i32 {
        %mul3A_253 = arith.constant 16 : i32
        %mul3A_254 = arith.muli %while3A_251, %mul3A_253 : i32
        %get3A = arith.index_cast %mul3A_254 : i32 to index
        %get3A_255 = tpu.vector_load %arg4[%get3A] {strides = array<i32>} : memref<32768xf32, #tpu.memory_space<vmem>>, vector<16xf32>,
        %get3A_256 = vector.shape_cast %get3A_255 : vector<16xf32> to vector<16xf32>
        %bitcast_convert_type3A = tpu.bitcast %get3A_256 : vector<16xf32> -> vector<16xi32>
        %shift_right_arithmetic3A = arith.constant 31 : i32
        %shift_right_arithmetic3A_257 = vector.broadcast %shift_right_arithmetic3A : i32 to vector<16xi32>
        %shift_right_arithmetic3A_258 = arith.shrsi %bitcast_convert_type3A, %shift_right_arithmetic3A_257 : vector<16xi32>
        %and3A_259 = arith.constant 2147483647 : i32
        %and3A_260 = vector.broadcast %and3A_259 : i32 to vector<16xi32>
        %and3A_261 = arith.andi %shift_right_arithmetic3A_258, %and3A_260 : vector<16xi32>
        %xor3A_262 = arith.xori %bitcast_convert_type3A, %and3A_261 : vector<16xi32>
        %ge3A_263 = vector.broadcast %xor3A_81 : i32 to vector<16xi32>
        %ge3A_264 = arith.cmpi sge, %xor3A_262, %ge3A_263 : vector<16xi32>
        %jit3A_265 = arith.constant -2147483648 : i32
        %broadcast_in_dim3A_266 = vector.broadcast %jit3A_265 : i32 to vector<16xi32>
        %select_n3A_267 = arith.select %ge3A_264, %xor3A_262, %broadcast_in_dim3A_266 : vector<16xi1>, vector<16xi32>
        %swap3A_268 = arith.index_cast %while3A_252 : i32 to index
        %swap3A_269 = tpu.vector_load %arg5[%swap3A_268] {strides = array<i32>} : memref<16448xi32, #tpu.memory_space<vmem>>, vector<16xi32>,
        %swap3A_270 = vector.shape_cast %swap3A_269 : vector<16xi32> to vector<16xi32>
        %swap3A_271 = vector.shape_cast %select_n3A_267 : vector<16xi32> to vector<16xi32>
        tpu.vector_store %arg5[%swap3A_268], %swap3A_271 {strides = array<i32>} : memref<16448xi32, #tpu.memory_space<vmem>>, vector<16xi32>,
        %broadcast_in_dim3A_272 = vector.broadcast %while3A : i32 to vector<16xi32>
        %broadcast_in_dim3A_273 = vector.broadcast %while3A_85 : i32 to vector<16xi32>
        %select_n3A_274 = arith.select %ge3A_264, %broadcast_in_dim3A_272, %broadcast_in_dim3A_273 : vector<16xi1>, vector<16xi32>
        %lt3A_275 = arith.constant 0 : i32
        %lt3A_276 = vector.broadcast %lt3A_275 : i32 to vector<16xi32>
        %lt3A_277 = arith.cmpi slt, %and3A_5, %lt3A_276 : vector<16xi32>
        %add3A_278 = arith.constant 16 : i32
        %add3A_279 = vector.broadcast %add3A_278 : i32 to vector<16xi32>
        %add3A_280 = arith.addi %and3A_5, %add3A_279 : vector<16xi32>
        %select_n3A_281 = arith.select %lt3A_277, %add3A_280, %and3A_5 : vector<16xi1>, vector<16xi32>
        %broadcast_in_dim3A_282 = vector.shape_cast %select_n3A_281 : vector<16xi32> to vector<16x1xi32>
        %gather3A_283 = vector.shape_cast %broadcast_in_dim3A_282 : vector<16x1xi32> to vector<16xi32>
        %gather3A_284 = tpu.dynamic_gather %select_n3A_274[%gather3A_283] in [0] : vector<16xi32>, vector<16xi32> -> vector<16xi32>
        %add3A_285 = arith.addi %select_n3A_274, %gather3A_284 : vector<16xi32>
        %lt3A_286 = arith.constant 0 : i32
        %lt3A_287 = vector.broadcast %lt3A_286 : i32 to vector<16xi32>
        %lt3A_288 = arith.cmpi slt, %and3A_11, %lt3A_287 : vector<16xi32>
        %add3A_289 = arith.constant 16 : i32
        %add3A_290 = vector.broadcast %add3A_289 : i32 to vector<16xi32>
        %add3A_291 = arith.addi %and3A_11, %add3A_290 : vector<16xi32>
        %select_n3A_292 = arith.select %lt3A_288, %add3A_291, %and3A_11 : vector<16xi1>, vector<16xi32>
        %broadcast_in_dim3A_293 = vector.shape_cast %select_n3A_292 : vector<16xi32> to vector<16x1xi32>
        %gather3A_294 = vector.shape_cast %broadcast_in_dim3A_293 : vector<16x1xi32> to vector<16xi32>
        %gather3A_295 = tpu.dynamic_gather %add3A_285[%gather3A_294] in [0] : vector<16xi32>, vector<16xi32> -> vector<16xi32>
        %add3A_296 = arith.addi %add3A_285, %gather3A_295 : vector<16xi32>
        %lt3A_297 = arith.constant 0 : i32
        %lt3A_298 = vector.broadcast %lt3A_297 : i32 to vector<16xi32>
        %lt3A_299 = arith.cmpi slt, %and3A_17, %lt3A_298 : vector<16xi32>
        %add3A_300 = arith.constant 16 : i32
        %add3A_301 = vector.broadcast %add3A_300 : i32 to vector<16xi32>
        %add3A_302 = arith.addi %and3A_17, %add3A_301 : vector<16xi32>
        %select_n3A_303 = arith.select %lt3A_299, %add3A_302, %and3A_17 : vector<16xi1>, vector<16xi32>
        %broadcast_in_dim3A_304 = vector.shape_cast %select_n3A_303 : vector<16xi32> to vector<16x1xi32>
        %gather3A_305 = vector.shape_cast %broadcast_in_dim3A_304 : vector<16x1xi32> to vector<16xi32>
        %gather3A_306 = tpu.dynamic_gather %add3A_296[%gather3A_305] in [0] : vector<16xi32>, vector<16xi32> -> vector<16xi32>
        %add3A_307 = arith.addi %add3A_296, %gather3A_306 : vector<16xi32>
        %lt3A_308 = arith.constant 0 : i32
        %lt3A_309 = vector.broadcast %lt3A_308 : i32 to vector<16xi32>
        %lt3A_310 = arith.cmpi slt, %and3A_23, %lt3A_309 : vector<16xi32>
        %add3A_311 = arith.constant 16 : i32
        %add3A_312 = vector.broadcast %add3A_311 : i32 to vector<16xi32>
        %add3A_313 = arith.addi %and3A_23, %add3A_312 : vector<16xi32>
        %select_n3A_314 = arith.select %lt3A_310, %add3A_313, %and3A_23 : vector<16xi1>, vector<16xi32>
        %broadcast_in_dim3A_315 = vector.shape_cast %select_n3A_314 : vector<16xi32> to vector<16x1xi32>
        %gather3A_316 = vector.shape_cast %broadcast_in_dim3A_315 : vector<16x1xi32> to vector<16xi32>
        %gather3A_317 = tpu.dynamic_gather %add3A_307[%gather3A_316] in [0] : vector<16xi32>, vector<16xi32> -> vector<16xi32>
        %add3A_318 = arith.addi %add3A_307, %gather3A_317 : vector<16xi32>
        %slice3A_319 = vector.extract_strided_slice %add3A_318 {offsets = [0], sizes = [1], strides = [1]} : vector<16xi32> to vector<1xi32>
        %squeeze3A_320 = vector.extract %slice3A_319[0] : i32 from vector<1xi32>
        %gt3A_321 = arith.constant 0 : i32
        %gt3A_322 = arith.cmpi sgt, %squeeze3A_320, %gt3A_321 : i32
        %add3A_323 = arith.constant 16 : i32
        %add3A_324 = arith.addi %while3A_252, %add3A_323 : i32
        %select_n3A_325 = arith.select %gt3A_322, %add3A_324, %while3A_252 : i32
        scf.yield %select_n3A_325 : i32
      }
      %not3A_98 = arith.constant true
      %not3A_99 = arith.xori %and3A_64, %not3A_98 : i1
      %jit3A_100 = arith.constant 0 : i32
      %select_n3A_101 = arith.select %not3A_99, %scan3A_74#0, %jit3A_100 : i32
      %select_n3A_102 = arith.select %not3A_99, %scan3A_74#1, %scan3A_60#1 : i32
      %select_n3A_103 = arith.select %not3A_99, %while3A_97, %scan3A_60#0 : i32
      %jit3A_104 = arith.constant 16 : i32
      %div3A = arith.divsi %select_n3A_103, %jit3A_104 : i32
      %sign3A = arith.constant 0 : i32
      %sign3A_105 = arith.cmpi sgt, %select_n3A_103, %sign3A : i32
      %sign3A_106 = arith.extui %sign3A_105 : i1 to i32
      %sign3A_107 = arith.constant 0 : i32
      %sign3A_108 = arith.cmpi slt, %select_n3A_103, %sign3A_107 : i32
      %sign3A_109 = arith.extui %sign3A_108 : i1 to i32
      %sign3A_110 = arith.subi %sign3A_106, %sign3A_109 : i32
      %sign3A_111 = arith.constant 0 : i32
      %sign3A_112 = arith.cmpi sgt, %jit3A_104, %sign3A_111 : i32
      %sign3A_113 = arith.extui %sign3A_112 : i1 to i32
      %sign3A_114 = arith.constant 0 : i32
      %sign3A_115 = arith.cmpi slt, %jit3A_104, %sign3A_114 : i32
      %sign3A_116 = arith.extui %sign3A_115 : i1 to i32
      %sign3A_117 = arith.subi %sign3A_113, %sign3A_116 : i32
      %ne3A = arith.cmpi ne, %sign3A_110, %sign3A_117 : i32
      %rem3A = arith.remsi %select_n3A_103, %jit3A_104 : i32
      %ne3A_118 = arith.constant 0 : i32
      %ne3A_119 = arith.cmpi ne, %rem3A, %ne3A_118 : i32
      %and3A_120 = arith.andi %ne3A, %ne3A_119 : i1
      %sub3A = arith.constant 1 : i32
      %sub3A_121 = arith.subi %div3A, %sub3A : i32
      %select_n3A_122 = arith.select %and3A_120, %sub3A_121, %div3A : i32
      %not3A_123 = arith.constant true
      %not3A_124 = arith.xori %and3A_79, %not3A_123 : i1
      %and3A_125 = arith.andi %not3A_99, %not3A_124 : i1
      %jit3A_126 = arith.constant 0 : i32
      %select_n3A_127 = arith.select %and3A_125, %jit3A_126, %select_n3A_122 : i32
      %broadcast_in_dim3A_128 = arith.constant -2147483648 : i32
      %broadcast_in_dim3A_129 = vector.broadcast %broadcast_in_dim3A_128 : i32 to vector<16xi32>
      %add3A_130 = arith.constant 0 : i32
      %add3A_131 = arith.addi %select_n3A_103, %add3A_130 : i32
      %swap3A_132 = arith.index_cast %add3A_131 : i32 to index
      %swap3A_133 = tpu.vector_load %arg5[%swap3A_132] {strides = array<i32>} : memref<16448xi32, #tpu.memory_space<vmem>>, vector<16xi32>,
      %swap3A_134 = vector.shape_cast %swap3A_133 : vector<16xi32> to vector<16xi32>
      %swap3A_135 = vector.shape_cast %broadcast_in_dim3A_129 : vector<16xi32> to vector<16xi32>
      tpu.vector_store %arg5[%swap3A_132], %swap3A_135 {strides = array<i32>} : memref<16448xi32, #tpu.memory_space<vmem>>, vector<16xi32>,
      %broadcast_in_dim3A_136 = arith.constant -2147483648 : i32
      %broadcast_in_dim3A_137 = vector.broadcast %broadcast_in_dim3A_136 : i32 to vector<16xi32>
      %add3A_138 = arith.constant 16 : i32
      %add3A_139 = arith.addi %select_n3A_103, %add3A_138 : i32
      %swap3A_140 = arith.index_cast %add3A_139 : i32 to index
      %swap3A_141 = tpu.vector_load %arg5[%swap3A_140] {strides = array<i32>} : memref<16448xi32, #tpu.memory_space<vmem>>, vector<16xi32>,
      %swap3A_142 = vector.shape_cast %swap3A_141 : vector<16xi32> to vector<16xi32>
      %swap3A_143 = vector.shape_cast %broadcast_in_dim3A_137 : vector<16xi32> to vector<16xi32>
      tpu.vector_store %arg5[%swap3A_140], %swap3A_143 {strides = array<i32>} : memref<16448xi32, #tpu.memory_space<vmem>>, vector<16xi32>,
      %broadcast_in_dim3A_144 = arith.constant -2147483648 : i32
      %broadcast_in_dim3A_145 = vector.broadcast %broadcast_in_dim3A_144 : i32 to vector<16xi32>
      %add3A_146 = arith.constant 32 : i32
      %add3A_147 = arith.addi %select_n3A_103, %add3A_146 : i32
      %swap3A_148 = arith.index_cast %add3A_147 : i32 to index
      %swap3A_149 = tpu.vector_load %arg5[%swap3A_148] {strides = array<i32>} : memref<16448xi32, #tpu.memory_space<vmem>>, vector<16xi32>,
      %swap3A_150 = vector.shape_cast %swap3A_149 : vector<16xi32> to vector<16xi32>
      %swap3A_151 = vector.shape_cast %broadcast_in_dim3A_145 : vector<16xi32> to vector<16xi32>
      tpu.vector_store %arg5[%swap3A_148], %swap3A_151 {strides = array<i32>} : memref<16448xi32, #tpu.memory_space<vmem>>, vector<16xi32>,
      %scan3A_152 = arith.constant 1 : i32
      %scan3A_153 = arith.constant 0 : i32
      %scan3A_154 = arith.constant 0 : i32
      %scan3A_155 = arith.constant 16 : i32
      %scan3A_156 = arith.addi %scan3A_154, %scan3A_155 : i32
      %scan3A_157 = arith.constant 1 : i32
      %scan3A_158:2 = scf.for %scan3A_251 = %scan3A_154 to %scan3A_156 step %scan3A_157 iter_args(%scan3A_252 = %select_n3A_101, %scan3A_253 = %select_n3A_102) -> (i32, i32)  : i32 {
        %add3A_254 = arith.constant 3 : i32
        %add3A_255 = arith.addi %select_n3A_127, %add3A_254 : i32
        %jit3A_256 = arith.constant 4 : i32
        %div3A_257 = arith.divsi %add3A_255, %jit3A_256 : i32
        %sign3A_258 = arith.constant 0 : i32
        %sign3A_259 = arith.cmpi sgt, %add3A_255, %sign3A_258 : i32
        %sign3A_260 = arith.extui %sign3A_259 : i1 to i32
        %sign3A_261 = arith.constant 0 : i32
        %sign3A_262 = arith.cmpi slt, %add3A_255, %sign3A_261 : i32
        %sign3A_263 = arith.extui %sign3A_262 : i1 to i32
        %sign3A_264 = arith.subi %sign3A_260, %sign3A_263 : i32
        %sign3A_265 = arith.constant 0 : i32
        %sign3A_266 = arith.cmpi sgt, %jit3A_256, %sign3A_265 : i32
        %sign3A_267 = arith.extui %sign3A_266 : i1 to i32
        %sign3A_268 = arith.constant 0 : i32
        %sign3A_269 = arith.cmpi slt, %jit3A_256, %sign3A_268 : i32
        %sign3A_270 = arith.extui %sign3A_269 : i1 to i32
        %sign3A_271 = arith.subi %sign3A_267, %sign3A_270 : i32
        %ne3A_272 = arith.cmpi ne, %sign3A_264, %sign3A_271 : i32
        %rem3A_273 = arith.remsi %add3A_255, %jit3A_256 : i32
        %ne3A_274 = arith.constant 0 : i32
        %ne3A_275 = arith.cmpi ne, %rem3A_273, %ne3A_274 : i32
        %and3A_276 = arith.andi %ne3A_272, %ne3A_275 : i1
        %sub3A_277 = arith.constant 1 : i32
        %sub3A_278 = arith.subi %div3A_257, %sub3A_277 : i32
        %select_n3A_279 = arith.select %and3A_276, %sub3A_278, %div3A_257 : i32
        %gt3A_280 = arith.constant 64 : i32
        %gt3A_281 = arith.cmpi sgt, %scan3A_253, %gt3A_280 : i32
        %jit3A_282 = arith.constant 0 : i32
        %select_n3A_283 = arith.select %gt3A_281, %select_n3A_279, %jit3A_282 : i32
        %mul3A_284 = arith.constant 2 : i32
        %mul3A_285 = arith.muli %mul3A_284, %scan3A_251 : i32
        %sub3A_286 = arith.constant 31 : i32
        %sub3A_287 = arith.subi %sub3A_286, %mul3A_285 : i32
        %shift_left3A = arith.constant 1 : i32
        %shift_left3A_288 = arith.shli %shift_left3A, %sub3A_287 : i32
        %mul3A_289 = arith.constant 2 : i32
        %mul3A_290 = arith.muli %mul3A_289, %scan3A_251 : i32
        %sub3A_291 = arith.constant 30 : i32
        %sub3A_292 = arith.subi %sub3A_291, %mul3A_290 : i32
        %shift_left3A_293 = arith.constant 1 : i32
        %shift_left3A_294 = arith.shli %shift_left3A_293, %sub3A_292 : i32
        %or3A = arith.ori %scan3A_252, %shift_left3A_288 : i32
        %or3A_295 = arith.ori %or3A, %shift_left3A_294 : i32
        %or3A_296 = arith.ori %scan3A_252, %shift_left3A_288 : i32
        %or3A_297 = arith.ori %scan3A_252, %shift_left3A_294 : i32
        %xor3A_298 = arith.constant -2147483648 : i32
        %xor3A_299 = arith.xori %or3A_295, %xor3A_298 : i32
        %xor3A_300 = arith.constant -2147483648 : i32
        %xor3A_301 = arith.xori %or3A_296, %xor3A_300 : i32
        %xor3A_302 = arith.constant -2147483648 : i32
        %xor3A_303 = arith.xori %or3A_297, %xor3A_302 : i32
        %while3A_304 = arith.constant 0 : i32
        %while3A_305 = arith.subi %select_n3A_283, %while3A_304 : i32
        %while3A_306 = arith.addi %while3A_304, %while3A_305 : i32
        %while3A_307 = arith.constant 1 : i32
        %while3A_308 = arith.divsi %while3A_305, %while3A_307 : i32
        %while3A_309 = arith.muli %while3A_308, %while3A_307 : i32
        %while3A_310 = arith.addi %while3A_304, %while3A_309 : i32
        %while3A_311 = arith.constant 1 : i32
        %while3A_312:3 = scf.for %while3A_472 = %while3A_304 to %while3A_310 step %while3A_311 iter_args(%while3A_473 = %broadcast_in_dim3A_39, %while3A_474 = %broadcast_in_dim3A_39, %while3A_475 = %broadcast_in_dim3A_39) -> (vector<16xi32>, vector<16xi32>, vector<16xi32>)  : i32 {
          %mul3A_476 = arith.constant 64 : i32
          %mul3A_477 = arith.muli %while3A_472, %mul3A_476 : i32
          %add3A_478 = arith.constant 0 : i32
          %add3A_479 = arith.addi %mul3A_477, %add3A_478 : i32
          %get3A = arith.index_cast %add3A_479 : i32 to index
          %get3A_480 = tpu.vector_load %arg5[%get3A] {strides = array<i32>} : memref<16448xi32, #tpu.memory_space<vmem>>, vector<16xi32>,
          %get3A_481 = vector.shape_cast %get3A_480 : vector<16xi32> to vector<16xi32>
          %ge3A_482 = vector.broadcast %xor3A_299 : i32 to vector<16xi32>
          %ge3A_483 = arith.cmpi sge, %get3A_481, %ge3A_482 : vector<16xi32>
          %broadcast_in_dim3A_484 = vector.broadcast %scan3A_152 : i32 to vector<16xi32>
          %broadcast_in_dim3A_485 = vector.broadcast %scan3A_153 : i32 to vector<16xi32>
          %select_n3A_486 = arith.select %ge3A_483, %broadcast_in_dim3A_484, %broadcast_in_dim3A_485 : vector<16xi1>, vector<16xi32>
          %add3A_487 = arith.addi %while3A_473, %select_n3A_486 : vector<16xi32>
          %ge3A_488 = vector.broadcast %xor3A_301 : i32 to vector<16xi32>
          %ge3A_489 = arith.cmpi sge, %get3A_481, %ge3A_488 : vector<16xi32>
          %broadcast_in_dim3A_490 = vector.broadcast %scan3A_152 : i32 to vector<16xi32>
          %broadcast_in_dim3A_491 = vector.broadcast %scan3A_153 : i32 to vector<16xi32>
          %select_n3A_492 = arith.select %ge3A_489, %broadcast_in_dim3A_490, %broadcast_in_dim3A_491 : vector<16xi1>, vector<16xi32>
          %add3A_493 = arith.addi %while3A_474, %select_n3A_492 : vector<16xi32>
          %ge3A_494 = vector.broadcast %xor3A_303 : i32 to vector<16xi32>
          %ge3A_495 = arith.cmpi sge, %get3A_481, %ge3A_494 : vector<16xi32>
          %broadcast_in_dim3A_496 = vector.broadcast %scan3A_152 : i32 to vector<16xi32>
          %broadcast_in_dim3A_497 = vector.broadcast %scan3A_153 : i32 to vector<16xi32>
          %select_n3A_498 = arith.select %ge3A_495, %broadcast_in_dim3A_496, %broadcast_in_dim3A_497 : vector<16xi1>, vector<16xi32>
          %add3A_499 = arith.addi %while3A_475, %select_n3A_498 : vector<16xi32>
          %add3A_500 = arith.constant 16 : i32
          %add3A_501 = arith.addi %mul3A_477, %add3A_500 : i32
          %get3A_502 = arith.index_cast %add3A_501 : i32 to index
          %get3A_503 = tpu.vector_load %arg5[%get3A_502] {strides = array<i32>} : memref<16448xi32, #tpu.memory_space<vmem>>, vector<16xi32>,
          %get3A_504 = vector.shape_cast %get3A_503 : vector<16xi32> to vector<16xi32>
          %ge3A_505 = vector.broadcast %xor3A_299 : i32 to vector<16xi32>
          %ge3A_506 = arith.cmpi sge, %get3A_504, %ge3A_505 : vector<16xi32>
          %broadcast_in_dim3A_507 = vector.broadcast %scan3A_152 : i32 to vector<16xi32>
          %broadcast_in_dim3A_508 = vector.broadcast %scan3A_153 : i32 to vector<16xi32>
          %select_n3A_509 = arith.select %ge3A_506, %broadcast_in_dim3A_507, %broadcast_in_dim3A_508 : vector<16xi1>, vector<16xi32>
          %add3A_510 = arith.addi %add3A_487, %select_n3A_509 : vector<16xi32>
          %ge3A_511 = vector.broadcast %xor3A_301 : i32 to vector<16xi32>
          %ge3A_512 = arith.cmpi sge, %get3A_504, %ge3A_511 : vector<16xi32>
          %broadcast_in_dim3A_513 = vector.broadcast %scan3A_152 : i32 to vector<16xi32>
          %broadcast_in_dim3A_514 = vector.broadcast %scan3A_153 : i32 to vector<16xi32>
          %select_n3A_515 = arith.select %ge3A_512, %broadcast_in_dim3A_513, %broadcast_in_dim3A_514 : vector<16xi1>, vector<16xi32>
          %add3A_516 = arith.addi %add3A_493, %select_n3A_515 : vector<16xi32>
          %ge3A_517 = vector.broadcast %xor3A_303 : i32 to vector<16xi32>
          %ge3A_518 = arith.cmpi sge, %get3A_504, %ge3A_517 : vector<16xi32>
          %broadcast_in_dim3A_519 = vector.broadcast %scan3A_152 : i32 to vector<16xi32>
          %broadcast_in_dim3A_520 = vector.broadcast %scan3A_153 : i32 to vector<16xi32>
          %select_n3A_521 = arith.select %ge3A_518, %broadcast_in_dim3A_519, %broadcast_in_dim3A_520 : vector<16xi1>, vector<16xi32>
          %add3A_522 = arith.addi %add3A_499, %select_n3A_521 : vector<16xi32>
          %add3A_523 = arith.constant 32 : i32
          %add3A_524 = arith.addi %mul3A_477, %add3A_523 : i32
          %get3A_525 = arith.index_cast %add3A_524 : i32 to index
          %get3A_526 = tpu.vector_load %arg5[%get3A_525] {strides = array<i32>} : memref<16448xi32, #tpu.memory_space<vmem>>, vector<16xi32>,
          %get3A_527 = vector.shape_cast %get3A_526 : vector<16xi32> to vector<16xi32>
          %ge3A_528 = vector.broadcast %xor3A_299 : i32 to vector<16xi32>
          %ge3A_529 = arith.cmpi sge, %get3A_527, %ge3A_528 : vector<16xi32>
          %broadcast_in_dim3A_530 = vector.broadcast %scan3A_152 : i32 to vector<16xi32>
          %broadcast_in_dim3A_531 = vector.broadcast %scan3A_153 : i32 to vector<16xi32>
          %select_n3A_532 = arith.select %ge3A_529, %broadcast_in_dim3A_530, %broadcast_in_dim3A_531 : vector<16xi1>, vector<16xi32>
          %add3A_533 = arith.addi %add3A_510, %select_n3A_532 : vector<16xi32>
          %ge3A_534 = vector.broadcast %xor3A_301 : i32 to vector<16xi32>
          %ge3A_535 = arith.cmpi sge, %get3A_527, %ge3A_534 : vector<16xi32>
          %broadcast_in_dim3A_536 = vector.broadcast %scan3A_152 : i32 to vector<16xi32>
          %broadcast_in_dim3A_537 = vector.broadcast %scan3A_153 : i32 to vector<16xi32>
          %select_n3A_538 = arith.select %ge3A_535, %broadcast_in_dim3A_536, %broadcast_in_dim3A_537 : vector<16xi1>, vector<16xi32>
          %add3A_539 = arith.addi %add3A_516, %select_n3A_538 : vector<16xi32>
          %ge3A_540 = vector.broadcast %xor3A_303 : i32 to vector<16xi32>
          %ge3A_541 = arith.cmpi sge, %get3A_527, %ge3A_540 : vector<16xi32>
          %broadcast_in_dim3A_542 = vector.broadcast %scan3A_152 : i32 to vector<16xi32>
          %broadcast_in_dim3A_543 = vector.broadcast %scan3A_153 : i32 to vector<16xi32>
          %select_n3A_544 = arith.select %ge3A_541, %broadcast_in_dim3A_542, %broadcast_in_dim3A_543 : vector<16xi1>, vector<16xi32>
          %add3A_545 = arith.addi %add3A_522, %select_n3A_544 : vector<16xi32>
          %add3A_546 = arith.constant 48 : i32
          %add3A_547 = arith.addi %mul3A_477, %add3A_546 : i32
          %get3A_548 = arith.index_cast %add3A_547 : i32 to index
          %get3A_549 = tpu.vector_load %arg5[%get3A_548] {strides = array<i32>} : memref<16448xi32, #tpu.memory_space<vmem>>, vector<16xi32>,
          %get3A_550 = vector.shape_cast %get3A_549 : vector<16xi32> to vector<16xi32>
          %ge3A_551 = vector.broadcast %xor3A_299 : i32 to vector<16xi32>
          %ge3A_552 = arith.cmpi sge, %get3A_550, %ge3A_551 : vector<16xi32>
          %broadcast_in_dim3A_553 = vector.broadcast %scan3A_152 : i32 to vector<16xi32>
          %broadcast_in_dim3A_554 = vector.broadcast %scan3A_153 : i32 to vector<16xi32>
          %select_n3A_555 = arith.select %ge3A_552, %broadcast_in_dim3A_553, %broadcast_in_dim3A_554 : vector<16xi1>, vector<16xi32>
          %add3A_556 = arith.addi %add3A_533, %select_n3A_555 : vector<16xi32>
          %ge3A_557 = vector.broadcast %xor3A_301 : i32 to vector<16xi32>
          %ge3A_558 = arith.cmpi sge, %get3A_550, %ge3A_557 : vector<16xi32>
          %broadcast_in_dim3A_559 = vector.broadcast %scan3A_152 : i32 to vector<16xi32>
          %broadcast_in_dim3A_560 = vector.broadcast %scan3A_153 : i32 to vector<16xi32>
          %select_n3A_561 = arith.select %ge3A_558, %broadcast_in_dim3A_559, %broadcast_in_dim3A_560 : vector<16xi1>, vector<16xi32>
          %add3A_562 = arith.addi %add3A_539, %select_n3A_561 : vector<16xi32>
          %ge3A_563 = vector.broadcast %xor3A_303 : i32 to vector<16xi32>
          %ge3A_564 = arith.cmpi sge, %get3A_550, %ge3A_563 : vector<16xi32>
          %broadcast_in_dim3A_565 = vector.broadcast %scan3A_152 : i32 to vector<16xi32>
          %broadcast_in_dim3A_566 = vector.broadcast %scan3A_153 : i32 to vector<16xi32>
          %select_n3A_567 = arith.select %ge3A_564, %broadcast_in_dim3A_565, %broadcast_in_dim3A_566 : vector<16xi1>, vector<16xi32>
          %add3A_568 = arith.addi %add3A_545, %select_n3A_567 : vector<16xi32>
          scf.yield %add3A_556, %add3A_562, %add3A_568 : vector<16xi32>, vector<16xi32>, vector<16xi32>
        }
        %while3A_313 = arith.constant 1 : i32
        %while3A_314:3 = scf.for %while3A_472 = %while3A_310 to %while3A_306 step %while3A_313 iter_args(%while3A_473 = %while3A_312#0, %while3A_474 = %while3A_312#1, %while3A_475 = %while3A_312#2) -> (vector<16xi32>, vector<16xi32>, vector<16xi32>)  : i32 {
          %mul3A_476 = arith.constant 64 : i32
          %mul3A_477 = arith.muli %while3A_472, %mul3A_476 : i32
          %add3A_478 = arith.constant 0 : i32
          %add3A_479 = arith.addi %mul3A_477, %add3A_478 : i32
          %get3A = arith.index_cast %add3A_479 : i32 to index
          %get3A_480 = tpu.vector_load %arg5[%get3A] {strides = array<i32>} : memref<16448xi32, #tpu.memory_space<vmem>>, vector<16xi32>,
          %get3A_481 = vector.shape_cast %get3A_480 : vector<16xi32> to vector<16xi32>
          %ge3A_482 = vector.broadcast %xor3A_299 : i32 to vector<16xi32>
          %ge3A_483 = arith.cmpi sge, %get3A_481, %ge3A_482 : vector<16xi32>
          %broadcast_in_dim3A_484 = vector.broadcast %scan3A_152 : i32 to vector<16xi32>
          %broadcast_in_dim3A_485 = vector.broadcast %scan3A_153 : i32 to vector<16xi32>
          %select_n3A_486 = arith.select %ge3A_483, %broadcast_in_dim3A_484, %broadcast_in_dim3A_485 : vector<16xi1>, vector<16xi32>
          %add3A_487 = arith.addi %while3A_473, %select_n3A_486 : vector<16xi32>
          %ge3A_488 = vector.broadcast %xor3A_301 : i32 to vector<16xi32>
          %ge3A_489 = arith.cmpi sge, %get3A_481, %ge3A_488 : vector<16xi32>
          %broadcast_in_dim3A_490 = vector.broadcast %scan3A_152 : i32 to vector<16xi32>
          %broadcast_in_dim3A_491 = vector.broadcast %scan3A_153 : i32 to vector<16xi32>
          %select_n3A_492 = arith.select %ge3A_489, %broadcast_in_dim3A_490, %broadcast_in_dim3A_491 : vector<16xi1>, vector<16xi32>
          %add3A_493 = arith.addi %while3A_474, %select_n3A_492 : vector<16xi32>
          %ge3A_494 = vector.broadcast %xor3A_303 : i32 to vector<16xi32>
          %ge3A_495 = arith.cmpi sge, %get3A_481, %ge3A_494 : vector<16xi32>
          %broadcast_in_dim3A_496 = vector.broadcast %scan3A_152 : i32 to vector<16xi32>
          %broadcast_in_dim3A_497 = vector.broadcast %scan3A_153 : i32 to vector<16xi32>
          %select_n3A_498 = arith.select %ge3A_495, %broadcast_in_dim3A_496, %broadcast_in_dim3A_497 : vector<16xi1>, vector<16xi32>
          %add3A_499 = arith.addi %while3A_475, %select_n3A_498 : vector<16xi32>
          %add3A_500 = arith.constant 16 : i32
          %add3A_501 = arith.addi %mul3A_477, %add3A_500 : i32
          %get3A_502 = arith.index_cast %add3A_501 : i32 to index
          %get3A_503 = tpu.vector_load %arg5[%get3A_502] {strides = array<i32>} : memref<16448xi32, #tpu.memory_space<vmem>>, vector<16xi32>,
          %get3A_504 = vector.shape_cast %get3A_503 : vector<16xi32> to vector<16xi32>
          %ge3A_505 = vector.broadcast %xor3A_299 : i32 to vector<16xi32>
          %ge3A_506 = arith.cmpi sge, %get3A_504, %ge3A_505 : vector<16xi32>
          %broadcast_in_dim3A_507 = vector.broadcast %scan3A_152 : i32 to vector<16xi32>
          %broadcast_in_dim3A_508 = vector.broadcast %scan3A_153 : i32 to vector<16xi32>
          %select_n3A_509 = arith.select %ge3A_506, %broadcast_in_dim3A_507, %broadcast_in_dim3A_508 : vector<16xi1>, vector<16xi32>
          %add3A_510 = arith.addi %add3A_487, %select_n3A_509 : vector<16xi32>
          %ge3A_511 = vector.broadcast %xor3A_301 : i32 to vector<16xi32>
          %ge3A_512 = arith.cmpi sge, %get3A_504, %ge3A_511 : vector<16xi32>
          %broadcast_in_dim3A_513 = vector.broadcast %scan3A_152 : i32 to vector<16xi32>
          %broadcast_in_dim3A_514 = vector.broadcast %scan3A_153 : i32 to vector<16xi32>
          %select_n3A_515 = arith.select %ge3A_512, %broadcast_in_dim3A_513, %broadcast_in_dim3A_514 : vector<16xi1>, vector<16xi32>
          %add3A_516 = arith.addi %add3A_493, %select_n3A_515 : vector<16xi32>
          %ge3A_517 = vector.broadcast %xor3A_303 : i32 to vector<16xi32>
          %ge3A_518 = arith.cmpi sge, %get3A_504, %ge3A_517 : vector<16xi32>
          %broadcast_in_dim3A_519 = vector.broadcast %scan3A_152 : i32 to vector<16xi32>
          %broadcast_in_dim3A_520 = vector.broadcast %scan3A_153 : i32 to vector<16xi32>
          %select_n3A_521 = arith.select %ge3A_518, %broadcast_in_dim3A_519, %broadcast_in_dim3A_520 : vector<16xi1>, vector<16xi32>
          %add3A_522 = arith.addi %add3A_499, %select_n3A_521 : vector<16xi32>
          %add3A_523 = arith.constant 32 : i32
          %add3A_524 = arith.addi %mul3A_477, %add3A_523 : i32
          %get3A_525 = arith.index_cast %add3A_524 : i32 to index
          %get3A_526 = tpu.vector_load %arg5[%get3A_525] {strides = array<i32>} : memref<16448xi32, #tpu.memory_space<vmem>>, vector<16xi32>,
          %get3A_527 = vector.shape_cast %get3A_526 : vector<16xi32> to vector<16xi32>
          %ge3A_528 = vector.broadcast %xor3A_299 : i32 to vector<16xi32>
          %ge3A_529 = arith.cmpi sge, %get3A_527, %ge3A_528 : vector<16xi32>
          %broadcast_in_dim3A_530 = vector.broadcast %scan3A_152 : i32 to vector<16xi32>
          %broadcast_in_dim3A_531 = vector.broadcast %scan3A_153 : i32 to vector<16xi32>
          %select_n3A_532 = arith.select %ge3A_529, %broadcast_in_dim3A_530, %broadcast_in_dim3A_531 : vector<16xi1>, vector<16xi32>
          %add3A_533 = arith.addi %add3A_510, %select_n3A_532 : vector<16xi32>
          %ge3A_534 = vector.broadcast %xor3A_301 : i32 to vector<16xi32>
          %ge3A_535 = arith.cmpi sge, %get3A_527, %ge3A_534 : vector<16xi32>
          %broadcast_in_dim3A_536 = vector.broadcast %scan3A_152 : i32 to vector<16xi32>
          %broadcast_in_dim3A_537 = vector.broadcast %scan3A_153 : i32 to vector<16xi32>
          %select_n3A_538 = arith.select %ge3A_535, %broadcast_in_dim3A_536, %broadcast_in_dim3A_537 : vector<16xi1>, vector<16xi32>
          %add3A_539 = arith.addi %add3A_516, %select_n3A_538 : vector<16xi32>
          %ge3A_540 = vector.broadcast %xor3A_303 : i32 to vector<16xi32>
          %ge3A_541 = arith.cmpi sge, %get3A_527, %ge3A_540 : vector<16xi32>
          %broadcast_in_dim3A_542 = vector.broadcast %scan3A_152 : i32 to vector<16xi32>
          %broadcast_in_dim3A_543 = vector.broadcast %scan3A_153 : i32 to vector<16xi32>
          %select_n3A_544 = arith.select %ge3A_541, %broadcast_in_dim3A_542, %broadcast_in_dim3A_543 : vector<16xi1>, vector<16xi32>
          %add3A_545 = arith.addi %add3A_522, %select_n3A_544 : vector<16xi32>
          %add3A_546 = arith.constant 48 : i32
          %add3A_547 = arith.addi %mul3A_477, %add3A_546 : i32
          %get3A_548 = arith.index_cast %add3A_547 : i32 to index
          %get3A_549 = tpu.vector_load %arg5[%get3A_548] {strides = array<i32>} : memref<16448xi32, #tpu.memory_space<vmem>>, vector<16xi32>,
          %get3A_550 = vector.shape_cast %get3A_549 : vector<16xi32> to vector<16xi32>
          %ge3A_551 = vector.broadcast %xor3A_299 : i32 to vector<16xi32>
          %ge3A_552 = arith.cmpi sge, %get3A_550, %ge3A_551 : vector<16xi32>
          %broadcast_in_dim3A_553 = vector.broadcast %scan3A_152 : i32 to vector<16xi32>
          %broadcast_in_dim3A_554 = vector.broadcast %scan3A_153 : i32 to vector<16xi32>
          %select_n3A_555 = arith.select %ge3A_552, %broadcast_in_dim3A_553, %broadcast_in_dim3A_554 : vector<16xi1>, vector<16xi32>
          %add3A_556 = arith.addi %add3A_533, %select_n3A_555 : vector<16xi32>
          %ge3A_557 = vector.broadcast %xor3A_301 : i32 to vector<16xi32>
          %ge3A_558 = arith.cmpi sge, %get3A_550, %ge3A_557 : vector<16xi32>
          %broadcast_in_dim3A_559 = vector.broadcast %scan3A_152 : i32 to vector<16xi32>
          %broadcast_in_dim3A_560 = vector.broadcast %scan3A_153 : i32 to vector<16xi32>
          %select_n3A_561 = arith.select %ge3A_558, %broadcast_in_dim3A_559, %broadcast_in_dim3A_560 : vector<16xi1>, vector<16xi32>
          %add3A_562 = arith.addi %add3A_539, %select_n3A_561 : vector<16xi32>
          %ge3A_563 = vector.broadcast %xor3A_303 : i32 to vector<16xi32>
          %ge3A_564 = arith.cmpi sge, %get3A_550, %ge3A_563 : vector<16xi32>
          %broadcast_in_dim3A_565 = vector.broadcast %scan3A_152 : i32 to vector<16xi32>
          %broadcast_in_dim3A_566 = vector.broadcast %scan3A_153 : i32 to vector<16xi32>
          %select_n3A_567 = arith.select %ge3A_564, %broadcast_in_dim3A_565, %broadcast_in_dim3A_566 : vector<16xi1>, vector<16xi32>
          %add3A_568 = arith.addi %add3A_545, %select_n3A_567 : vector<16xi32>
          scf.yield %add3A_556, %add3A_562, %add3A_568 : vector<16xi32>, vector<16xi32>, vector<16xi32>
        }
        %lt3A_315 = arith.constant 0 : i32
        %lt3A_316 = vector.broadcast %lt3A_315 : i32 to vector<16xi32>
        %lt3A_317 = arith.cmpi slt, %and3A_5, %lt3A_316 : vector<16xi32>
        %add3A_318 = arith.constant 16 : i32
        %add3A_319 = vector.broadcast %add3A_318 : i32 to vector<16xi32>
        %add3A_320 = arith.addi %and3A_5, %add3A_319 : vector<16xi32>
        %select_n3A_321 = arith.select %lt3A_317, %add3A_320, %and3A_5 : vector<16xi1>, vector<16xi32>
        %broadcast_in_dim3A_322 = vector.shape_cast %select_n3A_321 : vector<16xi32> to vector<16x1xi32>
        %gather3A_323 = vector.shape_cast %broadcast_in_dim3A_322 : vector<16x1xi32> to vector<16xi32>
        %gather3A_324 = tpu.dynamic_gather %while3A_314#0[%gather3A_323] in [0] : vector<16xi32>, vector<16xi32> -> vector<16xi32>
        %add3A_325 = arith.addi %while3A_314#0, %gather3A_324 : vector<16xi32>
        %lt3A_326 = arith.constant 0 : i32
        %lt3A_327 = vector.broadcast %lt3A_326 : i32 to vector<16xi32>
        %lt3A_328 = arith.cmpi slt, %and3A_11, %lt3A_327 : vector<16xi32>
        %add3A_329 = arith.constant 16 : i32
        %add3A_330 = vector.broadcast %add3A_329 : i32 to vector<16xi32>
        %add3A_331 = arith.addi %and3A_11, %add3A_330 : vector<16xi32>
        %select_n3A_332 = arith.select %lt3A_328, %add3A_331, %and3A_11 : vector<16xi1>, vector<16xi32>
        %broadcast_in_dim3A_333 = vector.shape_cast %select_n3A_332 : vector<16xi32> to vector<16x1xi32>
        %gather3A_334 = vector.shape_cast %broadcast_in_dim3A_333 : vector<16x1xi32> to vector<16xi32>
        %gather3A_335 = tpu.dynamic_gather %add3A_325[%gather3A_334] in [0] : vector<16xi32>, vector<16xi32> -> vector<16xi32>
        %add3A_336 = arith.addi %add3A_325, %gather3A_335 : vector<16xi32>
        %lt3A_337 = arith.constant 0 : i32
        %lt3A_338 = vector.broadcast %lt3A_337 : i32 to vector<16xi32>
        %lt3A_339 = arith.cmpi slt, %and3A_17, %lt3A_338 : vector<16xi32>
        %add3A_340 = arith.constant 16 : i32
        %add3A_341 = vector.broadcast %add3A_340 : i32 to vector<16xi32>
        %add3A_342 = arith.addi %and3A_17, %add3A_341 : vector<16xi32>
        %select_n3A_343 = arith.select %lt3A_339, %add3A_342, %and3A_17 : vector<16xi1>, vector<16xi32>
        %broadcast_in_dim3A_344 = vector.shape_cast %select_n3A_343 : vector<16xi32> to vector<16x1xi32>
        %gather3A_345 = vector.shape_cast %broadcast_in_dim3A_344 : vector<16x1xi32> to vector<16xi32>
        %gather3A_346 = tpu.dynamic_gather %add3A_336[%gather3A_345] in [0] : vector<16xi32>, vector<16xi32> -> vector<16xi32>
        %add3A_347 = arith.addi %add3A_336, %gather3A_346 : vector<16xi32>
        %lt3A_348 = arith.constant 0 : i32
        %lt3A_349 = vector.broadcast %lt3A_348 : i32 to vector<16xi32>
        %lt3A_350 = arith.cmpi slt, %and3A_23, %lt3A_349 : vector<16xi32>
        %add3A_351 = arith.constant 16 : i32
        %add3A_352 = vector.broadcast %add3A_351 : i32 to vector<16xi32>
        %add3A_353 = arith.addi %and3A_23, %add3A_352 : vector<16xi32>
        %select_n3A_354 = arith.select %lt3A_350, %add3A_353, %and3A_23 : vector<16xi1>, vector<16xi32>
        %broadcast_in_dim3A_355 = vector.shape_cast %select_n3A_354 : vector<16xi32> to vector<16x1xi32>
        %gather3A_356 = vector.shape_cast %broadcast_in_dim3A_355 : vector<16x1xi32> to vector<16xi32>
        %gather3A_357 = tpu.dynamic_gather %add3A_347[%gather3A_356] in [0] : vector<16xi32>, vector<16xi32> -> vector<16xi32>
        %add3A_358 = arith.addi %add3A_347, %gather3A_357 : vector<16xi32>
        %slice3A_359 = vector.extract_strided_slice %add3A_358 {offsets = [0], sizes = [1], strides = [1]} : vector<16xi32> to vector<1xi32>
        %squeeze3A_360 = vector.extract %slice3A_359[0] : i32 from vector<1xi32>
        %lt3A_361 = arith.constant 0 : i32
        %lt3A_362 = vector.broadcast %lt3A_361 : i32 to vector<16xi32>
        %lt3A_363 = arith.cmpi slt, %and3A_5, %lt3A_362 : vector<16xi32>
        %add3A_364 = arith.constant 16 : i32
        %add3A_365 = vector.broadcast %add3A_364 : i32 to vector<16xi32>
        %add3A_366 = arith.addi %and3A_5, %add3A_365 : vector<16xi32>
        %select_n3A_367 = arith.select %lt3A_363, %add3A_366, %and3A_5 : vector<16xi1>, vector<16xi32>
        %broadcast_in_dim3A_368 = vector.shape_cast %select_n3A_367 : vector<16xi32> to vector<16x1xi32>
        %gather3A_369 = vector.shape_cast %broadcast_in_dim3A_368 : vector<16x1xi32> to vector<16xi32>
        %gather3A_370 = tpu.dynamic_gather %while3A_314#1[%gather3A_369] in [0] : vector<16xi32>, vector<16xi32> -> vector<16xi32>
        %add3A_371 = arith.addi %while3A_314#1, %gather3A_370 : vector<16xi32>
        %lt3A_372 = arith.constant 0 : i32
        %lt3A_373 = vector.broadcast %lt3A_372 : i32 to vector<16xi32>
        %lt3A_374 = arith.cmpi slt, %and3A_11, %lt3A_373 : vector<16xi32>
        %add3A_375 = arith.constant 16 : i32
        %add3A_376 = vector.broadcast %add3A_375 : i32 to vector<16xi32>
        %add3A_377 = arith.addi %and3A_11, %add3A_376 : vector<16xi32>
        %select_n3A_378 = arith.select %lt3A_374, %add3A_377, %and3A_11 : vector<16xi1>, vector<16xi32>
        %broadcast_in_dim3A_379 = vector.shape_cast %select_n3A_378 : vector<16xi32> to vector<16x1xi32>
        %gather3A_380 = vector.shape_cast %broadcast_in_dim3A_379 : vector<16x1xi32> to vector<16xi32>
        %gather3A_381 = tpu.dynamic_gather %add3A_371[%gather3A_380] in [0] : vector<16xi32>, vector<16xi32> -> vector<16xi32>
        %add3A_382 = arith.addi %add3A_371, %gather3A_381 : vector<16xi32>
        %lt3A_383 = arith.constant 0 : i32
        %lt3A_384 = vector.broadcast %lt3A_383 : i32 to vector<16xi32>
        %lt3A_385 = arith.cmpi slt, %and3A_17, %lt3A_384 : vector<16xi32>
        %add3A_386 = arith.constant 16 : i32
        %add3A_387 = vector.broadcast %add3A_386 : i32 to vector<16xi32>
        %add3A_388 = arith.addi %and3A_17, %add3A_387 : vector<16xi32>
        %select_n3A_389 = arith.select %lt3A_385, %add3A_388, %and3A_17 : vector<16xi1>, vector<16xi32>
        %broadcast_in_dim3A_390 = vector.shape_cast %select_n3A_389 : vector<16xi32> to vector<16x1xi32>
        %gather3A_391 = vector.shape_cast %broadcast_in_dim3A_390 : vector<16x1xi32> to vector<16xi32>
        %gather3A_392 = tpu.dynamic_gather %add3A_382[%gather3A_391] in [0] : vector<16xi32>, vector<16xi32> -> vector<16xi32>
        %add3A_393 = arith.addi %add3A_382, %gather3A_392 : vector<16xi32>
        %lt3A_394 = arith.constant 0 : i32
        %lt3A_395 = vector.broadcast %lt3A_394 : i32 to vector<16xi32>
        %lt3A_396 = arith.cmpi slt, %and3A_23, %lt3A_395 : vector<16xi32>
        %add3A_397 = arith.constant 16 : i32
        %add3A_398 = vector.broadcast %add3A_397 : i32 to vector<16xi32>
        %add3A_399 = arith.addi %and3A_23, %add3A_398 : vector<16xi32>
        %select_n3A_400 = arith.select %lt3A_396, %add3A_399, %and3A_23 : vector<16xi1>, vector<16xi32>
        %broadcast_in_dim3A_401 = vector.shape_cast %select_n3A_400 : vector<16xi32> to vector<16x1xi32>
        %gather3A_402 = vector.shape_cast %broadcast_in_dim3A_401 : vector<16x1xi32> to vector<16xi32>
        %gather3A_403 = tpu.dynamic_gather %add3A_393[%gather3A_402] in [0] : vector<16xi32>, vector<16xi32> -> vector<16xi32>
        %add3A_404 = arith.addi %add3A_393, %gather3A_403 : vector<16xi32>
        %slice3A_405 = vector.extract_strided_slice %add3A_404 {offsets = [0], sizes = [1], strides = [1]} : vector<16xi32> to vector<1xi32>
        %squeeze3A_406 = vector.extract %slice3A_405[0] : i32 from vector<1xi32>
        %lt3A_407 = arith.constant 0 : i32
        %lt3A_408 = vector.broadcast %lt3A_407 : i32 to vector<16xi32>
        %lt3A_409 = arith.cmpi slt, %and3A_5, %lt3A_408 : vector<16xi32>
        %add3A_410 = arith.constant 16 : i32
        %add3A_411 = vector.broadcast %add3A_410 : i32 to vector<16xi32>
        %add3A_412 = arith.addi %and3A_5, %add3A_411 : vector<16xi32>
        %select_n3A_413 = arith.select %lt3A_409, %add3A_412, %and3A_5 : vector<16xi1>, vector<16xi32>
        %broadcast_in_dim3A_414 = vector.shape_cast %select_n3A_413 : vector<16xi32> to vector<16x1xi32>
        %gather3A_415 = vector.shape_cast %broadcast_in_dim3A_414 : vector<16x1xi32> to vector<16xi32>
        %gather3A_416 = tpu.dynamic_gather %while3A_314#2[%gather3A_415] in [0] : vector<16xi32>, vector<16xi32> -> vector<16xi32>
        %add3A_417 = arith.addi %while3A_314#2, %gather3A_416 : vector<16xi32>
        %lt3A_418 = arith.constant 0 : i32
        %lt3A_419 = vector.broadcast %lt3A_418 : i32 to vector<16xi32>
        %lt3A_420 = arith.cmpi slt, %and3A_11, %lt3A_419 : vector<16xi32>
        %add3A_421 = arith.constant 16 : i32
        %add3A_422 = vector.broadcast %add3A_421 : i32 to vector<16xi32>
        %add3A_423 = arith.addi %and3A_11, %add3A_422 : vector<16xi32>
        %select_n3A_424 = arith.select %lt3A_420, %add3A_423, %and3A_11 : vector<16xi1>, vector<16xi32>
        %broadcast_in_dim3A_425 = vector.shape_cast %select_n3A_424 : vector<16xi32> to vector<16x1xi32>
        %gather3A_426 = vector.shape_cast %broadcast_in_dim3A_425 : vector<16x1xi32> to vector<16xi32>
        %gather3A_427 = tpu.dynamic_gather %add3A_417[%gather3A_426] in [0] : vector<16xi32>, vector<16xi32> -> vector<16xi32>
        %add3A_428 = arith.addi %add3A_417, %gather3A_427 : vector<16xi32>
        %lt3A_429 = arith.constant 0 : i32
        %lt3A_430 = vector.broadcast %lt3A_429 : i32 to vector<16xi32>
        %lt3A_431 = arith.cmpi slt, %and3A_17, %lt3A_430 : vector<16xi32>
        %add3A_432 = arith.constant 16 : i32
        %add3A_433 = vector.broadcast %add3A_432 : i32 to vector<16xi32>
        %add3A_434 = arith.addi %and3A_17, %add3A_433 : vector<16xi32>
        %select_n3A_435 = arith.select %lt3A_431, %add3A_434, %and3A_17 : vector<16xi1>, vector<16xi32>
        %broadcast_in_dim3A_436 = vector.shape_cast %select_n3A_435 : vector<16xi32> to vector<16x1xi32>
        %gather3A_437 = vector.shape_cast %broadcast_in_dim3A_436 : vector<16x1xi32> to vector<16xi32>
        %gather3A_438 = tpu.dynamic_gather %add3A_428[%gather3A_437] in [0] : vector<16xi32>, vector<16xi32> -> vector<16xi32>
        %add3A_439 = arith.addi %add3A_428, %gather3A_438 : vector<16xi32>
        %lt3A_440 = arith.constant 0 : i32
        %lt3A_441 = vector.broadcast %lt3A_440 : i32 to vector<16xi32>
        %lt3A_442 = arith.cmpi slt, %and3A_23, %lt3A_441 : vector<16xi32>
        %add3A_443 = arith.constant 16 : i32
        %add3A_444 = vector.broadcast %add3A_443 : i32 to vector<16xi32>
        %add3A_445 = arith.addi %and3A_23, %add3A_444 : vector<16xi32>
        %select_n3A_446 = arith.select %lt3A_442, %add3A_445, %and3A_23 : vector<16xi1>, vector<16xi32>
        %broadcast_in_dim3A_447 = vector.shape_cast %select_n3A_446 : vector<16xi32> to vector<16x1xi32>
        %gather3A_448 = vector.shape_cast %broadcast_in_dim3A_447 : vector<16x1xi32> to vector<16xi32>
        %gather3A_449 = tpu.dynamic_gather %add3A_439[%gather3A_448] in [0] : vector<16xi32>, vector<16xi32> -> vector<16xi32>
        %add3A_450 = arith.addi %add3A_439, %gather3A_449 : vector<16xi32>
        %slice3A_451 = vector.extract_strided_slice %add3A_450 {offsets = [0], sizes = [1], strides = [1]} : vector<16xi32> to vector<1xi32>
        %squeeze3A_452 = vector.extract %slice3A_451[0] : i32 from vector<1xi32>
        %ge3A_453 = arith.constant 64 : i32
        %ge3A_454 = arith.cmpi sge, %squeeze3A_360, %ge3A_453 : i32
        %not3A_455 = arith.constant true
        %not3A_456 = arith.xori %ge3A_454, %not3A_455 : i1
        %ge3A_457 = arith.constant 64 : i32
        %ge3A_458 = arith.cmpi sge, %squeeze3A_406, %ge3A_457 : i32
        %and3A_459 = arith.andi %not3A_456, %ge3A_458 : i1
        %or3A_460 = arith.ori %ge3A_454, %and3A_459 : i1
        %not3A_461 = arith.constant true
        %not3A_462 = arith.xori %or3A_460, %not3A_461 : i1
        %ge3A_463 = arith.constant 64 : i32
        %ge3A_464 = arith.cmpi sge, %squeeze3A_452, %ge3A_463 : i32
        %and3A_465 = arith.andi %not3A_462, %ge3A_464 : i1
        %select_n3A_466 = arith.select %and3A_465, %or3A_297, %scan3A_252 : i32
        %select_n3A_467 = arith.select %and3A_459, %or3A_296, %select_n3A_466 : i32
        %select_n3A_468 = arith.select %ge3A_454, %or3A_295, %select_n3A_467 : i32
        %select_n3A_469 = arith.select %and3A_465, %squeeze3A_452, %scan3A_253 : i32
        %select_n3A_470 = arith.select %and3A_459, %squeeze3A_406, %select_n3A_469 : i32
        %select_n3A_471 = arith.select %ge3A_454, %squeeze3A_360, %select_n3A_470 : i32
        scf.yield %select_n3A_468, %select_n3A_471 : i32, i32
      }
      %scan3A_159 = arith.constant 16 : i32
      %eq3A = arith.constant 64 : i32
      %eq3A_160 = arith.cmpi eq, %scan3A_60#1, %eq3A : i32
      %and3A_161 = arith.andi %and3A_64, %eq3A_160 : i1
      %select_n3A_162 = arith.select %and3A_161, %scan3A_48#0, %scan3A_158#0 : i32
      %select_n3A_163 = arith.select %and3A_161, %scan3A_60#1, %scan3A_158#1 : i32
      %xor3A_164 = arith.constant -2147483648 : i32
      %xor3A_165 = arith.xori %select_n3A_162, %xor3A_164 : i32
      %gt3A = arith.constant 64 : i32
      %gt3A_166 = arith.cmpi sgt, %select_n3A_163, %gt3A : i32
      %jit3A_167 = arith.constant 512 : i32
      %jit3A_168 = arith.constant 0 : i32
      %select_n3A_169 = arith.select %gt3A_166, %jit3A_167, %jit3A_168 : i32
      %while3A_170 = arith.constant 1 : i32
      %while3A_171 = arith.constant 0 : i32
      %while3A_172 = arith.constant 0 : i32
      %while3A_173 = arith.subi %select_n3A_169, %while3A_172 : i32
      %while3A_174 = arith.addi %while3A_172, %while3A_173 : i32
      %while3A_175 = arith.constant 1 : i32
      %while3A_176 = arith.divsi %while3A_173, %while3A_175 : i32
      %while3A_177 = arith.muli %while3A_176, %while3A_175 : i32
      %while3A_178 = arith.addi %while3A_172, %while3A_177 : i32
      %while3A_179 = arith.constant 1 : i32
      %while3A_180 = scf.for %while3A_251 = %while3A_172 to %while3A_178 step %while3A_179 iter_args(%while3A_252 = %broadcast_in_dim3A_39) -> (vector<16xi32>)  : i32 {
        %mul3A_253 = arith.constant 64 : i32
        %mul3A_254 = arith.muli %while3A_251, %mul3A_253 : i32
        %add3A_255 = arith.constant 0 : i32
        %add3A_256 = arith.addi %mul3A_254, %add3A_255 : i32
        %get3A = arith.index_cast %add3A_256 : i32 to index
        %get3A_257 = tpu.vector_load %arg4[%get3A] {strides = array<i32>} : memref<32768xf32, #tpu.memory_space<vmem>>, vector<16xf32>,
        %get3A_258 = vector.shape_cast %get3A_257 : vector<16xf32> to vector<16xf32>
        %bitcast_convert_type3A = tpu.bitcast %get3A_258 : vector<16xf32> -> vector<16xi32>
        %shift_right_arithmetic3A = arith.constant 31 : i32
        %shift_right_arithmetic3A_259 = vector.broadcast %shift_right_arithmetic3A : i32 to vector<16xi32>
        %shift_right_arithmetic3A_260 = arith.shrsi %bitcast_convert_type3A, %shift_right_arithmetic3A_259 : vector<16xi32>
        %and3A_261 = arith.constant 2147483647 : i32
        %and3A_262 = vector.broadcast %and3A_261 : i32 to vector<16xi32>
        %and3A_263 = arith.andi %shift_right_arithmetic3A_260, %and3A_262 : vector<16xi32>
        %xor3A_264 = arith.xori %bitcast_convert_type3A, %and3A_263 : vector<16xi32>
        %gt3A_265 = vector.broadcast %xor3A_165 : i32 to vector<16xi32>
        %gt3A_266 = arith.cmpi sgt, %xor3A_264, %gt3A_265 : vector<16xi32>
        %broadcast_in_dim3A_267 = vector.broadcast %while3A_170 : i32 to vector<16xi32>
        %broadcast_in_dim3A_268 = vector.broadcast %while3A_171 : i32 to vector<16xi32>
        %select_n3A_269 = arith.select %gt3A_266, %broadcast_in_dim3A_267, %broadcast_in_dim3A_268 : vector<16xi1>, vector<16xi32>
        %add3A_270 = arith.addi %while3A_252, %select_n3A_269 : vector<16xi32>
        %add3A_271 = arith.constant 16 : i32
        %add3A_272 = arith.addi %mul3A_254, %add3A_271 : i32
        %get3A_273 = arith.index_cast %add3A_272 : i32 to index
        %get3A_274 = tpu.vector_load %arg4[%get3A_273] {strides = array<i32>} : memref<32768xf32, #tpu.memory_space<vmem>>, vector<16xf32>,
        %get3A_275 = vector.shape_cast %get3A_274 : vector<16xf32> to vector<16xf32>
        %bitcast_convert_type3A_276 = tpu.bitcast %get3A_275 : vector<16xf32> -> vector<16xi32>
        %shift_right_arithmetic3A_277 = arith.constant 31 : i32
        %shift_right_arithmetic3A_278 = vector.broadcast %shift_right_arithmetic3A_277 : i32 to vector<16xi32>
        %shift_right_arithmetic3A_279 = arith.shrsi %bitcast_convert_type3A_276, %shift_right_arithmetic3A_278 : vector<16xi32>
        %and3A_280 = arith.constant 2147483647 : i32
        %and3A_281 = vector.broadcast %and3A_280 : i32 to vector<16xi32>
        %and3A_282 = arith.andi %shift_right_arithmetic3A_279, %and3A_281 : vector<16xi32>
        %xor3A_283 = arith.xori %bitcast_convert_type3A_276, %and3A_282 : vector<16xi32>
        %gt3A_284 = vector.broadcast %xor3A_165 : i32 to vector<16xi32>
        %gt3A_285 = arith.cmpi sgt, %xor3A_283, %gt3A_284 : vector<16xi32>
        %broadcast_in_dim3A_286 = vector.broadcast %while3A_170 : i32 to vector<16xi32>
        %broadcast_in_dim3A_287 = vector.broadcast %while3A_171 : i32 to vector<16xi32>
        %select_n3A_288 = arith.select %gt3A_285, %broadcast_in_dim3A_286, %broadcast_in_dim3A_287 : vector<16xi1>, vector<16xi32>
        %add3A_289 = arith.addi %add3A_270, %select_n3A_288 : vector<16xi32>
        %add3A_290 = arith.constant 32 : i32
        %add3A_291 = arith.addi %mul3A_254, %add3A_290 : i32
        %get3A_292 = arith.index_cast %add3A_291 : i32 to index
        %get3A_293 = tpu.vector_load %arg4[%get3A_292] {strides = array<i32>} : memref<32768xf32, #tpu.memory_space<vmem>>, vector<16xf32>,
        %get3A_294 = vector.shape_cast %get3A_293 : vector<16xf32> to vector<16xf32>
        %bitcast_convert_type3A_295 = tpu.bitcast %get3A_294 : vector<16xf32> -> vector<16xi32>
        %shift_right_arithmetic3A_296 = arith.constant 31 : i32
        %shift_right_arithmetic3A_297 = vector.broadcast %shift_right_arithmetic3A_296 : i32 to vector<16xi32>
        %shift_right_arithmetic3A_298 = arith.shrsi %bitcast_convert_type3A_295, %shift_right_arithmetic3A_297 : vector<16xi32>
        %and3A_299 = arith.constant 2147483647 : i32
        %and3A_300 = vector.broadcast %and3A_299 : i32 to vector<16xi32>
        %and3A_301 = arith.andi %shift_right_arithmetic3A_298, %and3A_300 : vector<16xi32>
        %xor3A_302 = arith.xori %bitcast_convert_type3A_295, %and3A_301 : vector<16xi32>
        %gt3A_303 = vector.broadcast %xor3A_165 : i32 to vector<16xi32>
        %gt3A_304 = arith.cmpi sgt, %xor3A_302, %gt3A_303 : vector<16xi32>
        %broadcast_in_dim3A_305 = vector.broadcast %while3A_170 : i32 to vector<16xi32>
        %broadcast_in_dim3A_306 = vector.broadcast %while3A_171 : i32 to vector<16xi32>
        %select_n3A_307 = arith.select %gt3A_304, %broadcast_in_dim3A_305, %broadcast_in_dim3A_306 : vector<16xi1>, vector<16xi32>
        %add3A_308 = arith.addi %add3A_289, %select_n3A_307 : vector<16xi32>
        %add3A_309 = arith.constant 48 : i32
        %add3A_310 = arith.addi %mul3A_254, %add3A_309 : i32
        %get3A_311 = arith.index_cast %add3A_310 : i32 to index
        %get3A_312 = tpu.vector_load %arg4[%get3A_311] {strides = array<i32>} : memref<32768xf32, #tpu.memory_space<vmem>>, vector<16xf32>,
        %get3A_313 = vector.shape_cast %get3A_312 : vector<16xf32> to vector<16xf32>
        %bitcast_convert_type3A_314 = tpu.bitcast %get3A_313 : vector<16xf32> -> vector<16xi32>
        %shift_right_arithmetic3A_315 = arith.constant 31 : i32
        %shift_right_arithmetic3A_316 = vector.broadcast %shift_right_arithmetic3A_315 : i32 to vector<16xi32>
        %shift_right_arithmetic3A_317 = arith.shrsi %bitcast_convert_type3A_314, %shift_right_arithmetic3A_316 : vector<16xi32>
        %and3A_318 = arith.constant 2147483647 : i32
        %and3A_319 = vector.broadcast %and3A_318 : i32 to vector<16xi32>
        %and3A_320 = arith.andi %shift_right_arithmetic3A_317, %and3A_319 : vector<16xi32>
        %xor3A_321 = arith.xori %bitcast_convert_type3A_314, %and3A_320 : vector<16xi32>
        %gt3A_322 = vector.broadcast %xor3A_165 : i32 to vector<16xi32>
        %gt3A_323 = arith.cmpi sgt, %xor3A_321, %gt3A_322 : vector<16xi32>
        %broadcast_in_dim3A_324 = vector.broadcast %while3A_170 : i32 to vector<16xi32>
        %broadcast_in_dim3A_325 = vector.broadcast %while3A_171 : i32 to vector<16xi32>
        %select_n3A_326 = arith.select %gt3A_323, %broadcast_in_dim3A_324, %broadcast_in_dim3A_325 : vector<16xi1>, vector<16xi32>
        %add3A_327 = arith.addi %add3A_308, %select_n3A_326 : vector<16xi32>
        scf.yield %add3A_327 : vector<16xi32>
      }
      %while3A_181 = arith.constant 1 : i32
      %while3A_182 = scf.for %while3A_251 = %while3A_178 to %while3A_174 step %while3A_181 iter_args(%while3A_252 = %while3A_180) -> (vector<16xi32>)  : i32 {
        %mul3A_253 = arith.constant 64 : i32
        %mul3A_254 = arith.muli %while3A_251, %mul3A_253 : i32
        %add3A_255 = arith.constant 0 : i32
        %add3A_256 = arith.addi %mul3A_254, %add3A_255 : i32
        %get3A = arith.index_cast %add3A_256 : i32 to index
        %get3A_257 = tpu.vector_load %arg4[%get3A] {strides = array<i32>} : memref<32768xf32, #tpu.memory_space<vmem>>, vector<16xf32>,
        %get3A_258 = vector.shape_cast %get3A_257 : vector<16xf32> to vector<16xf32>
        %bitcast_convert_type3A = tpu.bitcast %get3A_258 : vector<16xf32> -> vector<16xi32>
        %shift_right_arithmetic3A = arith.constant 31 : i32
        %shift_right_arithmetic3A_259 = vector.broadcast %shift_right_arithmetic3A : i32 to vector<16xi32>
        %shift_right_arithmetic3A_260 = arith.shrsi %bitcast_convert_type3A, %shift_right_arithmetic3A_259 : vector<16xi32>
        %and3A_261 = arith.constant 2147483647 : i32
        %and3A_262 = vector.broadcast %and3A_261 : i32 to vector<16xi32>
        %and3A_263 = arith.andi %shift_right_arithmetic3A_260, %and3A_262 : vector<16xi32>
        %xor3A_264 = arith.xori %bitcast_convert_type3A, %and3A_263 : vector<16xi32>
        %gt3A_265 = vector.broadcast %xor3A_165 : i32 to vector<16xi32>
        %gt3A_266 = arith.cmpi sgt, %xor3A_264, %gt3A_265 : vector<16xi32>
        %broadcast_in_dim3A_267 = vector.broadcast %while3A_170 : i32 to vector<16xi32>
        %broadcast_in_dim3A_268 = vector.broadcast %while3A_171 : i32 to vector<16xi32>
        %select_n3A_269 = arith.select %gt3A_266, %broadcast_in_dim3A_267, %broadcast_in_dim3A_268 : vector<16xi1>, vector<16xi32>
        %add3A_270 = arith.addi %while3A_252, %select_n3A_269 : vector<16xi32>
        %add3A_271 = arith.constant 16 : i32
        %add3A_272 = arith.addi %mul3A_254, %add3A_271 : i32
        %get3A_273 = arith.index_cast %add3A_272 : i32 to index
        %get3A_274 = tpu.vector_load %arg4[%get3A_273] {strides = array<i32>} : memref<32768xf32, #tpu.memory_space<vmem>>, vector<16xf32>,
        %get3A_275 = vector.shape_cast %get3A_274 : vector<16xf32> to vector<16xf32>
        %bitcast_convert_type3A_276 = tpu.bitcast %get3A_275 : vector<16xf32> -> vector<16xi32>
        %shift_right_arithmetic3A_277 = arith.constant 31 : i32
        %shift_right_arithmetic3A_278 = vector.broadcast %shift_right_arithmetic3A_277 : i32 to vector<16xi32>
        %shift_right_arithmetic3A_279 = arith.shrsi %bitcast_convert_type3A_276, %shift_right_arithmetic3A_278 : vector<16xi32>
        %and3A_280 = arith.constant 2147483647 : i32
        %and3A_281 = vector.broadcast %and3A_280 : i32 to vector<16xi32>
        %and3A_282 = arith.andi %shift_right_arithmetic3A_279, %and3A_281 : vector<16xi32>
        %xor3A_283 = arith.xori %bitcast_convert_type3A_276, %and3A_282 : vector<16xi32>
        %gt3A_284 = vector.broadcast %xor3A_165 : i32 to vector<16xi32>
        %gt3A_285 = arith.cmpi sgt, %xor3A_283, %gt3A_284 : vector<16xi32>
        %broadcast_in_dim3A_286 = vector.broadcast %while3A_170 : i32 to vector<16xi32>
        %broadcast_in_dim3A_287 = vector.broadcast %while3A_171 : i32 to vector<16xi32>
        %select_n3A_288 = arith.select %gt3A_285, %broadcast_in_dim3A_286, %broadcast_in_dim3A_287 : vector<16xi1>, vector<16xi32>
        %add3A_289 = arith.addi %add3A_270, %select_n3A_288 : vector<16xi32>
        %add3A_290 = arith.constant 32 : i32
        %add3A_291 = arith.addi %mul3A_254, %add3A_290 : i32
        %get3A_292 = arith.index_cast %add3A_291 : i32 to index
        %get3A_293 = tpu.vector_load %arg4[%get3A_292] {strides = array<i32>} : memref<32768xf32, #tpu.memory_space<vmem>>, vector<16xf32>,
        %get3A_294 = vector.shape_cast %get3A_293 : vector<16xf32> to vector<16xf32>
        %bitcast_convert_type3A_295 = tpu.bitcast %get3A_294 : vector<16xf32> -> vector<16xi32>
        %shift_right_arithmetic3A_296 = arith.constant 31 : i32
        %shift_right_arithmetic3A_297 = vector.broadcast %shift_right_arithmetic3A_296 : i32 to vector<16xi32>
        %shift_right_arithmetic3A_298 = arith.shrsi %bitcast_convert_type3A_295, %shift_right_arithmetic3A_297 : vector<16xi32>
        %and3A_299 = arith.constant 2147483647 : i32
        %and3A_300 = vector.broadcast %and3A_299 : i32 to vector<16xi32>
        %and3A_301 = arith.andi %shift_right_arithmetic3A_298, %and3A_300 : vector<16xi32>
        %xor3A_302 = arith.xori %bitcast_convert_type3A_295, %and3A_301 : vector<16xi32>
        %gt3A_303 = vector.broadcast %xor3A_165 : i32 to vector<16xi32>
        %gt3A_304 = arith.cmpi sgt, %xor3A_302, %gt3A_303 : vector<16xi32>
        %broadcast_in_dim3A_305 = vector.broadcast %while3A_170 : i32 to vector<16xi32>
        %broadcast_in_dim3A_306 = vector.broadcast %while3A_171 : i32 to vector<16xi32>
        %select_n3A_307 = arith.select %gt3A_304, %broadcast_in_dim3A_305, %broadcast_in_dim3A_306 : vector<16xi1>, vector<16xi32>
        %add3A_308 = arith.addi %add3A_289, %select_n3A_307 : vector<16xi32>
        %add3A_309 = arith.constant 48 : i32
        %add3A_310 = arith.addi %mul3A_254, %add3A_309 : i32
        %get3A_311 = arith.index_cast %add3A_310 : i32 to index
        %get3A_312 = tpu.vector_load %arg4[%get3A_311] {strides = array<i32>} : memref<32768xf32, #tpu.memory_space<vmem>>, vector<16xf32>,
        %get3A_313 = vector.shape_cast %get3A_312 : vector<16xf32> to vector<16xf32>
        %bitcast_convert_type3A_314 = tpu.bitcast %get3A_313 : vector<16xf32> -> vector<16xi32>
        %shift_right_arithmetic3A_315 = arith.constant 31 : i32
        %shift_right_arithmetic3A_316 = vector.broadcast %shift_right_arithmetic3A_315 : i32 to vector<16xi32>
        %shift_right_arithmetic3A_317 = arith.shrsi %bitcast_convert_type3A_314, %shift_right_arithmetic3A_316 : vector<16xi32>
        %and3A_318 = arith.constant 2147483647 : i32
        %and3A_319 = vector.broadcast %and3A_318 : i32 to vector<16xi32>
        %and3A_320 = arith.andi %shift_right_arithmetic3A_317, %and3A_319 : vector<16xi32>
        %xor3A_321 = arith.xori %bitcast_convert_type3A_314, %and3A_320 : vector<16xi32>
        %gt3A_322 = vector.broadcast %xor3A_165 : i32 to vector<16xi32>
        %gt3A_323 = arith.cmpi sgt, %xor3A_321, %gt3A_322 : vector<16xi32>
        %broadcast_in_dim3A_324 = vector.broadcast %while3A_170 : i32 to vector<16xi32>
        %broadcast_in_dim3A_325 = vector.broadcast %while3A_171 : i32 to vector<16xi32>
        %select_n3A_326 = arith.select %gt3A_323, %broadcast_in_dim3A_324, %broadcast_in_dim3A_325 : vector<16xi1>, vector<16xi32>
        %add3A_327 = arith.addi %add3A_308, %select_n3A_326 : vector<16xi32>
        scf.yield %add3A_327 : vector<16xi32>
      }
      %lt3A = arith.constant 0 : i32
      %lt3A_183 = vector.broadcast %lt3A : i32 to vector<16xi32>
      %lt3A_184 = arith.cmpi slt, %and3A_5, %lt3A_183 : vector<16xi32>
      %add3A_185 = arith.constant 16 : i32
      %add3A_186 = vector.broadcast %add3A_185 : i32 to vector<16xi32>
      %add3A_187 = arith.addi %and3A_5, %add3A_186 : vector<16xi32>
      %select_n3A_188 = arith.select %lt3A_184, %add3A_187, %and3A_5 : vector<16xi1>, vector<16xi32>
      %broadcast_in_dim3A_189 = vector.shape_cast %select_n3A_188 : vector<16xi32> to vector<16x1xi32>
      %gather3A = vector.shape_cast %broadcast_in_dim3A_189 : vector<16x1xi32> to vector<16xi32>
      %gather3A_190 = tpu.dynamic_gather %while3A_182[%gather3A] in [0] : vector<16xi32>, vector<16xi32> -> vector<16xi32>
      %add3A_191 = arith.addi %while3A_182, %gather3A_190 : vector<16xi32>
      %lt3A_192 = arith.constant 0 : i32
      %lt3A_193 = vector.broadcast %lt3A_192 : i32 to vector<16xi32>
      %lt3A_194 = arith.cmpi slt, %and3A_11, %lt3A_193 : vector<16xi32>
      %add3A_195 = arith.constant 16 : i32
      %add3A_196 = vector.broadcast %add3A_195 : i32 to vector<16xi32>
      %add3A_197 = arith.addi %and3A_11, %add3A_196 : vector<16xi32>
      %select_n3A_198 = arith.select %lt3A_194, %add3A_197, %and3A_11 : vector<16xi1>, vector<16xi32>
      %broadcast_in_dim3A_199 = vector.shape_cast %select_n3A_198 : vector<16xi32> to vector<16x1xi32>
      %gather3A_200 = vector.shape_cast %broadcast_in_dim3A_199 : vector<16x1xi32> to vector<16xi32>
      %gather3A_201 = tpu.dynamic_gather %add3A_191[%gather3A_200] in [0] : vector<16xi32>, vector<16xi32> -> vector<16xi32>
      %add3A_202 = arith.addi %add3A_191, %gather3A_201 : vector<16xi32>
      %lt3A_203 = arith.constant 0 : i32
      %lt3A_204 = vector.broadcast %lt3A_203 : i32 to vector<16xi32>
      %lt3A_205 = arith.cmpi slt, %and3A_17, %lt3A_204 : vector<16xi32>
      %add3A_206 = arith.constant 16 : i32
      %add3A_207 = vector.broadcast %add3A_206 : i32 to vector<16xi32>
      %add3A_208 = arith.addi %and3A_17, %add3A_207 : vector<16xi32>
      %select_n3A_209 = arith.select %lt3A_205, %add3A_208, %and3A_17 : vector<16xi1>, vector<16xi32>
      %broadcast_in_dim3A_210 = vector.shape_cast %select_n3A_209 : vector<16xi32> to vector<16x1xi32>
      %gather3A_211 = vector.shape_cast %broadcast_in_dim3A_210 : vector<16x1xi32> to vector<16xi32>
      %gather3A_212 = tpu.dynamic_gather %add3A_202[%gather3A_211] in [0] : vector<16xi32>, vector<16xi32> -> vector<16xi32>
      %add3A_213 = arith.addi %add3A_202, %gather3A_212 : vector<16xi32>
      %lt3A_214 = arith.constant 0 : i32
      %lt3A_215 = vector.broadcast %lt3A_214 : i32 to vector<16xi32>
      %lt3A_216 = arith.cmpi slt, %and3A_23, %lt3A_215 : vector<16xi32>
      %add3A_217 = arith.constant 16 : i32
      %add3A_218 = vector.broadcast %add3A_217 : i32 to vector<16xi32>
      %add3A_219 = arith.addi %and3A_23, %add3A_218 : vector<16xi32>
      %select_n3A_220 = arith.select %lt3A_216, %add3A_219, %and3A_23 : vector<16xi1>, vector<16xi32>
      %broadcast_in_dim3A_221 = vector.shape_cast %select_n3A_220 : vector<16xi32> to vector<16x1xi32>
      %gather3A_222 = vector.shape_cast %broadcast_in_dim3A_221 : vector<16x1xi32> to vector<16xi32>
      %gather3A_223 = tpu.dynamic_gather %add3A_213[%gather3A_222] in [0] : vector<16xi32>, vector<16xi32> -> vector<16xi32>
      %add3A_224 = arith.addi %add3A_213, %gather3A_223 : vector<16xi32>
      %slice3A = vector.extract_strided_slice %add3A_224 {offsets = [0], sizes = [1], strides = [1]} : vector<16xi32> to vector<1xi32>
      %squeeze3A = vector.extract %slice3A[0] : i32 from vector<1xi32>
      %sub3A_225 = arith.constant 64 : i32
      %sub3A_226 = arith.subi %sub3A_225, %squeeze3A : i32
      %iota3A_227 = tpu.iota {dimensions = array<i32: 0>} : vector<16xi32>
      %scan3A_228 = arith.constant 1 : i32
      %scan3A_229 = arith.constant 0 : i32
      %scan3A_230 = arith.constant 0 : i32
      %scan3A_231 = arith.constant 0 : i32
      %scan3A_232 = arith.constant 8 : i32
      %scan3A_233 = arith.addi %scan3A_231, %scan3A_232 : i32
      %scan3A_234 = arith.constant 1 : i32
      %scan3A_235 = scf.for %scan3A_251 = %scan3A_231 to %scan3A_233 step %scan3A_234 iter_args(%scan3A_252 = %scan3A_230) -> (i32)  : i32 {
        %mul3A_253 = arith.constant 2 : i32
        %mul3A_254 = arith.muli %mul3A_253, %scan3A_251 : i32
        %sub3A_255 = arith.constant 15 : i32
        %sub3A_256 = arith.subi %sub3A_255, %mul3A_254 : i32
        %shift_left3A = arith.constant 1 : i32
        %shift_left3A_257 = arith.shli %shift_left3A, %sub3A_256 : i32
        %mul3A_258 = arith.constant 2 : i32
        %mul3A_259 = arith.muli %mul3A_258, %scan3A_251 : i32
        %sub3A_260 = arith.constant 14 : i32
        %sub3A_261 = arith.subi %sub3A_260, %mul3A_259 : i32
        %shift_left3A_262 = arith.constant 1 : i32
        %shift_left3A_263 = arith.shli %shift_left3A_262, %sub3A_261 : i32
        %or3A = arith.ori %scan3A_252, %shift_left3A_257 : i32
        %or3A_264 = arith.ori %or3A, %shift_left3A_263 : i32
        %or3A_265 = arith.ori %scan3A_252, %shift_left3A_257 : i32
        %or3A_266 = arith.ori %scan3A_252, %shift_left3A_263 : i32
        %while3A_267 = arith.constant 0 : i32
        %while3A_268 = arith.subi %select_n3A_169, %while3A_267 : i32
        %while3A_269 = arith.addi %while3A_267, %while3A_268 : i32
        %while3A_270 = arith.constant 1 : i32
        %while3A_271 = arith.divsi %while3A_268, %while3A_270 : i32
        %while3A_272 = arith.muli %while3A_271, %while3A_270 : i32
        %while3A_273 = arith.addi %while3A_267, %while3A_272 : i32
        %while3A_274 = arith.constant 1 : i32
        %while3A_275:3 = scf.for %while3A_429 = %while3A_267 to %while3A_273 step %while3A_274 iter_args(%while3A_430 = %broadcast_in_dim3A_39, %while3A_431 = %broadcast_in_dim3A_39, %while3A_432 = %broadcast_in_dim3A_39) -> (vector<16xi32>, vector<16xi32>, vector<16xi32>)  : i32 {
          %mul3A_433 = arith.constant 64 : i32
          %mul3A_434 = arith.muli %while3A_429, %mul3A_433 : i32
          %add3A_435 = arith.constant 0 : i32
          %add3A_436 = arith.addi %mul3A_434, %add3A_435 : i32
          %get3A = arith.index_cast %add3A_436 : i32 to index
          %get3A_437 = tpu.vector_load %arg4[%get3A] {strides = array<i32>} : memref<32768xf32, #tpu.memory_space<vmem>>, vector<16xf32>,
          %get3A_438 = vector.shape_cast %get3A_437 : vector<16xf32> to vector<16xf32>
          %bitcast_convert_type3A = tpu.bitcast %get3A_438 : vector<16xf32> -> vector<16xi32>
          %shift_right_arithmetic3A = arith.constant 31 : i32
          %shift_right_arithmetic3A_439 = vector.broadcast %shift_right_arithmetic3A : i32 to vector<16xi32>
          %shift_right_arithmetic3A_440 = arith.shrsi %bitcast_convert_type3A, %shift_right_arithmetic3A_439 : vector<16xi32>
          %and3A_441 = arith.constant 2147483647 : i32
          %and3A_442 = vector.broadcast %and3A_441 : i32 to vector<16xi32>
          %and3A_443 = arith.andi %shift_right_arithmetic3A_440, %and3A_442 : vector<16xi32>
          %xor3A_444 = arith.xori %bitcast_convert_type3A, %and3A_443 : vector<16xi32>
          %eq3A_445 = vector.broadcast %xor3A_165 : i32 to vector<16xi32>
          %eq3A_446 = arith.cmpi eq, %xor3A_444, %eq3A_445 : vector<16xi32>
          %add3A_447 = vector.broadcast %add3A_436 : i32 to vector<16xi32>
          %add3A_448 = arith.addi %add3A_447, %iota3A_227 : vector<16xi32>
          %sub3A_449 = arith.constant 32767 : i32
          %sub3A_450 = vector.broadcast %sub3A_449 : i32 to vector<16xi32>
          %sub3A_451 = arith.subi %sub3A_450, %add3A_448 : vector<16xi32>
          %ge3A_452 = vector.broadcast %or3A_264 : i32 to vector<16xi32>
          %ge3A_453 = arith.cmpi sge, %sub3A_451, %ge3A_452 : vector<16xi32>
          %and3A_454 = arith.andi %eq3A_446, %ge3A_453 : vector<16xi1>
          %broadcast_in_dim3A_455 = vector.broadcast %scan3A_228 : i32 to vector<16xi32>
          %broadcast_in_dim3A_456 = vector.broadcast %scan3A_229 : i32 to vector<16xi32>
          %select_n3A_457 = arith.select %and3A_454, %broadcast_in_dim3A_455, %broadcast_in_dim3A_456 : vector<16xi1>, vector<16xi32>
          %add3A_458 = arith.addi %while3A_430, %select_n3A_457 : vector<16xi32>
          %ge3A_459 = vector.broadcast %or3A_265 : i32 to vector<16xi32>
          %ge3A_460 = arith.cmpi sge, %sub3A_451, %ge3A_459 : vector<16xi32>
          %and3A_461 = arith.andi %eq3A_446, %ge3A_460 : vector<16xi1>
          %broadcast_in_dim3A_462 = vector.broadcast %scan3A_228 : i32 to vector<16xi32>
          %broadcast_in_dim3A_463 = vector.broadcast %scan3A_229 : i32 to vector<16xi32>
          %select_n3A_464 = arith.select %and3A_461, %broadcast_in_dim3A_462, %broadcast_in_dim3A_463 : vector<16xi1>, vector<16xi32>
          %add3A_465 = arith.addi %while3A_431, %select_n3A_464 : vector<16xi32>
          %ge3A_466 = vector.broadcast %or3A_266 : i32 to vector<16xi32>
          %ge3A_467 = arith.cmpi sge, %sub3A_451, %ge3A_466 : vector<16xi32>
          %and3A_468 = arith.andi %eq3A_446, %ge3A_467 : vector<16xi1>
          %broadcast_in_dim3A_469 = vector.broadcast %scan3A_228 : i32 to vector<16xi32>
          %broadcast_in_dim3A_470 = vector.broadcast %scan3A_229 : i32 to vector<16xi32>
          %select_n3A_471 = arith.select %and3A_468, %broadcast_in_dim3A_469, %broadcast_in_dim3A_470 : vector<16xi1>, vector<16xi32>
          %add3A_472 = arith.addi %while3A_432, %select_n3A_471 : vector<16xi32>
          %add3A_473 = arith.constant 16 : i32
          %add3A_474 = arith.addi %mul3A_434, %add3A_473 : i32
          %get3A_475 = arith.index_cast %add3A_474 : i32 to index
          %get3A_476 = tpu.vector_load %arg4[%get3A_475] {strides = array<i32>} : memref<32768xf32, #tpu.memory_space<vmem>>, vector<16xf32>,
          %get3A_477 = vector.shape_cast %get3A_476 : vector<16xf32> to vector<16xf32>
          %bitcast_convert_type3A_478 = tpu.bitcast %get3A_477 : vector<16xf32> -> vector<16xi32>
          %shift_right_arithmetic3A_479 = arith.constant 31 : i32
          %shift_right_arithmetic3A_480 = vector.broadcast %shift_right_arithmetic3A_479 : i32 to vector<16xi32>
          %shift_right_arithmetic3A_481 = arith.shrsi %bitcast_convert_type3A_478, %shift_right_arithmetic3A_480 : vector<16xi32>
          %and3A_482 = arith.constant 2147483647 : i32
          %and3A_483 = vector.broadcast %and3A_482 : i32 to vector<16xi32>
          %and3A_484 = arith.andi %shift_right_arithmetic3A_481, %and3A_483 : vector<16xi32>
          %xor3A_485 = arith.xori %bitcast_convert_type3A_478, %and3A_484 : vector<16xi32>
          %eq3A_486 = vector.broadcast %xor3A_165 : i32 to vector<16xi32>
          %eq3A_487 = arith.cmpi eq, %xor3A_485, %eq3A_486 : vector<16xi32>
          %add3A_488 = vector.broadcast %add3A_474 : i32 to vector<16xi32>
          %add3A_489 = arith.addi %add3A_488, %iota3A_227 : vector<16xi32>
          %sub3A_490 = arith.constant 32767 : i32
          %sub3A_491 = vector.broadcast %sub3A_490 : i32 to vector<16xi32>
          %sub3A_492 = arith.subi %sub3A_491, %add3A_489 : vector<16xi32>
          %ge3A_493 = vector.broadcast %or3A_264 : i32 to vector<16xi32>
          %ge3A_494 = arith.cmpi sge, %sub3A_492, %ge3A_493 : vector<16xi32>
          %and3A_495 = arith.andi %eq3A_487, %ge3A_494 : vector<16xi1>
          %broadcast_in_dim3A_496 = vector.broadcast %scan3A_228 : i32 to vector<16xi32>
          %broadcast_in_dim3A_497 = vector.broadcast %scan3A_229 : i32 to vector<16xi32>
          %select_n3A_498 = arith.select %and3A_495, %broadcast_in_dim3A_496, %broadcast_in_dim3A_497 : vector<16xi1>, vector<16xi32>
          %add3A_499 = arith.addi %add3A_458, %select_n3A_498 : vector<16xi32>
          %ge3A_500 = vector.broadcast %or3A_265 : i32 to vector<16xi32>
          %ge3A_501 = arith.cmpi sge, %sub3A_492, %ge3A_500 : vector<16xi32>
          %and3A_502 = arith.andi %eq3A_487, %ge3A_501 : vector<16xi1>
          %broadcast_in_dim3A_503 = vector.broadcast %scan3A_228 : i32 to vector<16xi32>
          %broadcast_in_dim3A_504 = vector.broadcast %scan3A_229 : i32 to vector<16xi32>
          %select_n3A_505 = arith.select %and3A_502, %broadcast_in_dim3A_503, %broadcast_in_dim3A_504 : vector<16xi1>, vector<16xi32>
          %add3A_506 = arith.addi %add3A_465, %select_n3A_505 : vector<16xi32>
          %ge3A_507 = vector.broadcast %or3A_266 : i32 to vector<16xi32>
          %ge3A_508 = arith.cmpi sge, %sub3A_492, %ge3A_507 : vector<16xi32>
          %and3A_509 = arith.andi %eq3A_487, %ge3A_508 : vector<16xi1>
          %broadcast_in_dim3A_510 = vector.broadcast %scan3A_228 : i32 to vector<16xi32>
          %broadcast_in_dim3A_511 = vector.broadcast %scan3A_229 : i32 to vector<16xi32>
          %select_n3A_512 = arith.select %and3A_509, %broadcast_in_dim3A_510, %broadcast_in_dim3A_511 : vector<16xi1>, vector<16xi32>
          %add3A_513 = arith.addi %add3A_472, %select_n3A_512 : vector<16xi32>
          %add3A_514 = arith.constant 32 : i32
          %add3A_515 = arith.addi %mul3A_434, %add3A_514 : i32
          %get3A_516 = arith.index_cast %add3A_515 : i32 to index
          %get3A_517 = tpu.vector_load %arg4[%get3A_516] {strides = array<i32>} : memref<32768xf32, #tpu.memory_space<vmem>>, vector<16xf32>,
          %get3A_518 = vector.shape_cast %get3A_517 : vector<16xf32> to vector<16xf32>
          %bitcast_convert_type3A_519 = tpu.bitcast %get3A_518 : vector<16xf32> -> vector<16xi32>
          %shift_right_arithmetic3A_520 = arith.constant 31 : i32
          %shift_right_arithmetic3A_521 = vector.broadcast %shift_right_arithmetic3A_520 : i32 to vector<16xi32>
          %shift_right_arithmetic3A_522 = arith.shrsi %bitcast_convert_type3A_519, %shift_right_arithmetic3A_521 : vector<16xi32>
          %and3A_523 = arith.constant 2147483647 : i32
          %and3A_524 = vector.broadcast %and3A_523 : i32 to vector<16xi32>
          %and3A_525 = arith.andi %shift_right_arithmetic3A_522, %and3A_524 : vector<16xi32>
          %xor3A_526 = arith.xori %bitcast_convert_type3A_519, %and3A_525 : vector<16xi32>
          %eq3A_527 = vector.broadcast %xor3A_165 : i32 to vector<16xi32>
          %eq3A_528 = arith.cmpi eq, %xor3A_526, %eq3A_527 : vector<16xi32>
          %add3A_529 = vector.broadcast %add3A_515 : i32 to vector<16xi32>
          %add3A_530 = arith.addi %add3A_529, %iota3A_227 : vector<16xi32>
          %sub3A_531 = arith.constant 32767 : i32
          %sub3A_532 = vector.broadcast %sub3A_531 : i32 to vector<16xi32>
          %sub3A_533 = arith.subi %sub3A_532, %add3A_530 : vector<16xi32>
          %ge3A_534 = vector.broadcast %or3A_264 : i32 to vector<16xi32>
          %ge3A_535 = arith.cmpi sge, %sub3A_533, %ge3A_534 : vector<16xi32>
          %and3A_536 = arith.andi %eq3A_528, %ge3A_535 : vector<16xi1>
          %broadcast_in_dim3A_537 = vector.broadcast %scan3A_228 : i32 to vector<16xi32>
          %broadcast_in_dim3A_538 = vector.broadcast %scan3A_229 : i32 to vector<16xi32>
          %select_n3A_539 = arith.select %and3A_536, %broadcast_in_dim3A_537, %broadcast_in_dim3A_538 : vector<16xi1>, vector<16xi32>
          %add3A_540 = arith.addi %add3A_499, %select_n3A_539 : vector<16xi32>
          %ge3A_541 = vector.broadcast %or3A_265 : i32 to vector<16xi32>
          %ge3A_542 = arith.cmpi sge, %sub3A_533, %ge3A_541 : vector<16xi32>
          %and3A_543 = arith.andi %eq3A_528, %ge3A_542 : vector<16xi1>
          %broadcast_in_dim3A_544 = vector.broadcast %scan3A_228 : i32 to vector<16xi32>
          %broadcast_in_dim3A_545 = vector.broadcast %scan3A_229 : i32 to vector<16xi32>
          %select_n3A_546 = arith.select %and3A_543, %broadcast_in_dim3A_544, %broadcast_in_dim3A_545 : vector<16xi1>, vector<16xi32>
          %add3A_547 = arith.addi %add3A_506, %select_n3A_546 : vector<16xi32>
          %ge3A_548 = vector.broadcast %or3A_266 : i32 to vector<16xi32>
          %ge3A_549 = arith.cmpi sge, %sub3A_533, %ge3A_548 : vector<16xi32>
          %and3A_550 = arith.andi %eq3A_528, %ge3A_549 : vector<16xi1>
          %broadcast_in_dim3A_551 = vector.broadcast %scan3A_228 : i32 to vector<16xi32>
          %broadcast_in_dim3A_552 = vector.broadcast %scan3A_229 : i32 to vector<16xi32>
          %select_n3A_553 = arith.select %and3A_550, %broadcast_in_dim3A_551, %broadcast_in_dim3A_552 : vector<16xi1>, vector<16xi32>
          %add3A_554 = arith.addi %add3A_513, %select_n3A_553 : vector<16xi32>
          %add3A_555 = arith.constant 48 : i32
          %add3A_556 = arith.addi %mul3A_434, %add3A_555 : i32
          %get3A_557 = arith.index_cast %add3A_556 : i32 to index
          %get3A_558 = tpu.vector_load %arg4[%get3A_557] {strides = array<i32>} : memref<32768xf32, #tpu.memory_space<vmem>>, vector<16xf32>,
          %get3A_559 = vector.shape_cast %get3A_558 : vector<16xf32> to vector<16xf32>
          %bitcast_convert_type3A_560 = tpu.bitcast %get3A_559 : vector<16xf32> -> vector<16xi32>
          %shift_right_arithmetic3A_561 = arith.constant 31 : i32
          %shift_right_arithmetic3A_562 = vector.broadcast %shift_right_arithmetic3A_561 : i32 to vector<16xi32>
          %shift_right_arithmetic3A_563 = arith.shrsi %bitcast_convert_type3A_560, %shift_right_arithmetic3A_562 : vector<16xi32>
          %and3A_564 = arith.constant 2147483647 : i32
          %and3A_565 = vector.broadcast %and3A_564 : i32 to vector<16xi32>
          %and3A_566 = arith.andi %shift_right_arithmetic3A_563, %and3A_565 : vector<16xi32>
          %xor3A_567 = arith.xori %bitcast_convert_type3A_560, %and3A_566 : vector<16xi32>
          %eq3A_568 = vector.broadcast %xor3A_165 : i32 to vector<16xi32>
          %eq3A_569 = arith.cmpi eq, %xor3A_567, %eq3A_568 : vector<16xi32>
          %add3A_570 = vector.broadcast %add3A_556 : i32 to vector<16xi32>
          %add3A_571 = arith.addi %add3A_570, %iota3A_227 : vector<16xi32>
          %sub3A_572 = arith.constant 32767 : i32
          %sub3A_573 = vector.broadcast %sub3A_572 : i32 to vector<16xi32>
          %sub3A_574 = arith.subi %sub3A_573, %add3A_571 : vector<16xi32>
          %ge3A_575 = vector.broadcast %or3A_264 : i32 to vector<16xi32>
          %ge3A_576 = arith.cmpi sge, %sub3A_574, %ge3A_575 : vector<16xi32>
          %and3A_577 = arith.andi %eq3A_569, %ge3A_576 : vector<16xi1>
          %broadcast_in_dim3A_578 = vector.broadcast %scan3A_228 : i32 to vector<16xi32>
          %broadcast_in_dim3A_579 = vector.broadcast %scan3A_229 : i32 to vector<16xi32>
          %select_n3A_580 = arith.select %and3A_577, %broadcast_in_dim3A_578, %broadcast_in_dim3A_579 : vector<16xi1>, vector<16xi32>
          %add3A_581 = arith.addi %add3A_540, %select_n3A_580 : vector<16xi32>
          %ge3A_582 = vector.broadcast %or3A_265 : i32 to vector<16xi32>
          %ge3A_583 = arith.cmpi sge, %sub3A_574, %ge3A_582 : vector<16xi32>
          %and3A_584 = arith.andi %eq3A_569, %ge3A_583 : vector<16xi1>
          %broadcast_in_dim3A_585 = vector.broadcast %scan3A_228 : i32 to vector<16xi32>
          %broadcast_in_dim3A_586 = vector.broadcast %scan3A_229 : i32 to vector<16xi32>
          %select_n3A_587 = arith.select %and3A_584, %broadcast_in_dim3A_585, %broadcast_in_dim3A_586 : vector<16xi1>, vector<16xi32>
          %add3A_588 = arith.addi %add3A_547, %select_n3A_587 : vector<16xi32>
          %ge3A_589 = vector.broadcast %or3A_266 : i32 to vector<16xi32>
          %ge3A_590 = arith.cmpi sge, %sub3A_574, %ge3A_589 : vector<16xi32>
          %and3A_591 = arith.andi %eq3A_569, %ge3A_590 : vector<16xi1>
          %broadcast_in_dim3A_592 = vector.broadcast %scan3A_228 : i32 to vector<16xi32>
          %broadcast_in_dim3A_593 = vector.broadcast %scan3A_229 : i32 to vector<16xi32>
          %select_n3A_594 = arith.select %and3A_591, %broadcast_in_dim3A_592, %broadcast_in_dim3A_593 : vector<16xi1>, vector<16xi32>
          %add3A_595 = arith.addi %add3A_554, %select_n3A_594 : vector<16xi32>
          scf.yield %add3A_581, %add3A_588, %add3A_595 : vector<16xi32>, vector<16xi32>, vector<16xi32>
        }
        %while3A_276 = arith.constant 1 : i32
        %while3A_277:3 = scf.for %while3A_429 = %while3A_273 to %while3A_269 step %while3A_276 iter_args(%while3A_430 = %while3A_275#0, %while3A_431 = %while3A_275#1, %while3A_432 = %while3A_275#2) -> (vector<16xi32>, vector<16xi32>, vector<16xi32>)  : i32 {
          %mul3A_433 = arith.constant 64 : i32
          %mul3A_434 = arith.muli %while3A_429, %mul3A_433 : i32
          %add3A_435 = arith.constant 0 : i32
          %add3A_436 = arith.addi %mul3A_434, %add3A_435 : i32
          %get3A = arith.index_cast %add3A_436 : i32 to index
          %get3A_437 = tpu.vector_load %arg4[%get3A] {strides = array<i32>} : memref<32768xf32, #tpu.memory_space<vmem>>, vector<16xf32>,
          %get3A_438 = vector.shape_cast %get3A_437 : vector<16xf32> to vector<16xf32>
          %bitcast_convert_type3A = tpu.bitcast %get3A_438 : vector<16xf32> -> vector<16xi32>
          %shift_right_arithmetic3A = arith.constant 31 : i32
          %shift_right_arithmetic3A_439 = vector.broadcast %shift_right_arithmetic3A : i32 to vector<16xi32>
          %shift_right_arithmetic3A_440 = arith.shrsi %bitcast_convert_type3A, %shift_right_arithmetic3A_439 : vector<16xi32>
          %and3A_441 = arith.constant 2147483647 : i32
          %and3A_442 = vector.broadcast %and3A_441 : i32 to vector<16xi32>
          %and3A_443 = arith.andi %shift_right_arithmetic3A_440, %and3A_442 : vector<16xi32>
          %xor3A_444 = arith.xori %bitcast_convert_type3A, %and3A_443 : vector<16xi32>
          %eq3A_445 = vector.broadcast %xor3A_165 : i32 to vector<16xi32>
          %eq3A_446 = arith.cmpi eq, %xor3A_444, %eq3A_445 : vector<16xi32>
          %add3A_447 = vector.broadcast %add3A_436 : i32 to vector<16xi32>
          %add3A_448 = arith.addi %add3A_447, %iota3A_227 : vector<16xi32>
          %sub3A_449 = arith.constant 32767 : i32
          %sub3A_450 = vector.broadcast %sub3A_449 : i32 to vector<16xi32>
          %sub3A_451 = arith.subi %sub3A_450, %add3A_448 : vector<16xi32>
          %ge3A_452 = vector.broadcast %or3A_264 : i32 to vector<16xi32>
          %ge3A_453 = arith.cmpi sge, %sub3A_451, %ge3A_452 : vector<16xi32>
          %and3A_454 = arith.andi %eq3A_446, %ge3A_453 : vector<16xi1>
          %broadcast_in_dim3A_455 = vector.broadcast %scan3A_228 : i32 to vector<16xi32>
          %broadcast_in_dim3A_456 = vector.broadcast %scan3A_229 : i32 to vector<16xi32>
          %select_n3A_457 = arith.select %and3A_454, %broadcast_in_dim3A_455, %broadcast_in_dim3A_456 : vector<16xi1>, vector<16xi32>
          %add3A_458 = arith.addi %while3A_430, %select_n3A_457 : vector<16xi32>
          %ge3A_459 = vector.broadcast %or3A_265 : i32 to vector<16xi32>
          %ge3A_460 = arith.cmpi sge, %sub3A_451, %ge3A_459 : vector<16xi32>
          %and3A_461 = arith.andi %eq3A_446, %ge3A_460 : vector<16xi1>
          %broadcast_in_dim3A_462 = vector.broadcast %scan3A_228 : i32 to vector<16xi32>
          %broadcast_in_dim3A_463 = vector.broadcast %scan3A_229 : i32 to vector<16xi32>
          %select_n3A_464 = arith.select %and3A_461, %broadcast_in_dim3A_462, %broadcast_in_dim3A_463 : vector<16xi1>, vector<16xi32>
          %add3A_465 = arith.addi %while3A_431, %select_n3A_464 : vector<16xi32>
          %ge3A_466 = vector.broadcast %or3A_266 : i32 to vector<16xi32>
          %ge3A_467 = arith.cmpi sge, %sub3A_451, %ge3A_466 : vector<16xi32>
          %and3A_468 = arith.andi %eq3A_446, %ge3A_467 : vector<16xi1>
          %broadcast_in_dim3A_469 = vector.broadcast %scan3A_228 : i32 to vector<16xi32>
          %broadcast_in_dim3A_470 = vector.broadcast %scan3A_229 : i32 to vector<16xi32>
          %select_n3A_471 = arith.select %and3A_468, %broadcast_in_dim3A_469, %broadcast_in_dim3A_470 : vector<16xi1>, vector<16xi32>
          %add3A_472 = arith.addi %while3A_432, %select_n3A_471 : vector<16xi32>
          %add3A_473 = arith.constant 16 : i32
          %add3A_474 = arith.addi %mul3A_434, %add3A_473 : i32
          %get3A_475 = arith.index_cast %add3A_474 : i32 to index
          %get3A_476 = tpu.vector_load %arg4[%get3A_475] {strides = array<i32>} : memref<32768xf32, #tpu.memory_space<vmem>>, vector<16xf32>,
          %get3A_477 = vector.shape_cast %get3A_476 : vector<16xf32> to vector<16xf32>
          %bitcast_convert_type3A_478 = tpu.bitcast %get3A_477 : vector<16xf32> -> vector<16xi32>
          %shift_right_arithmetic3A_479 = arith.constant 31 : i32
          %shift_right_arithmetic3A_480 = vector.broadcast %shift_right_arithmetic3A_479 : i32 to vector<16xi32>
          %shift_right_arithmetic3A_481 = arith.shrsi %bitcast_convert_type3A_478, %shift_right_arithmetic3A_480 : vector<16xi32>
          %and3A_482 = arith.constant 2147483647 : i32
          %and3A_483 = vector.broadcast %and3A_482 : i32 to vector<16xi32>
          %and3A_484 = arith.andi %shift_right_arithmetic3A_481, %and3A_483 : vector<16xi32>
          %xor3A_485 = arith.xori %bitcast_convert_type3A_478, %and3A_484 : vector<16xi32>
          %eq3A_486 = vector.broadcast %xor3A_165 : i32 to vector<16xi32>
          %eq3A_487 = arith.cmpi eq, %xor3A_485, %eq3A_486 : vector<16xi32>
          %add3A_488 = vector.broadcast %add3A_474 : i32 to vector<16xi32>
          %add3A_489 = arith.addi %add3A_488, %iota3A_227 : vector<16xi32>
          %sub3A_490 = arith.constant 32767 : i32
          %sub3A_491 = vector.broadcast %sub3A_490 : i32 to vector<16xi32>
          %sub3A_492 = arith.subi %sub3A_491, %add3A_489 : vector<16xi32>
          %ge3A_493 = vector.broadcast %or3A_264 : i32 to vector<16xi32>
          %ge3A_494 = arith.cmpi sge, %sub3A_492, %ge3A_493 : vector<16xi32>
          %and3A_495 = arith.andi %eq3A_487, %ge3A_494 : vector<16xi1>
          %broadcast_in_dim3A_496 = vector.broadcast %scan3A_228 : i32 to vector<16xi32>
          %broadcast_in_dim3A_497 = vector.broadcast %scan3A_229 : i32 to vector<16xi32>
          %select_n3A_498 = arith.select %and3A_495, %broadcast_in_dim3A_496, %broadcast_in_dim3A_497 : vector<16xi1>, vector<16xi32>
          %add3A_499 = arith.addi %add3A_458, %select_n3A_498 : vector<16xi32>
          %ge3A_500 = vector.broadcast %or3A_265 : i32 to vector<16xi32>
          %ge3A_501 = arith.cmpi sge, %sub3A_492, %ge3A_500 : vector<16xi32>
          %and3A_502 = arith.andi %eq3A_487, %ge3A_501 : vector<16xi1>
          %broadcast_in_dim3A_503 = vector.broadcast %scan3A_228 : i32 to vector<16xi32>
          %broadcast_in_dim3A_504 = vector.broadcast %scan3A_229 : i32 to vector<16xi32>
          %select_n3A_505 = arith.select %and3A_502, %broadcast_in_dim3A_503, %broadcast_in_dim3A_504 : vector<16xi1>, vector<16xi32>
          %add3A_506 = arith.addi %add3A_465, %select_n3A_505 : vector<16xi32>
          %ge3A_507 = vector.broadcast %or3A_266 : i32 to vector<16xi32>
          %ge3A_508 = arith.cmpi sge, %sub3A_492, %ge3A_507 : vector<16xi32>
          %and3A_509 = arith.andi %eq3A_487, %ge3A_508 : vector<16xi1>
          %broadcast_in_dim3A_510 = vector.broadcast %scan3A_228 : i32 to vector<16xi32>
          %broadcast_in_dim3A_511 = vector.broadcast %scan3A_229 : i32 to vector<16xi32>
          %select_n3A_512 = arith.select %and3A_509, %broadcast_in_dim3A_510, %broadcast_in_dim3A_511 : vector<16xi1>, vector<16xi32>
          %add3A_513 = arith.addi %add3A_472, %select_n3A_512 : vector<16xi32>
          %add3A_514 = arith.constant 32 : i32
          %add3A_515 = arith.addi %mul3A_434, %add3A_514 : i32
          %get3A_516 = arith.index_cast %add3A_515 : i32 to index
          %get3A_517 = tpu.vector_load %arg4[%get3A_516] {strides = array<i32>} : memref<32768xf32, #tpu.memory_space<vmem>>, vector<16xf32>,
          %get3A_518 = vector.shape_cast %get3A_517 : vector<16xf32> to vector<16xf32>
          %bitcast_convert_type3A_519 = tpu.bitcast %get3A_518 : vector<16xf32> -> vector<16xi32>
          %shift_right_arithmetic3A_520 = arith.constant 31 : i32
          %shift_right_arithmetic3A_521 = vector.broadcast %shift_right_arithmetic3A_520 : i32 to vector<16xi32>
          %shift_right_arithmetic3A_522 = arith.shrsi %bitcast_convert_type3A_519, %shift_right_arithmetic3A_521 : vector<16xi32>
          %and3A_523 = arith.constant 2147483647 : i32
          %and3A_524 = vector.broadcast %and3A_523 : i32 to vector<16xi32>
          %and3A_525 = arith.andi %shift_right_arithmetic3A_522, %and3A_524 : vector<16xi32>
          %xor3A_526 = arith.xori %bitcast_convert_type3A_519, %and3A_525 : vector<16xi32>
          %eq3A_527 = vector.broadcast %xor3A_165 : i32 to vector<16xi32>
          %eq3A_528 = arith.cmpi eq, %xor3A_526, %eq3A_527 : vector<16xi32>
          %add3A_529 = vector.broadcast %add3A_515 : i32 to vector<16xi32>
          %add3A_530 = arith.addi %add3A_529, %iota3A_227 : vector<16xi32>
          %sub3A_531 = arith.constant 32767 : i32
          %sub3A_532 = vector.broadcast %sub3A_531 : i32 to vector<16xi32>
          %sub3A_533 = arith.subi %sub3A_532, %add3A_530 : vector<16xi32>
          %ge3A_534 = vector.broadcast %or3A_264 : i32 to vector<16xi32>
          %ge3A_535 = arith.cmpi sge, %sub3A_533, %ge3A_534 : vector<16xi32>
          %and3A_536 = arith.andi %eq3A_528, %ge3A_535 : vector<16xi1>
          %broadcast_in_dim3A_537 = vector.broadcast %scan3A_228 : i32 to vector<16xi32>
          %broadcast_in_dim3A_538 = vector.broadcast %scan3A_229 : i32 to vector<16xi32>
          %select_n3A_539 = arith.select %and3A_536, %broadcast_in_dim3A_537, %broadcast_in_dim3A_538 : vector<16xi1>, vector<16xi32>
          %add3A_540 = arith.addi %add3A_499, %select_n3A_539 : vector<16xi32>
          %ge3A_541 = vector.broadcast %or3A_265 : i32 to vector<16xi32>
          %ge3A_542 = arith.cmpi sge, %sub3A_533, %ge3A_541 : vector<16xi32>
          %and3A_543 = arith.andi %eq3A_528, %ge3A_542 : vector<16xi1>
          %broadcast_in_dim3A_544 = vector.broadcast %scan3A_228 : i32 to vector<16xi32>
          %broadcast_in_dim3A_545 = vector.broadcast %scan3A_229 : i32 to vector<16xi32>
          %select_n3A_546 = arith.select %and3A_543, %broadcast_in_dim3A_544, %broadcast_in_dim3A_545 : vector<16xi1>, vector<16xi32>
          %add3A_547 = arith.addi %add3A_506, %select_n3A_546 : vector<16xi32>
          %ge3A_548 = vector.broadcast %or3A_266 : i32 to vector<16xi32>
          %ge3A_549 = arith.cmpi sge, %sub3A_533, %ge3A_548 : vector<16xi32>
          %and3A_550 = arith.andi %eq3A_528, %ge3A_549 : vector<16xi1>
          %broadcast_in_dim3A_551 = vector.broadcast %scan3A_228 : i32 to vector<16xi32>
          %broadcast_in_dim3A_552 = vector.broadcast %scan3A_229 : i32 to vector<16xi32>
          %select_n3A_553 = arith.select %and3A_550, %broadcast_in_dim3A_551, %broadcast_in_dim3A_552 : vector<16xi1>, vector<16xi32>
          %add3A_554 = arith.addi %add3A_513, %select_n3A_553 : vector<16xi32>
          %add3A_555 = arith.constant 48 : i32
          %add3A_556 = arith.addi %mul3A_434, %add3A_555 : i32
          %get3A_557 = arith.index_cast %add3A_556 : i32 to index
          %get3A_558 = tpu.vector_load %arg4[%get3A_557] {strides = array<i32>} : memref<32768xf32, #tpu.memory_space<vmem>>, vector<16xf32>,
          %get3A_559 = vector.shape_cast %get3A_558 : vector<16xf32> to vector<16xf32>
          %bitcast_convert_type3A_560 = tpu.bitcast %get3A_559 : vector<16xf32> -> vector<16xi32>
          %shift_right_arithmetic3A_561 = arith.constant 31 : i32
          %shift_right_arithmetic3A_562 = vector.broadcast %shift_right_arithmetic3A_561 : i32 to vector<16xi32>
          %shift_right_arithmetic3A_563 = arith.shrsi %bitcast_convert_type3A_560, %shift_right_arithmetic3A_562 : vector<16xi32>
          %and3A_564 = arith.constant 2147483647 : i32
          %and3A_565 = vector.broadcast %and3A_564 : i32 to vector<16xi32>
          %and3A_566 = arith.andi %shift_right_arithmetic3A_563, %and3A_565 : vector<16xi32>
          %xor3A_567 = arith.xori %bitcast_convert_type3A_560, %and3A_566 : vector<16xi32>
          %eq3A_568 = vector.broadcast %xor3A_165 : i32 to vector<16xi32>
          %eq3A_569 = arith.cmpi eq, %xor3A_567, %eq3A_568 : vector<16xi32>
          %add3A_570 = vector.broadcast %add3A_556 : i32 to vector<16xi32>
          %add3A_571 = arith.addi %add3A_570, %iota3A_227 : vector<16xi32>
          %sub3A_572 = arith.constant 32767 : i32
          %sub3A_573 = vector.broadcast %sub3A_572 : i32 to vector<16xi32>
          %sub3A_574 = arith.subi %sub3A_573, %add3A_571 : vector<16xi32>
          %ge3A_575 = vector.broadcast %or3A_264 : i32 to vector<16xi32>
          %ge3A_576 = arith.cmpi sge, %sub3A_574, %ge3A_575 : vector<16xi32>
          %and3A_577 = arith.andi %eq3A_569, %ge3A_576 : vector<16xi1>
          %broadcast_in_dim3A_578 = vector.broadcast %scan3A_228 : i32 to vector<16xi32>
          %broadcast_in_dim3A_579 = vector.broadcast %scan3A_229 : i32 to vector<16xi32>
          %select_n3A_580 = arith.select %and3A_577, %broadcast_in_dim3A_578, %broadcast_in_dim3A_579 : vector<16xi1>, vector<16xi32>
          %add3A_581 = arith.addi %add3A_540, %select_n3A_580 : vector<16xi32>
          %ge3A_582 = vector.broadcast %or3A_265 : i32 to vector<16xi32>
          %ge3A_583 = arith.cmpi sge, %sub3A_574, %ge3A_582 : vector<16xi32>
          %and3A_584 = arith.andi %eq3A_569, %ge3A_583 : vector<16xi1>
          %broadcast_in_dim3A_585 = vector.broadcast %scan3A_228 : i32 to vector<16xi32>
          %broadcast_in_dim3A_586 = vector.broadcast %scan3A_229 : i32 to vector<16xi32>
          %select_n3A_587 = arith.select %and3A_584, %broadcast_in_dim3A_585, %broadcast_in_dim3A_586 : vector<16xi1>, vector<16xi32>
          %add3A_588 = arith.addi %add3A_547, %select_n3A_587 : vector<16xi32>
          %ge3A_589 = vector.broadcast %or3A_266 : i32 to vector<16xi32>
          %ge3A_590 = arith.cmpi sge, %sub3A_574, %ge3A_589 : vector<16xi32>
          %and3A_591 = arith.andi %eq3A_569, %ge3A_590 : vector<16xi1>
          %broadcast_in_dim3A_592 = vector.broadcast %scan3A_228 : i32 to vector<16xi32>
          %broadcast_in_dim3A_593 = vector.broadcast %scan3A_229 : i32 to vector<16xi32>
          %select_n3A_594 = arith.select %and3A_591, %broadcast_in_dim3A_592, %broadcast_in_dim3A_593 : vector<16xi1>, vector<16xi32>
          %add3A_595 = arith.addi %add3A_554, %select_n3A_594 : vector<16xi32>
          scf.yield %add3A_581, %add3A_588, %add3A_595 : vector<16xi32>, vector<16xi32>, vector<16xi32>
        }
        %lt3A_278 = arith.constant 0 : i32
        %lt3A_279 = vector.broadcast %lt3A_278 : i32 to vector<16xi32>
        %lt3A_280 = arith.cmpi slt, %and3A_5, %lt3A_279 : vector<16xi32>
        %add3A_281 = arith.constant 16 : i32
        %add3A_282 = vector.broadcast %add3A_281 : i32 to vector<16xi32>
        %add3A_283 = arith.addi %and3A_5, %add3A_282 : vector<16xi32>
        %select_n3A_284 = arith.select %lt3A_280, %add3A_283, %and3A_5 : vector<16xi1>, vector<16xi32>
        %broadcast_in_dim3A_285 = vector.shape_cast %select_n3A_284 : vector<16xi32> to vector<16x1xi32>
        %gather3A_286 = vector.shape_cast %broadcast_in_dim3A_285 : vector<16x1xi32> to vector<16xi32>
        %gather3A_287 = tpu.dynamic_gather %while3A_277#0[%gather3A_286] in [0] : vector<16xi32>, vector<16xi32> -> vector<16xi32>
        %add3A_288 = arith.addi %while3A_277#0, %gather3A_287 : vector<16xi32>
        %lt3A_289 = arith.constant 0 : i32
        %lt3A_290 = vector.broadcast %lt3A_289 : i32 to vector<16xi32>
        %lt3A_291 = arith.cmpi slt, %and3A_11, %lt3A_290 : vector<16xi32>
        %add3A_292 = arith.constant 16 : i32
        %add3A_293 = vector.broadcast %add3A_292 : i32 to vector<16xi32>
        %add3A_294 = arith.addi %and3A_11, %add3A_293 : vector<16xi32>
        %select_n3A_295 = arith.select %lt3A_291, %add3A_294, %and3A_11 : vector<16xi1>, vector<16xi32>
        %broadcast_in_dim3A_296 = vector.shape_cast %select_n3A_295 : vector<16xi32> to vector<16x1xi32>
        %gather3A_297 = vector.shape_cast %broadcast_in_dim3A_296 : vector<16x1xi32> to vector<16xi32>
        %gather3A_298 = tpu.dynamic_gather %add3A_288[%gather3A_297] in [0] : vector<16xi32>, vector<16xi32> -> vector<16xi32>
        %add3A_299 = arith.addi %add3A_288, %gather3A_298 : vector<16xi32>
        %lt3A_300 = arith.constant 0 : i32
        %lt3A_301 = vector.broadcast %lt3A_300 : i32 to vector<16xi32>
        %lt3A_302 = arith.cmpi slt, %and3A_17, %lt3A_301 : vector<16xi32>
        %add3A_303 = arith.constant 16 : i32
        %add3A_304 = vector.broadcast %add3A_303 : i32 to vector<16xi32>
        %add3A_305 = arith.addi %and3A_17, %add3A_304 : vector<16xi32>
        %select_n3A_306 = arith.select %lt3A_302, %add3A_305, %and3A_17 : vector<16xi1>, vector<16xi32>
        %broadcast_in_dim3A_307 = vector.shape_cast %select_n3A_306 : vector<16xi32> to vector<16x1xi32>
        %gather3A_308 = vector.shape_cast %broadcast_in_dim3A_307 : vector<16x1xi32> to vector<16xi32>
        %gather3A_309 = tpu.dynamic_gather %add3A_299[%gather3A_308] in [0] : vector<16xi32>, vector<16xi32> -> vector<16xi32>
        %add3A_310 = arith.addi %add3A_299, %gather3A_309 : vector<16xi32>
        %lt3A_311 = arith.constant 0 : i32
        %lt3A_312 = vector.broadcast %lt3A_311 : i32 to vector<16xi32>
        %lt3A_313 = arith.cmpi slt, %and3A_23, %lt3A_312 : vector<16xi32>
        %add3A_314 = arith.constant 16 : i32
        %add3A_315 = vector.broadcast %add3A_314 : i32 to vector<16xi32>
        %add3A_316 = arith.addi %and3A_23, %add3A_315 : vector<16xi32>
        %select_n3A_317 = arith.select %lt3A_313, %add3A_316, %and3A_23 : vector<16xi1>, vector<16xi32>
        %broadcast_in_dim3A_318 = vector.shape_cast %select_n3A_317 : vector<16xi32> to vector<16x1xi32>
        %gather3A_319 = vector.shape_cast %broadcast_in_dim3A_318 : vector<16x1xi32> to vector<16xi32>
        %gather3A_320 = tpu.dynamic_gather %add3A_310[%gather3A_319] in [0] : vector<16xi32>, vector<16xi32> -> vector<16xi32>
        %add3A_321 = arith.addi %add3A_310, %gather3A_320 : vector<16xi32>
        %slice3A_322 = vector.extract_strided_slice %add3A_321 {offsets = [0], sizes = [1], strides = [1]} : vector<16xi32> to vector<1xi32>
        %squeeze3A_323 = vector.extract %slice3A_322[0] : i32 from vector<1xi32>
        %lt3A_324 = arith.constant 0 : i32
        %lt3A_325 = vector.broadcast %lt3A_324 : i32 to vector<16xi32>
        %lt3A_326 = arith.cmpi slt, %and3A_5, %lt3A_325 : vector<16xi32>
        %add3A_327 = arith.constant 16 : i32
        %add3A_328 = vector.broadcast %add3A_327 : i32 to vector<16xi32>
        %add3A_329 = arith.addi %and3A_5, %add3A_328 : vector<16xi32>
        %select_n3A_330 = arith.select %lt3A_326, %add3A_329, %and3A_5 : vector<16xi1>, vector<16xi32>
        %broadcast_in_dim3A_331 = vector.shape_cast %select_n3A_330 : vector<16xi32> to vector<16x1xi32>
        %gather3A_332 = vector.shape_cast %broadcast_in_dim3A_331 : vector<16x1xi32> to vector<16xi32>
        %gather3A_333 = tpu.dynamic_gather %while3A_277#1[%gather3A_332] in [0] : vector<16xi32>, vector<16xi32> -> vector<16xi32>
        %add3A_334 = arith.addi %while3A_277#1, %gather3A_333 : vector<16xi32>
        %lt3A_335 = arith.constant 0 : i32
        %lt3A_336 = vector.broadcast %lt3A_335 : i32 to vector<16xi32>
        %lt3A_337 = arith.cmpi slt, %and3A_11, %lt3A_336 : vector<16xi32>
        %add3A_338 = arith.constant 16 : i32
        %add3A_339 = vector.broadcast %add3A_338 : i32 to vector<16xi32>
        %add3A_340 = arith.addi %and3A_11, %add3A_339 : vector<16xi32>
        %select_n3A_341 = arith.select %lt3A_337, %add3A_340, %and3A_11 : vector<16xi1>, vector<16xi32>
        %broadcast_in_dim3A_342 = vector.shape_cast %select_n3A_341 : vector<16xi32> to vector<16x1xi32>
        %gather3A_343 = vector.shape_cast %broadcast_in_dim3A_342 : vector<16x1xi32> to vector<16xi32>
        %gather3A_344 = tpu.dynamic_gather %add3A_334[%gather3A_343] in [0] : vector<16xi32>, vector<16xi32> -> vector<16xi32>
        %add3A_345 = arith.addi %add3A_334, %gather3A_344 : vector<16xi32>
        %lt3A_346 = arith.constant 0 : i32
        %lt3A_347 = vector.broadcast %lt3A_346 : i32 to vector<16xi32>
        %lt3A_348 = arith.cmpi slt, %and3A_17, %lt3A_347 : vector<16xi32>
        %add3A_349 = arith.constant 16 : i32
        %add3A_350 = vector.broadcast %add3A_349 : i32 to vector<16xi32>
        %add3A_351 = arith.addi %and3A_17, %add3A_350 : vector<16xi32>
        %select_n3A_352 = arith.select %lt3A_348, %add3A_351, %and3A_17 : vector<16xi1>, vector<16xi32>
        %broadcast_in_dim3A_353 = vector.shape_cast %select_n3A_352 : vector<16xi32> to vector<16x1xi32>
        %gather3A_354 = vector.shape_cast %broadcast_in_dim3A_353 : vector<16x1xi32> to vector<16xi32>
        %gather3A_355 = tpu.dynamic_gather %add3A_345[%gather3A_354] in [0] : vector<16xi32>, vector<16xi32> -> vector<16xi32>
        %add3A_356 = arith.addi %add3A_345, %gather3A_355 : vector<16xi32>
        %lt3A_357 = arith.constant 0 : i32
        %lt3A_358 = vector.broadcast %lt3A_357 : i32 to vector<16xi32>
        %lt3A_359 = arith.cmpi slt, %and3A_23, %lt3A_358 : vector<16xi32>
        %add3A_360 = arith.constant 16 : i32
        %add3A_361 = vector.broadcast %add3A_360 : i32 to vector<16xi32>
        %add3A_362 = arith.addi %and3A_23, %add3A_361 : vector<16xi32>
        %select_n3A_363 = arith.select %lt3A_359, %add3A_362, %and3A_23 : vector<16xi1>, vector<16xi32>
        %broadcast_in_dim3A_364 = vector.shape_cast %select_n3A_363 : vector<16xi32> to vector<16x1xi32>
        %gather3A_365 = vector.shape_cast %broadcast_in_dim3A_364 : vector<16x1xi32> to vector<16xi32>
        %gather3A_366 = tpu.dynamic_gather %add3A_356[%gather3A_365] in [0] : vector<16xi32>, vector<16xi32> -> vector<16xi32>
        %add3A_367 = arith.addi %add3A_356, %gather3A_366 : vector<16xi32>
        %slice3A_368 = vector.extract_strided_slice %add3A_367 {offsets = [0], sizes = [1], strides = [1]} : vector<16xi32> to vector<1xi32>
        %squeeze3A_369 = vector.extract %slice3A_368[0] : i32 from vector<1xi32>
        %lt3A_370 = arith.constant 0 : i32
        %lt3A_371 = vector.broadcast %lt3A_370 : i32 to vector<16xi32>
        %lt3A_372 = arith.cmpi slt, %and3A_5, %lt3A_371 : vector<16xi32>
        %add3A_373 = arith.constant 16 : i32
        %add3A_374 = vector.broadcast %add3A_373 : i32 to vector<16xi32>
        %add3A_375 = arith.addi %and3A_5, %add3A_374 : vector<16xi32>
        %select_n3A_376 = arith.select %lt3A_372, %add3A_375, %and3A_5 : vector<16xi1>, vector<16xi32>
        %broadcast_in_dim3A_377 = vector.shape_cast %select_n3A_376 : vector<16xi32> to vector<16x1xi32>
        %gather3A_378 = vector.shape_cast %broadcast_in_dim3A_377 : vector<16x1xi32> to vector<16xi32>
        %gather3A_379 = tpu.dynamic_gather %while3A_277#2[%gather3A_378] in [0] : vector<16xi32>, vector<16xi32> -> vector<16xi32>
        %add3A_380 = arith.addi %while3A_277#2, %gather3A_379 : vector<16xi32>
        %lt3A_381 = arith.constant 0 : i32
        %lt3A_382 = vector.broadcast %lt3A_381 : i32 to vector<16xi32>
        %lt3A_383 = arith.cmpi slt, %and3A_11, %lt3A_382 : vector<16xi32>
        %add3A_384 = arith.constant 16 : i32
        %add3A_385 = vector.broadcast %add3A_384 : i32 to vector<16xi32>
        %add3A_386 = arith.addi %and3A_11, %add3A_385 : vector<16xi32>
        %select_n3A_387 = arith.select %lt3A_383, %add3A_386, %and3A_11 : vector<16xi1>, vector<16xi32>
        %broadcast_in_dim3A_388 = vector.shape_cast %select_n3A_387 : vector<16xi32> to vector<16x1xi32>
        %gather3A_389 = vector.shape_cast %broadcast_in_dim3A_388 : vector<16x1xi32> to vector<16xi32>
        %gather3A_390 = tpu.dynamic_gather %add3A_380[%gather3A_389] in [0] : vector<16xi32>, vector<16xi32> -> vector<16xi32>
        %add3A_391 = arith.addi %add3A_380, %gather3A_390 : vector<16xi32>
        %lt3A_392 = arith.constant 0 : i32
        %lt3A_393 = vector.broadcast %lt3A_392 : i32 to vector<16xi32>
        %lt3A_394 = arith.cmpi slt, %and3A_17, %lt3A_393 : vector<16xi32>
        %add3A_395 = arith.constant 16 : i32
        %add3A_396 = vector.broadcast %add3A_395 : i32 to vector<16xi32>
        %add3A_397 = arith.addi %and3A_17, %add3A_396 : vector<16xi32>
        %select_n3A_398 = arith.select %lt3A_394, %add3A_397, %and3A_17 : vector<16xi1>, vector<16xi32>
        %broadcast_in_dim3A_399 = vector.shape_cast %select_n3A_398 : vector<16xi32> to vector<16x1xi32>
        %gather3A_400 = vector.shape_cast %broadcast_in_dim3A_399 : vector<16x1xi32> to vector<16xi32>
        %gather3A_401 = tpu.dynamic_gather %add3A_391[%gather3A_400] in [0] : vector<16xi32>, vector<16xi32> -> vector<16xi32>
        %add3A_402 = arith.addi %add3A_391, %gather3A_401 : vector<16xi32>
        %lt3A_403 = arith.constant 0 : i32
        %lt3A_404 = vector.broadcast %lt3A_403 : i32 to vector<16xi32>
        %lt3A_405 = arith.cmpi slt, %and3A_23, %lt3A_404 : vector<16xi32>
        %add3A_406 = arith.constant 16 : i32
        %add3A_407 = vector.broadcast %add3A_406 : i32 to vector<16xi32>
        %add3A_408 = arith.addi %and3A_23, %add3A_407 : vector<16xi32>
        %select_n3A_409 = arith.select %lt3A_405, %add3A_408, %and3A_23 : vector<16xi1>, vector<16xi32>
        %broadcast_in_dim3A_410 = vector.shape_cast %select_n3A_409 : vector<16xi32> to vector<16x1xi32>
        %gather3A_411 = vector.shape_cast %broadcast_in_dim3A_410 : vector<16x1xi32> to vector<16xi32>
        %gather3A_412 = tpu.dynamic_gather %add3A_402[%gather3A_411] in [0] : vector<16xi32>, vector<16xi32> -> vector<16xi32>
        %add3A_413 = arith.addi %add3A_402, %gather3A_412 : vector<16xi32>
        %slice3A_414 = vector.extract_strided_slice %add3A_413 {offsets = [0], sizes = [1], strides = [1]} : vector<16xi32> to vector<1xi32>
        %squeeze3A_415 = vector.extract %slice3A_414[0] : i32 from vector<1xi32>
        %ge3A_416 = arith.cmpi sge, %squeeze3A_323, %sub3A_226 : i32
        %not3A_417 = arith.constant true
        %not3A_418 = arith.xori %ge3A_416, %not3A_417 : i1
        %ge3A_419 = arith.cmpi sge, %squeeze3A_369, %sub3A_226 : i32
        %and3A_420 = arith.andi %not3A_418, %ge3A_419 : i1
        %or3A_421 = arith.ori %ge3A_416, %and3A_420 : i1
        %not3A_422 = arith.constant true
        %not3A_423 = arith.xori %or3A_421, %not3A_422 : i1
        %ge3A_424 = arith.cmpi sge, %squeeze3A_415, %sub3A_226 : i32
        %and3A_425 = arith.andi %not3A_423, %ge3A_424 : i1
        %select_n3A_426 = arith.select %and3A_425, %or3A_266, %scan3A_252 : i32
        %select_n3A_427 = arith.select %and3A_420, %or3A_265, %select_n3A_426 : i32
        %select_n3A_428 = arith.select %ge3A_416, %or3A_264, %select_n3A_427 : i32
        scf.yield %select_n3A_428 : i32
      }
      %scan3A_236 = arith.constant 8 : i32
      %sub3A_237 = arith.constant 32767 : i32
      %sub3A_238 = arith.subi %sub3A_237, %scan3A_235 : i32
      %jit3A_239 = arith.constant 32767 : i32
      %select_n3A_240 = arith.select %gt3A_166, %sub3A_238, %jit3A_239 : i32
      %eq3A_241 = vector.broadcast %scan3A_33 : i32 to vector<16xi32>
      %eq3A_242 = arith.cmpi eq, %iota3A, %eq3A_241 : vector<16xi32>
      %broadcast_in_dim3A_243 = vector.broadcast %xor3A_165 : i32 to vector<16xi32>
      %select_n3A_244 = arith.select %eq3A_242, %broadcast_in_dim3A_243, %scan3A_34 : vector<16xi1>, vector<16xi32>
      %add3A_245 = arith.constant 4 : i32
      %add3A_246 = arith.addi %scan3A_33, %add3A_245 : i32
      %eq3A_247 = vector.broadcast %add3A_246 : i32 to vector<16xi32>
      %eq3A_248 = arith.cmpi eq, %iota3A, %eq3A_247 : vector<16xi32>
      %broadcast_in_dim3A_249 = vector.broadcast %select_n3A_240 : i32 to vector<16xi32>
      %select_n3A_250 = arith.select %eq3A_248, %broadcast_in_dim3A_249, %select_n3A_244 : vector<16xi1>, vector<16xi32>
      scf.yield %select_n3A_250 : vector<16xi32>
    }
    %scan3A_29 = arith.constant 4 : i32
    %swap3A = arith.constant 0 : index
    %swap3A_30 = tpu.vector_load %arg6[%swap3A] {strides = array<i32>} : memref<16xi32, #tpu.memory_space<vmem>>, vector<16xi32>,
    %swap3A_31 = vector.shape_cast %swap3A_30 : vector<16xi32> to vector<16xi32>
    %swap3A_32 = vector.shape_cast %scan3A_28 : vector<16xi32> to vector<16xi32>
    tpu.vector_store %arg6[%swap3A], %swap3A_32 {strides = array<i32>} : memref<16xi32, #tpu.memory_space<vmem>>, vector<16xi32>,
    "tpu.region"() ({
      %run_scoped3A = tpu.sem_alloc : memref<!tpu.dma_semaphore, #tpu.memory_space<semaphore_mem>>
      %dma_start3A = arith.constant 0 : i32
      %dma_start3A_33 = tpu.memref_slice %arg3[%add3A, %dma_start3A] : memref<32x16xi32, #tpu.memory_space<hbm>> -> memref<1x16xi32, #tpu.memory_space<hbm>>
      %dma_start3A_34 = tpu.memref_squeeze %dma_start3A_33 : memref<1x16xi32, #tpu.memory_space<hbm>> -> memref<16xi32, #tpu.memory_space<hbm>>
      %dma_start3A_35 = arith.constant 0 : i32
      %dma_start3A_36 = tpu.memref_slice %arg3[%add3A, %dma_start3A_35] : memref<32x16xi32, #tpu.memory_space<hbm>> -> memref<1x16xi32, #tpu.memory_space<hbm>>
      %dma_start3A_37 = tpu.memref_squeeze %dma_start3A_36 : memref<1x16xi32, #tpu.memory_space<hbm>> -> memref<16xi32, #tpu.memory_space<hbm>>
      tpu.enqueue_dma source(%arg6 : memref<16xi32, #tpu.memory_space<vmem>>) target(%dma_start3A_37 : memref<16xi32, #tpu.memory_space<hbm>>) target_semaphore(%run_scoped3A : memref<!tpu.dma_semaphore, #tpu.memory_space<semaphore_mem>>)
      %dma_wait3A = arith.constant 0 : i32
      %dma_wait3A_38 = tpu.memref_slice %arg3[%add3A, %dma_wait3A] : memref<32x16xi32, #tpu.memory_space<hbm>> -> memref<1x16xi32, #tpu.memory_space<hbm>>
      %dma_wait3A_39 = tpu.memref_squeeze %dma_wait3A_38 : memref<1x16xi32, #tpu.memory_space<hbm>> -> memref<16xi32, #tpu.memory_space<hbm>>
      %dma_wait3A_40 = arith.constant 0 : i32
      %dma_wait3A_41 = tpu.memref_slice %arg3[%add3A, %dma_wait3A_40] : memref<32x16xi32, #tpu.memory_space<hbm>> -> memref<1x16xi32, #tpu.memory_space<hbm>>
      %dma_wait3A_42 = tpu.memref_squeeze %dma_wait3A_41 : memref<1x16xi32, #tpu.memory_space<hbm>> -> memref<16xi32, #tpu.memory_space<hbm>>
      tpu.wait_dma2 semaphore(%run_scoped3A : memref<!tpu.dma_semaphore, #tpu.memory_space<semaphore_mem>>) src(%arg6 : memref<16xi32, #tpu.memory_space<vmem>>) dst(%dma_wait3A_42 : memref<16xi32, #tpu.memory_space<hbm>>)
      tpu.yield
    }) : () -> ()
    return
  }
}

module attributes {stable_mosaic.version = 14 : i64} {
  func.func @_tc_body(%arg0: i32, %arg1: memref<8x32768xf32, #tpu.memory_space<vmem>>, %arg2: memref<8x1xi32, #tpu.memory_space<vmem>>, %arg3: memref<8x1xi32, #tpu.memory_space<vmem>>, %arg4: memref<8x32768xf32, #tpu.memory_space<vmem>>) attributes {dimension_semantics = [#tpu.dimension_semantics<arbitrary>], iteration_bounds = array<i64: 16>, scalar_prefetch = 0 : i64, scratch_operands = 0 : i64, tpu.core_type = #tpu.core_type<tc>, window_params = [{transform_indices = @transform_0, window_bounds = array<i64: 8, 32768>}, {transform_indices = @transform_1, window_bounds = array<i64: 8, 1>}, {transform_indices = @transform_2, window_bounds = array<i64: 8, 1>}, {transform_indices = @transform_3, window_bounds = array<i64: 8, 32768>}]} {
    %get3A = arith.constant 0 : index
    %get3A_0 = arith.constant 0 : index
    %get3A_1 = vector.load %arg1[%get3A, %get3A_0] : memref<8x32768xf32, #tpu.memory_space<vmem>>, vector<8x32768xf32>
    %bitcast_convert_type3A = tpu.bitcast %get3A_1 : vector<8x32768xf32> -> vector<8x32768xi32>
    %shift_right_arithmetic3A = arith.constant 31 : i32
    %shift_right_arithmetic3A_2 = vector.broadcast %shift_right_arithmetic3A : i32 to vector<8x32768xi32>
    %shift_right_arithmetic3A_3 = arith.shrsi %bitcast_convert_type3A, %shift_right_arithmetic3A_2 : vector<8x32768xi32>
    %and3A = arith.constant 2147483647 : i32
    %and3A_4 = vector.broadcast %and3A : i32 to vector<8x32768xi32>
    %and3A_5 = arith.andi %shift_right_arithmetic3A_3, %and3A_4 : vector<8x32768xi32>
    %xor3A = arith.xori %bitcast_convert_type3A, %and3A_5 : vector<8x32768xi32>
    %iota3A = tpu.iota {dimensions = array<i32: 1>} : vector<8x32768xi32>
    %get3A_6 = arith.constant 0 : index
    %get3A_7 = arith.constant 0 : index
    %get3A_8 = vector.load %arg2[%get3A_6, %get3A_7] : memref<8x1xi32, #tpu.memory_space<vmem>>, vector<8x1xi32>
    %gt3A = vector.broadcast %get3A_8 : vector<8x1xi32> to vector<8x32768xi32>
    %gt3A_9 = arith.cmpi sgt, %xor3A, %gt3A : vector<8x32768xi32>
    %get3A_10 = arith.constant 0 : index
    %get3A_11 = arith.constant 0 : index
    %get3A_12 = vector.load %arg2[%get3A_10, %get3A_11] : memref<8x1xi32, #tpu.memory_space<vmem>>, vector<8x1xi32>
    %eq3A = vector.broadcast %get3A_12 : vector<8x1xi32> to vector<8x32768xi32>
    %eq3A_13 = arith.cmpi eq, %xor3A, %eq3A : vector<8x32768xi32>
    %get3A_14 = arith.constant 0 : index
    %get3A_15 = arith.constant 0 : index
    %get3A_16 = vector.load %arg3[%get3A_14, %get3A_15] : memref<8x1xi32, #tpu.memory_space<vmem>>, vector<8x1xi32>
    %le3A = vector.broadcast %get3A_16 : vector<8x1xi32> to vector<8x32768xi32>
    %le3A_17 = arith.cmpi sle, %iota3A, %le3A : vector<8x32768xi32>
    %and3A_18 = arith.andi %eq3A_13, %le3A_17 : vector<8x32768xi1>
    %or3A = arith.ori %gt3A_9, %and3A_18 : vector<8x32768xi1>
    %max3A = arith.constant 0.000000e+00 : f32
    %max3A_19 = vector.broadcast %max3A : f32 to vector<8x32768xf32>
    %max3A_20 = arith.maximumf %get3A_1, %max3A_19 : vector<8x32768xf32>
    %jit3A = arith.constant 0.000000e+00 : f32
    %broadcast_in_dim3A = vector.broadcast %jit3A : f32 to vector<8x32768xf32>
    %select_n3A = arith.select %or3A, %max3A_20, %broadcast_in_dim3A : vector<8x32768xi1>, vector<8x32768xf32>
    %swap3A = arith.constant 0 : index
    %swap3A_21 = arith.constant 0 : index
    %swap3A_22 = vector.load %arg4[%swap3A, %swap3A_21] : memref<8x32768xf32, #tpu.memory_space<vmem>>, vector<8x32768xf32>
    tpu.vector_store %arg4[%swap3A, %swap3A_21], %select_n3A {strides = array<i32>} : memref<8x32768xf32, #tpu.memory_space<vmem>>, vector<8x32768xf32>,
    return
  }
  func.func @transform_0(%arg0: i32) -> (i32, i32) {
    %c0_i32 = arith.constant 0 : i32
    %c0_i32_0 = arith.constant 0 : i32
    return %arg0, %c0_i32 : i32, i32
  }
  func.func @transform_1(%arg0: i32) -> (i32, i32) {
    %c0_i32 = arith.constant 0 : i32
    %c0_i32_0 = arith.constant 0 : i32
    return %arg0, %c0_i32 : i32, i32
  }
  func.func @transform_2(%arg0: i32) -> (i32, i32) {
    %c0_i32 = arith.constant 0 : i32
    %c0_i32_0 = arith.constant 0 : i32
    return %arg0, %c0_i32 : i32, i32
  }
  func.func @transform_3(%arg0: i32) -> (i32, i32) {
    %c0_i32 = arith.constant 0 : i32
    %c0_i32_0 = arith.constant 0 : i32
    return %arg0, %c0_i32 : i32, i32
  }
}

</mosaic_0001>

<sc_bundles>
// kernel: kernel.4.cloned.1.call-start
scs
__scs_entry_jumppad:
0x0: {  	(pc) =	sbr.rel $0x88, $3  }
0x1: {  	(tag) =	ssettag $0x0;
	lr =	simm.s32 $0x1  }
0x2: {  	[smem:$0x3FA0] =	sst lr;
	_ =	strace $0xD0000000  }
0x3: {  	_ = 	snop  }
0x4: {  	_ = 	snop  }
0x5: {  	_ = 	snop  }
0x6: {  	_ = 	snop  }
0x7: {  	_ = 	snop  }
__scs_overlays_trampoline_lowered:
0x8: {  	[smem:$0x3FAF] =	sst s0  }
0x9: {  	[smem:$0x3FB0] =	sst s1  }
0xa: {  	[smem:$0x3FB1] =	sst s2  }
0xb: {  	[smem:$0x3FB2] =	sst s3  }
0xc: {  	[smem:$0x3FB3] =	sst s4  }
0xd: {  	[smem:$0x3FB4] =	sst s5  }
0xe: {  	[smem:$0x3FB5] =	sst s6  }
0xf: {  	[smem:$0x3FB6] =	sst s7  }
0x10: {  	[smem:$0x3FB7] =	sst s8  }
0x11: {  	[smem:$0x3FB8] =	sst s9;
	s0 =	simm.s32 @!p0 $0x0  }
0x12: {  	s1 =	sld [smem:$0x3F9E];
	s0 =	simm.s32 @p0 $0x1  }
0x13: {  	[smem:$0x3FB9] =	sst s0;
	s0 =	simm.s32 @!p1 $0x0  }
0x14: {  	s2 =	sld [smem:$0x3F9D];
	s0 =	simm.s32 @p1 $0x1  }
0x15: {  	[smem:$0x3FBA] =	sst s0;
	s0 =	simm.s32 @!p2 $0x0  }
0x16: {  	s3 =	sld [smem:$0x3FDB];
	s0 =	simm.s32 @p2 $0x1  }
0x17: {  	s4 =	simm.s32 $0x1BF5;
	[smem:$0x3FBC] =	sst s0  }
0x18: {  	s0 =	sld [smem:$0x3F9F];
	_ =	swait.ge [sflag:s4], $0x0  }
0x19: {  	s7 =	sld [smem:$0x3FA0]  }
0x1a: {  	s8 =	sadd.s32 $0xFFFFE003, lr  }
0x1b: {  	s9 =	sadd.s32 $0xFFFFFEF7, lr;
	s5 =	simm.s32 $0xFFFFFFFF;
	p2 =	slt.u32 s8, $0xFFFFF086  }
0x1c: {  	p1 =	slt.u32 s9, $0xF7A;
	s5 =	simm.s32 @!p2 $0x0  }
0x1d: {  	s5 =	simm.s32 @p1 $0x1;
	p0 =	seq.s32 s7, s2  }
0x1e: {  	s7 =	smul.u32 @!p0 $0xF7A, s2;
	p2 =	seq.s32 @!p0 s5, $0x0  }
0x1f: {  	s9 =	smul.u32 $0xF7A, s1;
	s8 =	simm.s32 @!p0 $0x1BF5;
	p2 =	por !p2, p0  }
0x20: {  	[sflag:s8] =	ssyncset.s32 @!p0 $0xFFFFF086;
	s6 =	sadd.s32 @!p0 s3, s7;
	s7 =	simm.s32 @!p0 $0x108  }
0x21: {  	s3 =	sadd.s32 s3, s9;
	s6 =	sadd.s32 @!p0 $0x88, s6;
	s7 =	simm.s32 @p2 $0x1082  }
0x22: {  	[simem:s7], [sflag:s8] =	dma.local @!p0 [hbm:s6], $0xF7A  }
0x23: {  	s9 =	sor.u32 $0xD0000000, s2;
	s6 =	simm.s32 $0x108;
	_ =	swait.ge @!p0 [sflag:s8], $0x0  }
0x24: {  	s3 =	sadd.s32 $0x88, s3;
	s6 =	simm.s32 @!p1 $0x1082;
	[sflag:s4] =	ssyncset.s32 $0xFFFFF086  }
0x25: {  	[simem:s6], [sflag:s4] =	dma.local [hbm:s3], $0xF7A  }
0x26: {  	[smem:$0x3FA0] =	sst s1;
	(tag) =	ssettag s2;
	_ =	strace s9  }
0x27: {  	s1 =	sld [smem:$0x3FB0]  }
0x28: {  	s2 =	sld [smem:$0x3FB1]  }
0x29: {  	s4 =	sld [smem:$0x3FB3]  }
0x2a: {  	p0 =	seq.s32 s5, $0x0;
	s5 =	sld [smem:$0x3FB4]  }
0x2b: {  	s6 =	sld [smem:$0x3FB5]  }
0x2c: {  	s7 =	sld [smem:$0x3FB6]  }
0x2d: {  	s3 =	simm.s32 $0x108;
	s8 =	sld [smem:$0x3FB7]  }
0x2e: {  	s3 =	simm.s32 @!p0 $0x1082;
	s9 =	sld [smem:$0x3FB8]  }
0x2f: {  	lr =	sadd.s32 s0, s3;
	s0 =	sld [smem:$0x3FAF]  }
0x30: {  	s3 =	sld [smem:$0x3FB2]  }
0x31: {  	[smem:$0x3FBB] =	sst s10  }
0x32: {  	s10 =	sld [smem:$0x3FB9];
	_ =	sdelay $0x3  }
0x33: {  	p0 =	seq.s32 s10, $0x1;
	s10 =	sld [smem:$0x3FBB];
	_ =	sdelay $0x3  }
0x34: {  	[smem:$0x3FBB] =	sst s10  }
0x35: {  	s10 =	sld [smem:$0x3FBA];
	_ =	sdelay $0x3  }
0x36: {  	p1 =	seq.s32 s10, $0x1;
	s10 =	sld [smem:$0x3FBB];
	_ =	sdelay $0x3  }
0x37: {  	[smem:$0x3FBB] =	sst s10  }
0x38: {  	s10 =	sld [smem:$0x3FBC]  }
0x39: {  	_ = 	snop;
	(pc) =	sbr.ind lr, $3  }
0x3a: {  	_ = 	snop  }
0x3b: {  	_ = 	snop  }
0x3c: {  	p2 =	seq.s32 s10, $0x1;
	s10 =	sld [smem:$0x3FBB]  }
0x3d: {  	_ =	shalt  }
0x3e: {  	_ =	shalt  }
0x3f: {  	_ =	shalt  }
0x40: {  	_ =	shalt  }
0x41: {  	_ =	shalt  }
0x42: {  	_ =	shalt  }
0x43: {  	_ =	shalt  }
0x44: {  	_ =	shalt  }
0x45: {  	_ =	shalt  }
0x46: {  	_ =	shalt  }
0x47: {  	_ =	shalt  }
0x48: {  	_ =	shalt  }
0x49: {  	_ =	shalt  }
0x4a: {  	_ =	shalt  }
0x4b: {  	_ =	shalt  }
0x4c: {  	_ =	shalt  }
0x4d: {  	_ =	shalt  }
0x4e: {  	_ =	shalt  }
0x4f: {  	_ =	shalt  }
0x50: {  	_ =	shalt  }
0x51: {  	_ =	shalt  }
0x52: {  	_ =	shalt  }
0x53: {  	_ =	shalt  }
0x54: {  	_ =	shalt  }
0x55: {  	_ =	shalt  }
0x56: {  	_ =	shalt  }
0x57: {  	_ =	shalt  }
0x58: {  	_ =	shalt  }
0x59: {  	_ =	shalt  }
0x5a: {  	_ =	shalt  }
0x5b: {  	_ =	shalt  }
0x5c: {  	_ =	shalt  }
0x5d: {  	_ =	shalt  }
0x5e: {  	_ =	shalt  }
0x5f: {  	_ =	shalt  }
0x60: {  	_ =	shalt  }
0x61: {  	_ =	shalt  }
0x62: {  	_ =	shalt  }
0x63: {  	_ =	shalt  }
0x64: {  	_ =	shalt  }
0x65: {  	_ =	shalt  }
0x66: {  	_ =	shalt  }
0x67: {  	_ =	shalt  }
0x68: {  	_ =	shalt  }
0x69: {  	_ =	shalt  }
0x6a: {  	_ =	shalt  }
0x6b: {  	_ =	shalt  }
0x6c: {  	_ =	shalt  }
0x6d: {  	_ =	shalt  }
0x6e: {  	_ =	shalt  }
0x6f: {  	_ =	shalt  }
0x70: {  	_ =	shalt  }
0x71: {  	_ =	shalt  }
0x72: {  	_ =	shalt  }
0x73: {  	_ =	shalt  }
0x74: {  	_ =	shalt  }
0x75: {  	_ =	shalt  }
0x76: {  	_ =	shalt  }
0x77: {  	_ =	shalt  }
0x78: {  	_ =	shalt  }
0x79: {  	_ =	shalt  }
0x7a: {  	_ =	shalt  }
0x7b: {  	_ =	shalt  }
0x7c: {  	_ =	shalt  }
0x7d: {  	_ =	shalt  }
0x7e: {  	_ =	shalt  }
0x7f: {  	_ =	shalt  }
0x80: {  	_ =	shalt  }
0x81: {  	_ =	shalt  }
0x82: {  	_ =	shalt  }
0x83: {  	_ =	shalt  }
0x84: {  	_ =	shalt  }
0x85: {  	_ =	shalt  }
0x86: {  	_ =	shalt  }
0x87: {  	_ =	shalt  }
.Lfunc_end0:
.L_simem_size_0:
called_computation_lowered:
.L_overlay_start_0:
0x88: {  	s2 =	sld [smem:$0x3FD9]  }
0x89: {  	s3 =	sld [smem:$0x3FFE];
	_ =	sdelay $0x1  }
0x8a: {  	s1 =	srdreg.scid  }
0x8b: {  	s0 =	sand.u32 $0x1, s1  }
0x8c: {  	s18 =	sshll.u32 s0, $0xA;
	s2 =	sadd.s32 s3, s2  }
0x8d: {  	s2 =	sadd.s32 s2, s18  }
0x8e: {  	[smem:$0x3FC7] =	sst s2  }
0x8f: {  	_ = 	snop  }
0x90: {  	s2 =	sld [smem:$0x3FC9]  }
0x91: {  	s19 =	sld [smem:$0x3FD0];
	(tm) =	ssettm $0x1  }
0x92: {  	s4 =	sld [smem:$0x3FFB];
	_ =	sdelay $0x3  }
0x93: {  	_ =	strace s4  }
0x94: {  	s4 =	sld [smem:$0x3FFC];
	_ =	sdelay $0x3  }
0x95: {  	_ =	strace s4  }
0x96: {  	s4 =	sld [smem:$0x3FFD];
	_ =	sdelay $0x3  }
0x97: {  	_ =	strace s4  }
0x98: {  	_ =	strace $0x8FFFFFFF  }
0x99: {  	s20 =	sld [smem:$0x3FDB];
	_ =	sdelay $0x1  }
0x9a: {  	s5 =	simm.s32 $_scs_section_size  }
0x9b: {  	s6 =	simm.s32 $_size__tile_overlayer_lowered;
	s7 =	simm.s32 $_tile_overlayer_lowered  }
0x9c: {  	s23 =	simm.s32 $0x1BFF;
	s22 =	sshll.u32 s7, $0x1;
	s4 =	sadd.s32 s5, s20  }
0x9d: {  	s8 =	simm.s32 $0x0;
	s21 =	sshll.u32 s6, $0x1;
	s6 =	sadd.s32 s22, s4  }
0x9e: {  	[timem:s8], [sflag:s23] =	dma.local [hbm:s6], s21  }
0x9f: {  	_ =	swait.ge [sflag:s23], s21  }
0xa0: {  	s5 =	ssub.s32 $0x0, s21;
	[sflag:s23] =	ssyncset.done $0x0  }
0xa1: {  	[sflag:s23] =	ssyncadd.s32 s5;
	_ =	sdelay $0x1  }
0xa2: {  	s24 =	simm.s32 $0x1B8B  }
0xa3: {  	_ =	swait.ge [sflag:s24], $0x1  }
0xa4: {  	[sflag:s24] =	ssyncset.done $0x0  }
0xa5: {  	s25 =	simm.s32 $0x1B8E;
	[sflag:s24] =	ssyncadd.s32 $0xFFFFFFFF  }
0xa6: {  	s26 =	simm.s32 $execute0_lowered;
	[smem:$0x3FD2] =	sst s25  }
0xa7: {  	s5 =	sshll.u32 s26, $0x1;
	_ =	strace $0x80000046;
	[dreg:$0x1] =	wrdreg $0xFFFFFFFF  }
0xa8: {  	s28 =	simm.s32 $_size_execute0_lowered;
	s4 =	sadd.s32 s4, s5;
	[dreg:$0x0] =	wrdreg $0x0  }
0xa9: {  	s5 =	sshll.u32 s28, $0x1;
	[dreg:$0x2] =	wrdreg s4  }
0xaa: {  	[dreg:$0x3] =	wrdreg s5  }
0xab: {  	[dreg:$0x4] =	wrdreg $0xC0  }
0xac: {  	_ =	task [dreg:s8], $0x5FFFF  }
0xad: {  	[dreg:$0x1] =	wrdreg $0xFFFFFFFF  }
0xae: {  	[dreg:$0x0] =	wrdreg $0x60  }
0xaf: {  	[dreg:$0x2] =	wrdreg s2  }
0xb0: {  	[dreg:$0x3] =	wrdreg s19  }
0xb1: {  	[dreg:$0x4] =	wrdreg $0x9  }
0xb2: {  	_ =	task.clear_ibuf [dreg:s8], $0x5FFFF;
	_ =	strace $0x90000046  }
0xb3: {  	s29 =	simm.s32 $0x9;
	_ =	strace $0x80000048  }
0xb4: {  	_ =	swait.ge [sflag:s29], $0x1  }
0xb5: {  	[sflag:s29] =	ssyncadd.s32 $0xFFFFFFFF  }
0xb6: {  	_ =	strace $0x90000048  }
0xb7: {  	_ =	sfence  }
0xb8: {  	s30 =	sld [smem:$0x0];
	_ =	sdelay $0x2  }
0xb9: {  	s31 =	sshll.u32 s1, $0xD;
	s1 =	sshrl.u32 s1, $0x2  }
0xba: {  	s3 =	sand.u32 $0x4000, s31;
	s1 =	sadd.s32 s1, s30  }
0xbb: {  	s0 =	sor.u32 s3, s0;
	s1 =	sshll.u32 s1, $0x11  }
0xbc: {  	s0 =	sor.u32 s1, s0  }
0xbd: {  	s0 =	sadd.s32 $0x8F2B, s0  }
0xbe: {  	[sflag:s0] =	ssyncadd.remote.s32 $0x1  }
0xbf: {  	_ =	sfence.sel $0xFFFF  }
0xc0: {  	[dreg:$0x0] =	wrdreg $0xFFFFFFFF;
	(pc) =	sbr.abs _section_cstart, $3  }
0xc1: {  	[dreg:$0x1] =	wrdreg $0xFFFFFFFF  }
0xc2: {  	_ =	task.clear_ibuf [dreg:s8], $0x2FFFF;
	_ =	strace $0x9FFFFFFF  }
0xc3: {  	(tm) =	ssettm $0x7FFFFFFF  }
tec
execute0_lowered:
.L_overlay_start_1:
0x0: {  	(tag) =	ssettag $0x1  }
0x1: {  	v0 =	vimm.s32 $0x76543210  }
0x2: {  	v2 =	vimm.s32 $0xFEDCBA98;
	v3 =	vimm.s32 $0xBA987654;
	v4 =	vimm.s32 $0x10FEDCBA  }
0x3: {  	s3 =	rddreg [dreg:$0x0];
	v6 =	vimm.s32 $0x98765432;
	v7 =	vimm.s32 $0xFEDCBA9;
	v1 =	vunpack.c.l.s4.s8 v0  }
0x4: {  	s0 =	srdreg.scid;
	s4 =	rddreg [dreg:$0x1];
	s1 =	simm.s32 $0x0;
	v8 =	vimm.s32 $0x87654321;
	v0 =	vimm.s32 $0x0;
	v3 =	vunpack.c.l.s4.s8 v3  }
0x5: {  	s2 =	stileid.u32;
	s9 =	simm.s32 $0x80000000;
	s10 =	simm.s32 $0x40000000;
	v5 =	vunpack.c.0.s8.s32 v1;
	v1 =	vunpack.c.l.s4.s8 v2;
	v2 =	vimm.s32 $0x3210FEDC  }
0x6: {  	s11 =	simm.s32 $0x8000;
	s12 =	simm.s32 $0x4000;
	s13 =	simm.s32 $0xC080;
	v4 =	vunpack.c.l.s4.s8 v4;
	v6 =	vunpack.c.l.s4.s8 v6;
	v2 =	vunpack.c.l.s4.s8 v2  }
0x7: {  	s14 =	simm.s32 $0x0;
	s5 =	sand.u32 $0x1, s0;
	s0 =	rddreg [dreg:$0x2];
	v7 =	vunpack.c.l.s4.s8 v7;
	v8 =	vunpack.c.l.s4.s8 v8;
	v3 =	vunpack.c.0.s8.s32 v3  }
0x8: {  	[smem:$0x7FF] =	sst s1;
	s30 =	sshll.u32 s2, $0xF;
	s31 =	sshll.u32 s2, $0x5;
	v4 =	vunpack.c.0.s8.s32 v4;
	v6 =	vunpack.c.0.s8.s32 v6;
	v2 =	vunpack.c.0.s8.s32 v2  }
.Ltmp0:
0x9: {  	s6 =	ssub.s32 $0x2, s5;
	_ =	strace $0x80000047;
	v7 =	vunpack.c.0.s8.s32 v7;
	v8 =	vunpack.c.0.s8.s32 v8;
	v9 =	vunpack.c.0.s8.s32 v1;
	(pc) =	sbr.rel .LBB2_1-.Ltmp0, $4  }
0xa: {  	s8 =	sshll.u32 s5, $0x6;
	s5 =	sshll.u32 s5, $0x4;
	s7 =	sshrl.u32 s6, $0x1;
	v1 =	vcombine.low v3, v2;
	v2 =	vcombine.low v6, v4;
	v3 =	vlaneseq.u32  }
0xb: {  	s3 =	sadd.s32 s3, s8;
	s4 =	sadd.s32 s4, s5;
	s8 =	simm.s32 $0x1;
	v6 =	vand.u32 $0xF, v9;
	v4 =	vcombine.low v8, v7;
	v10 =	vmul.u32 $0xFFFFFFFF, v3  }
0xc: {  	s6 =	ssub.s32 s6, s7;
	s3 =	sadd.s32 s30, s3;
	s4 =	sadd.s32 s31, s4;
	v9 =	vimm.s32 $0x80000000;
	v5 =	vcombine.low v6, v5;
	v6 =	vand.u32 $0xF, v1  }
0xd: {  	s7 =	simm.s32 $0x400;
	s5 =	smax.u32 s6, $0x1;
	s6 =	simm.s32 $0x80;
	v7 =	vand.u32 $0xF, v2;
	v8 =	vand.u32 $0xF, v4;
	v10 =	vadd.s32 $0x7FFF, v10  }
.LBB2_39:
0xe: {  	s14 =	sadd.s32 $0x1, s14  }
0xf: {  	p0 =	sne.s32 s14, s5  }
.Ltmp1:
0x10: {  	[tilespmem:$0xC080] =	vst v11;
	(pc) =	sbr.rel @!p0 .LBB2_40-.Ltmp1, $4  }
0x11: {  	[hbm4b:s4+s1] =	stream.linear.scatter [tilespmem:s13], [sflag:$0x1], $0x80, $0x38;
	[tilespmem:$0xC100] =	vst v63  }
0x12: {  	_ =	swait.ge [sflag:s8], $0x80  }
0x13: {  	[sflag:s8] =	ssyncset.done $0x0  }
0x14: {  	[sflag:s8] =	ssyncadd.s32 $0xFFFFFF80  }
.LBB2_1:
.Ltmp2:
0x15: {  	(pc) =	sbr.rel .LBB2_2-.Ltmp2, $2  }
0x16: {  	_ =	sdelay $0x2  }
0x17: {  	v11 =	vimm.s32 $0x0;
	s15 =	simm.s32 $0x0  }
.LBB2_38:
0x18: {  	v13 =	vmov s15;
	s17 =	sor.u32 $0x4, s15;
	s16 =	ssub.s32 $0x7FFF, s16;
	s15 =	sadd.s32 $0x1, s15  }
0x19: {  	s16 =	simm.s32 @!p0 $0x7FFF;
	p0 =	sne.s32 s15, $0x4  }
.Ltmp3:
0x1a: {  	_ = 	snop;
	(pc) =	sbr.rel @!p0 .LBB2_39-.Ltmp3, $4  }
0x1b: {  	_ = 	snop  }
0x1c: {  	vm0 =	veq.s32 v13, v3;
	v63 =	vmov s17  }
0x1d: {  	v11 =	vsel vm0, v12, v11;
	vm15 =	veq.s32 v63, v3  }
0x1e: {  	v11 =	vsel vm15, s16, v11  }
.LBB2_2:
0x1f: {  	s16 =	sshll.u32 s15, $0x4  }
.Ltmp4:
0x20: {  	s17 =	sadd.s32 s16, s3;
	s16 =	simm.s32 $0x0;
	(pc) =	sbr.rel .LBB2_3-.Ltmp4, $4  }
0x21: {  	[tilespmem:s16], [sflag:$0x1] =	stream.strided.gather [hbm4b:s17+s6], $0x8000, s7, s6, $0x38;
	[tilespmem:$0xC100] =	vst v63  }
0x22: {  	_ =	swait.ge [sflag:s8], $0x8000  }
0x23: {  	[sflag:s8] =	ssyncset.done $0x0  }
0x24: {  	s18 =	simm.s32 $0x200;
	s17 =	simm.s32 $0x0;
	[sflag:s8] =	ssyncadd.s32 $0xFFFF8000  }
.LBB2_7:
0x25: {  	v15 =	vperm.xlane v12, v5  }
0x26: {  	v16 =	vperm.xlane v13, v5  }
0x27: {  	v52 =	vperm.xlane v14, v5;
	v12 =	vadd.s32 v12, v15  }
0x28: {  	v13 =	vadd.s32 v13, v16;
	v53 =	vperm.xlane v12, v6  }
0x29: {  	v14 =	vadd.s32 v14, v52;
	v54 =	vperm.xlane v13, v6  }
0x2a: {  	v55 =	vperm.xlane v14, v6;
	v12 =	vadd.s32 v53, v12  }
0x2b: {  	v13 =	vadd.s32 v54, v13;
	v56 =	vperm.xlane v12, v7  }
0x2c: {  	v14 =	vadd.s32 v55, v14;
	v57 =	vperm.xlane v13, v7  }
0x2d: {  	v58 =	vperm.xlane v14, v7;
	v12 =	vadd.s32 v56, v12  }
0x2e: {  	v13 =	vadd.s32 v57, v13;
	v59 =	vperm.xlane v12, v8  }
0x2f: {  	v14 =	vadd.s32 v58, v14;
	v60 =	vperm.xlane v13, v8  }
0x30: {  	v61 =	vperm.xlane v14, v8;
	v12 =	vadd.s32 v59, v12  }
0x31: {  	v62 =	vadd.s32 v60, v13;
	(v2sf) =	vpush v12, $0x0  }
0x32: {  	v63 =	vadd.s32 v61, v14;
	(v2sf) =	vpush v62, $0x0  }
0x33: {  	(v2sf) =	vpush v63, $0x0;
	_ =	sdelay $0xc  }
0x34: {  	s22 =	spop (v2sf)  }
0x35: {  	s23 =	spop (v2sf)  }
0x36: {  	p0 =	sgt.s32 s22, $0x5;
	s24 =	spop (v2sf);
	p1 =	sgt.s32 s23, $0x5  }
0x37: {  	p2 =	slt.s32 s22, $0x6;
	p3 =	slt.s32 s24, $0x6;
	p4 =	por p1, p0  }
0x38: {  	s17 =	sadd.s32 $0x1, s17;
	p1 =	por !p2, !p1;
	p2 =	por p4, p3  }
0x39: {  	p1 =	por !p1, !p1;
	s20 =	smov.u32 @p2 s16;
	s24 =	smov.u32 @p2 s18  }
0x3a: {  	s20 =	smov.u32 @p1 s21;
	s24 =	smov.u32 @p1 s23;
	p1 =	sne.s32 s17, $0x10  }
.Ltmp5:
0x3b: {  	_ = 	snop;
	(pc) =	sbr.rel @!p1 .LBB2_8-.Ltmp5, $3  }
0x3c: {  	_ =	sdelay $0x1  }
0x3d: {  	s16 =	smov.u32 s20;
	s24 =	smov.u32 @p0 s22  }
0x3e: {  	s16 =	smov.u32 @p0 s19;
	s18 =	smov.u32 s24  }
.LBB2_3:
0x3f: {  	p0 =	slt.s32 s18, $0x7  }
.Ltmp6:
0x40: {  	_ = 	snop;
	(pc) =	sbr.rel @p0 .LBB2_7-.Ltmp6, $4  }
0x41: {  	s19 =	sshll.u32 s17, $0x1  }
0x42: {  	s20 =	sshrl.u32 s9, s19  }
0x43: {  	s22 =	sshrl.u32 s10, s19;
	s21 =	sor.u32 s16, s20  }
0x44: {  	v12 =	vimm.s32 $0x0;
	v13 =	vimm.s32 $0x0;
	v14 =	vimm.s32 $0x0;
	s20 =	sor.u32 s16, s22;
	s19 =	sor.u32 s22, s21  }
0x45: {  	s31 =	simm.s32 $0x0  }
0x46: {  	v18 =	vld [tilespmem:s31+$0x0];
	_ =	sdelay $0x2  }
0x47: {  	s22 =	sxor.u32 $0x80000000, s20;
	s23 =	sxor.u32 $0x80000000, s21;
	s24 =	sxor.u32 $0x80000000, s19;
	v12 =	vimm.s32 $0x0;
	v16 =	vimm.s32 $0x0;
	v17 =	vimm.s32 $0x0  }
0x48: {  	v13 =	vmov s24;
	v14 =	vmov s23;
	v15 =	vmov s22;
	s22 =	simm.s32 $0x1000  }
.LBB2_5:
0x49: {  	s23 =	sshra.s32 s22, $0x2;
	p0 =	sne.s32 s22, $0x1F000;
	s22 =	sadd.s32 $0x1000, s22;
	v19 =	vshra.s32 v18, $0x1F;
	v20 =	vmov v18  }
.Ltmp7:
0x4a: {  	v18 =	vld [tilespmem:s23+$0x0];
	v19 =	vand.u32 $0x7FFFFFFF, v19;
	(pc) =	sbr.rel @p0 .LBB2_5-.Ltmp7, $4  }
0x4b: {  	v19 =	vxor.u32 v20, v19  }
0x4c: {  	vm0 =	vge.s32 v19, v13;
	vm1 =	vge.s32 v19, v14;
	vm2 =	vge.s32 v19, v15  }
0x4d: {  	v19 =	vsel vm0, $0x1, v0;
	v20 =	vsel vm1, $0x1, v0;
	v21 =	vsel vm2, $0x1, v0  }
0x4e: {  	v12 =	vadd.s32 v19, v12;
	v16 =	vadd.s32 v20, v16;
	v17 =	vadd.s32 v21, v17  }
0x4f: {  	v19 =	vshra.s32 v18, $0x1F  }
.Ltmp8:
0x50: {  	v19 =	vand.u32 $0x7FFFFFFF, v19;
	(pc) =	sbr.rel .LBB2_7-.Ltmp8, $4  }
0x51: {  	v63 =	vxor.u32 v18, v19  }
0x52: {  	vm0 =	vge.s32 v63, v13;
	vm1 =	vge.s32 v63, v14;
	vm2 =	vge.s32 v63, v15  }
0x53: {  	v13 =	vsel vm0, $0x1, v0;
	v14 =	vsel vm1, $0x1, v0;
	v15 =	vsel vm2, $0x1, v0  }
0x54: {  	v12 =	vadd.s32 v13, v12;
	v13 =	vadd.s32 v14, v16;
	v14 =	vadd.s32 v15, v17  }
.LBB2_8:
0x55: {  	s17 =	simm.s32 $0x0  }
0x56: {  	v13 =	vld [tilespmem:s17+$0x0];
	_ =	sdelay $0x3  }
0x57: {  	v14 =	vld [tilespmem:s17+$0x10]  }
0x58: {  	v12 =	vshra.s32 v13, $0x1F  }
0x59: {  	s18 =	sxor.u32 $0x80000000, s16;
	v15 =	vand.u32 $0x7FFFFFFF, v12  }
0x5a: {  	v12 =	vmov s18;
	v13 =	vxor.u32 v13, v15  }
0x5b: {  	v15 =	vld [tilespmem:s17+$0x20];
	vm2 =	vge.s32 v13, v12  }
0x5c: {  	v17 =	vshra.s32 v14, $0x1F;
	v16 =	vsel vm2, $0x1, v0  }
0x5d: {  	v17 =	vand.u32 $0x7FFFFFFF, v17;
	v18 =	vperm.xlane v16, v5  }
0x5e: {  	v14 =	vxor.u32 v14, v17  }
0x5f: {  	v49 =	vld [tilespmem:s17+$0x30];
	vm0 =	vge.s32 v14, v12;
	v16 =	vadd.s32 v16, v18  }
0x60: {  	v20 =	vsel vm0, $0x1, v0;
	v50 =	vshra.s32 v15, $0x1F;
	v19 =	vperm.xlane v16, v6  }
0x61: {  	v21 =	vperm.xlane v20, v5;
	v18 =	vand.u32 $0x7FFFFFFF, v50  }
0x62: {  	v15 =	vxor.u32 v15, v18;
	v16 =	vadd.s32 v19, v16  }
0x63: {  	v52 =	vadd.s32 v20, v21;
	vm1 =	vge.s32 v15, v12;
	v51 =	vperm.xlane v16, v7  }
0x64: {  	v54 =	vshra.s32 v49, $0x1F;
	v22 =	vperm.xlane v52, v6;
	v53 =	vsel vm1, $0x1, v0  }
0x65: {  	v21 =	vand.u32 $0x7FFFFFFF, v54;
	v23 =	vperm.xlane v53, v5;
	v16 =	vadd.s32 v51, v16  }
0x66: {  	v17 =	vxor.u32 v49, v21;
	v19 =	vadd.s32 v22, v52;
	v18 =	vperm.xlane v16, v8  }
0x67: {  	vm3 =	vge.s32 v17, v12;
	v55 =	vperm.xlane v19, v7;
	v20 =	vadd.s32 v53, v23  }
0x68: {  	v57 =	vsel vm3, $0x1, v0;
	v56 =	vperm.xlane v20, v6;
	v16 =	vadd.s32 v18, v16  }
0x69: {  	v58 =	vperm.xlane v57, v5;
	v19 =	vadd.s32 v55, v19;
	(v2sf) =	vpush v16, $0x0  }
0x6a: {  	v21 =	vperm.xlane v19, v8;
	v20 =	vadd.s32 v56, v20  }
0x6b: {  	v16 =	vadd.s32 v57, v58;
	v59 =	vperm.xlane v20, v7  }
0x6c: {  	v19 =	vadd.s32 v21, v19;
	v60 =	vperm.xlane v16, v6  }
0x6d: {  	(v2sf) =	vpush v19, $0x0;
	v18 =	vadd.s32 v59, v20  }
0x6e: {  	v16 =	vadd.s32 v60, v16;
	v61 =	vperm.xlane v18, v8  }
0x6f: {  	v62 =	vperm.xlane v16, v7  }
0x70: {  	v18 =	vadd.s32 v61, v18  }
0x71: {  	v16 =	vadd.s32 v62, v16;
	(v2sf) =	vpush v18, $0x0  }
0x72: {  	v63 =	vperm.xlane v16, v8;
	_ =	sdelay $0x1  }
0x73: {  	v16 =	vadd.s32 v63, v16  }
0x74: {  	(v2sf) =	vpush v16, $0x0;
	_ =	sdelay $0x2  }
0x75: {  	p0 =	por $0x1, $0x1;
	s18 =	simm.s32 $0x10;
	s19 =	spop (v2sf)  }
0x76: {  	s17 =	simm.s32 $0x0;
	s18 =	simm.s32 @!p0 $0x4000;
	v13 =	vnsel vm2, $0x80000000, v13;
	p0 =	sgt.s32 s19, $0x0  }
0x77: {  	[tilespmem:s17+$0x8000] =	vst v13;
	s17 =	smov.u32 @p0 s18  }
0x78: {  	s18 =	sadd.s32 $0x10, s17  }
0x79: {  	s20 =	spop (v2sf);
	p0 =	slt.s32 s18, $0x4000  }
0x7a: {  	v13 =	vnsel vm0, $0x80000000, v14;
	p1 =	sgt.s32 s20, $0x0;
	s18 =	simm.s32 @!p0 $0x4000  }
0x7b: {  	[tilespmem:s17+$0x8000] =	vst v13;
	s17 =	smov.u32 @p1 s18  }
0x7c: {  	s18 =	sadd.s32 $0x10, s17  }
0x7d: {  	s21 =	spop (v2sf);
	p0 =	slt.s32 s18, $0x4000  }
0x7e: {  	s19 =	sadd.s32 $0x0, s19;
	v13 =	vnsel vm1, $0x80000000, v15;
	p1 =	sgt.s32 s21, $0x0;
	s18 =	simm.s32 @!p0 $0x4000  }
0x7f: {  	s20 =	sadd.s32 s20, s19;
	[tilespmem:s17+$0x8000] =	vst v13;
	s17 =	smov.u32 @p1 s18  }
0x80: {  	s22 =	simm.s32 $0x40;
	v13 =	vnsel vm3, $0x80000000, v17;
	s30 =	sadd.s32 s21, s20;
	s20 =	sadd.s32 $0x10, s17  }
0x81: {  	s19 =	simm.s32 $0x200;
	s31 =	spop (v2sf);
	[tilespmem:s17+$0x8000] =	vst v13;
	p0 =	slt.s32 s20, $0x4000  }
0x82: {  	s18 =	sadd.s32 s31, s30;
	p1 =	sgt.s32 s31, $0x0;
	v13 =	vld [tilespmem:s22+$0x0];
	s20 =	simm.s32 @!p0 $0x4000  }
.LBB2_9:
0x83: {  	p0 =	sne.s32 s19, $0x1FF00  }
0x84: {  	s17 =	smov.u32 @p1 s20;
	s20 =	smov.u32 s19;
	s19 =	sadd.s32 $0x100, s19  }
0x85: {  	s21 =	sadd.s32 $0x10, s17  }
0x86: {  	v14 =	vld [tilespmem:s22+$0x10];
	p1 =	slt.s32 s21, $0x4000  }
0x87: {  	v15 =	vshra.s32 v13, $0x1F;
	v16 =	vld [tilespmem:s22+$0x20];
	s21 =	simm.s32 @!p1 $0x4000  }
0x88: {  	v15 =	vand.u32 $0x7FFFFFFF, v15  }
0x89: {  	v13 =	vxor.u32 v13, v15;
	v15 =	vld [tilespmem:s22+$0x30]  }
0x8a: {  	vm0 =	vge.s32 v13, v12  }
0x8b: {  	v13 =	vnsel vm0, $0x80000000, v13;
	v17 =	vsel vm0, $0x1, v0;
	v18 =	vshra.s32 v14, $0x1F  }
0x8c: {  	v19 =	vperm.xlane v17, v5;
	v18 =	vand.u32 $0x7FFFFFFF, v18;
	v20 =	vshra.s32 v16, $0x1F;
	[tilespmem:s17+$0x8000] =	vst v13  }
0x8d: {  	v13 =	vxor.u32 v14, v18;
	v14 =	vand.u32 $0x7FFFFFFF, v20  }
0x8e: {  	v17 =	vadd.s32 v17, v19;
	vm1 =	vge.s32 v13, v12;
	v14 =	vxor.u32 v16, v14  }
0x8f: {  	v16 =	vperm.xlane v17, v6;
	v18 =	vsel vm1, $0x1, v0;
	vm0 =	vge.s32 v14, v12  }
0x90: {  	v21 =	vshra.s32 v15, $0x1F;
	v19 =	vperm.xlane v18, v5;
	v20 =	vsel vm0, $0x1, v0  }
0x91: {  	v21 =	vand.u32 $0x7FFFFFFF, v21;
	v16 =	vadd.s32 v16, v17;
	v17 =	vperm.xlane v20, v5  }
0x92: {  	v15 =	vxor.u32 v15, v21;
	v22 =	vperm.xlane v16, v7;
	v18 =	vadd.s32 v18, v19  }
0x93: {  	vm2 =	vge.s32 v15, v12;
	v19 =	vperm.xlane v18, v6;
	v17 =	vadd.s32 v20, v17  }
0x94: {  	v21 =	vsel vm2, $0x1, v0;
	v16 =	vadd.s32 v22, v16;
	v20 =	vperm.xlane v17, v6  }
0x95: {  	v22 =	vperm.xlane v16, v8;
	v18 =	vadd.s32 v19, v18;
	v19 =	vperm.xlane v21, v5  }
0x96: {  	v13 =	vnsel vm1, $0x80000000, v13;
	v23 =	vperm.xlane v18, v7;
	v17 =	vadd.s32 v20, v17  }
0x97: {  	v16 =	vadd.s32 v22, v16;
	v20 =	vperm.xlane v17, v7;
	v19 =	vadd.s32 v21, v19  }
0x98: {  	v18 =	vadd.s32 v23, v18;
	v21 =	vperm.xlane v19, v6;
	(v2sf) =	vpush v16, $0x0  }
0x99: {  	v14 =	vnsel vm0, $0x80000000, v14;
	v16 =	vperm.xlane v18, v8;
	v17 =	vadd.s32 v20, v17  }
0x9a: {  	v15 =	vnsel vm2, $0x80000000, v15;
	v20 =	vperm.xlane v17, v8;
	v19 =	vadd.s32 v21, v19  }
0x9b: {  	v16 =	vadd.s32 v16, v18;
	v18 =	vperm.xlane v19, v7  }
0x9c: {  	v17 =	vadd.s32 v20, v17;
	(v2sf) =	vpush v16, $0x0  }
0x9d: {  	v16 =	vadd.s32 v18, v19;
	(v2sf) =	vpush v17, $0x0  }
0x9e: {  	v17 =	vperm.xlane v16, v8;
	_ =	sdelay $0x1  }
0x9f: {  	v16 =	vadd.s32 v17, v16;
	_ =	sdelay $0x1  }
0xa0: {  	(v2sf) =	vpush v16, $0x0;
	_ =	sdelay $0x4  }
0xa1: {  	s22 =	spop (v2sf)  }
0xa2: {  	p1 =	sgt.s32 s22, $0x0  }
0xa3: {  	s17 =	smov.u32 @p1 s21  }
0xa4: {  	[tilespmem:s17+$0x8000] =	vst v13;
	s21 =	sadd.s32 $0x10, s17  }
0xa5: {  	s18 =	sadd.s32 s18, s22;
	p1 =	slt.s32 s21, $0x4000;
	s22 =	spop (v2sf)  }
0xa6: {  	p2 =	sgt.s32 s22, $0x0;
	s21 =	simm.s32 @!p1 $0x4000;
	s23 =	spop (v2sf)  }
0xa7: {  	s18 =	sadd.s32 s22, s18;
	s17 =	smov.u32 @p2 s21  }
0xa8: {  	s18 =	sadd.s32 s23, s18;
	[tilespmem:s17+$0x8000] =	vst v14;
	s21 =	sadd.s32 $0x10, s17  }
0xa9: {  	p1 =	slt.s32 s21, $0x4000  }
.Ltmp9:
0xaa: {  	p2 =	sgt.s32 s23, $0x0;
	s21 =	simm.s32 @!p1 $0x4000;
	(pc) =	sbr.rel @p0 .LBB2_9-.Ltmp9, $4  }
0xab: {  	s17 =	smov.u32 @p2 s21;
	s21 =	spop (v2sf)  }
0xac: {  	s22 =	sshra.s32 s20, $0x2;
	[tilespmem:s17+$0x8000] =	vst v15;
	s20 =	sadd.s32 $0x10, s17;
	s18 =	sadd.s32 s21, s18  }
0xad: {  	v13 =	vld [tilespmem:s22+$0x0];
	p2 =	slt.s32 s20, $0x4000  }
0xae: {  	p1 =	sgt.s32 s21, $0x0;
	s20 =	simm.s32 @!p2 $0x4000  }
0xaf: {  	_ =	sdelay $0x1  }
0xb0: {  	v14 =	vld [tilespmem:s22+$0x10]  }
0xb1: {  	v15 =	vshra.s32 v13, $0x1F  }
0xb2: {  	v15 =	vand.u32 $0x7FFFFFFF, v15  }
0xb3: {  	v44 =	vxor.u32 v13, v15  }
0xb4: {  	v45 =	vld [tilespmem:s22+$0x20];
	vm0 =	vge.s32 v44, v12  }
0xb5: {  	v17 =	vshra.s32 v14, $0x1F;
	v16 =	vsel vm0, $0x1, v0  }
0xb6: {  	v17 =	vand.u32 $0x7FFFFFFF, v17;
	v18 =	vperm.xlane v16, v5  }
0xb7: {  	v14 =	vxor.u32 v14, v17  }
0xb8: {  	v46 =	vld [tilespmem:s22+$0x30];
	vm1 =	vge.s32 v14, v12;
	v16 =	vadd.s32 v16, v18  }
0xb9: {  	v47 =	vshra.s32 v45, $0x1F;
	v20 =	vsel vm1, $0x1, v0;
	v19 =	vperm.xlane v16, v6  }
0xba: {  	v18 =	vand.u32 $0x7FFFFFFF, v47;
	v21 =	vperm.xlane v20, v5  }
0xbb: {  	v15 =	vxor.u32 v45, v18;
	v16 =	vadd.s32 v19, v16  }
0xbc: {  	vm2 =	vge.s32 v15, v12;
	v49 =	vadd.s32 v20, v21;
	v48 =	vperm.xlane v16, v7  }
0xbd: {  	v51 =	vshra.s32 v46, $0x1F;
	v50 =	vsel vm2, $0x1, v0;
	v22 =	vperm.xlane v49, v6  }
0xbe: {  	v21 =	vand.u32 $0x7FFFFFFF, v51;
	v52 =	vperm.xlane v50, v5;
	v16 =	vadd.s32 v48, v16  }
0xbf: {  	v17 =	vxor.u32 v46, v21;
	v19 =	vadd.s32 v22, v49;
	v53 =	vperm.xlane v16, v8  }
0xc0: {  	vm3 =	vge.s32 v17, v12;
	v18 =	vadd.s32 v50, v52;
	v54 =	vperm.xlane v19, v7  }
0xc1: {  	v55 =	vsel vm3, $0x1, v0;
	v20 =	vperm.xlane v18, v6;
	v16 =	vadd.s32 v53, v16  }
0xc2: {  	v56 =	vperm.xlane v55, v5;
	v12 =	vadd.s32 v54, v19;
	(v2sf) =	vpush v16, $0x0  }
0xc3: {  	v18 =	vadd.s32 v20, v18;
	v19 =	vperm.xlane v12, v8  }
0xc4: {  	v16 =	vadd.s32 v55, v56;
	v20 =	vperm.xlane v18, v7  }
0xc5: {  	v12 =	vadd.s32 v19, v12;
	v57 =	vperm.xlane v16, v6  }
0xc6: {  	v18 =	vadd.s32 v20, v18;
	(v2sf) =	vpush v12, $0x0  }
0xc7: {  	v58 =	vperm.xlane v18, v8;
	v16 =	vadd.s32 v57, v16  }
0xc8: {  	v19 =	vperm.xlane v16, v7  }
0xc9: {  	v12 =	vadd.s32 v58, v18  }
0xca: {  	v16 =	vadd.s32 v19, v16;
	(v2sf) =	vpush v12, $0x0  }
0xcb: {  	v59 =	vperm.xlane v16, v8;
	_ =	sdelay $0x1  }
0xcc: {  	v12 =	vadd.s32 v59, v16  }
0xcd: {  	(v2sf) =	vpush v12, $0x0  }
0xce: {  	s17 =	smov.u32 @p1 s20  }
0xcf: {  	s19 =	sadd.s32 $0x10, s17  }
0xd0: {  	p0 =	slt.s32 s19, $0x4000;
	s29 =	spop (v2sf)  }
0xd1: {  	s19 =	simm.s32 @!p0 $0x4000;
	v60 =	vnsel vm0, $0x80000000, v44;
	p0 =	sgt.s32 s29, $0x0  }
0xd2: {  	[tilespmem:s17+$0x8000] =	vst v60;
	s17 =	smov.u32 @p0 s19  }
0xd3: {  	s19 =	sadd.s32 $0x10, s17  }
0xd4: {  	s21 =	spop (v2sf);
	p0 =	slt.s32 s19, $0x4000  }
0xd5: {  	v61 =	vnsel vm1, $0x80000000, v14;
	p1 =	sgt.s32 s21, $0x0;
	s19 =	simm.s32 @!p0 $0x4000  }
0xd6: {  	[tilespmem:s17+$0x8000] =	vst v61;
	s17 =	smov.u32 @p1 s19  }
0xd7: {  	s19 =	sadd.s32 $0x10, s17  }
0xd8: {  	s30 =	spop (v2sf);
	p0 =	slt.s32 s19, $0x4000  }
0xd9: {  	s20 =	simm.s32 $0x8000;
	v62 =	vnsel vm2, $0x80000000, v15;
	p1 =	sgt.s32 s30, $0x0;
	s19 =	simm.s32 @!p0 $0x4000  }
.Ltmp10:
0xda: {  	s18 =	sadd.s32 s18, s29;
	[tilespmem:s17+$0x8000] =	vst v62;
	s17 =	smov.u32 @p1 s19;
	(pc) =	sbr.rel .LBB2_11-.Ltmp10, $4  }
0xdb: {  	s22 =	simm.s32 $0x0;
	s18 =	sadd.s32 s21, s18;
	s19 =	sadd.s32 $0x10, s17  }
0xdc: {  	s18 =	sadd.s32 s30, s18;
	s31 =	spop (v2sf);
	p0 =	slt.s32 s19, $0x4000  }
0xdd: {  	v63 =	vnsel vm3, $0x80000000, v17;
	s18 =	sadd.s32 s31, s18;
	p1 =	sgt.s32 s31, $0x0;
	s19 =	simm.s32 @!p0 $0x4000  }
0xde: {  	[tilespmem:s17+$0x8000] =	vst v63;
	s21 =	sadd.s32 $0xFFFFFBFF, s18;
	s17 =	smov.u32 @p1 s19;
	s19 =	simm.s32 $0x0  }
.LBB2_12:
0xdf: {  	v12 =	vpsel p0, $0x0, v0;
	v13 =	vpsel p0, $0x0, v0;
	v14 =	vpsel p0, $0x0, v0  }
.LBB2_16:
0xe0: {  	v15 =	vperm.xlane v12, v5  }
0xe1: {  	v16 =	vperm.xlane v13, v5  }
0xe2: {  	v52 =	vperm.xlane v14, v5;
	v12 =	vadd.s32 v12, v15  }
0xe3: {  	v13 =	vadd.s32 v13, v16;
	v53 =	vperm.xlane v12, v6  }
0xe4: {  	v14 =	vadd.s32 v14, v52;
	v54 =	vperm.xlane v13, v6  }
0xe5: {  	v55 =	vperm.xlane v14, v6;
	v12 =	vadd.s32 v53, v12  }
0xe6: {  	v13 =	vadd.s32 v54, v13;
	v56 =	vperm.xlane v12, v7  }
0xe7: {  	v14 =	vadd.s32 v55, v14;
	v57 =	vperm.xlane v13, v7  }
0xe8: {  	v58 =	vperm.xlane v14, v7;
	v12 =	vadd.s32 v56, v12  }
0xe9: {  	v13 =	vadd.s32 v57, v13;
	v59 =	vperm.xlane v12, v8  }
0xea: {  	v14 =	vadd.s32 v58, v14;
	v60 =	vperm.xlane v13, v8  }
0xeb: {  	v61 =	vperm.xlane v14, v8;
	v12 =	vadd.s32 v59, v12  }
0xec: {  	v62 =	vadd.s32 v60, v13;
	(v2sf) =	vpush v12, $0x0  }
0xed: {  	v63 =	vadd.s32 v61, v14;
	(v2sf) =	vpush v62, $0x0  }
0xee: {  	(v2sf) =	vpush v63, $0x0;
	_ =	sdelay $0xc  }
0xef: {  	s26 =	spop (v2sf)  }
0xf0: {  	s28 =	spop (v2sf)  }
0xf1: {  	p0 =	sgt.s32 s26, $0x3F;
	s29 =	spop (v2sf);
	p1 =	sgt.s32 s28, $0x3F  }
0xf2: {  	p2 =	slt.s32 s26, $0x40;
	p3 =	slt.s32 s29, $0x40;
	p4 =	por p1, p0  }
0xf3: {  	s22 =	sadd.s32 $0x1, s22;
	p1 =	por !p2, !p1;
	p2 =	por p4, p3  }
0xf4: {  	p1 =	por !p1, !p1;
	s25 =	smov.u32 @p2 s19;
	s29 =	smov.u32 @p2 s20  }
0xf5: {  	s25 =	smov.u32 @p1 s24;
	s29 =	smov.u32 @p1 s28;
	p1 =	sne.s32 s22, $0x10  }
.Ltmp11:
0xf6: {  	_ = 	snop;
	(pc) =	sbr.rel @!p1 .LBB2_17-.Ltmp11, $3  }
0xf7: {  	_ =	sdelay $0x1  }
0xf8: {  	s19 =	smov.u32 s25;
	s20 =	smov.u32 s29  }
0xf9: {  	s19 =	smov.u32 @p0 s23;
	s20 =	smov.u32 @p0 s26  }
.LBB2_11:
0xfa: {  	p0 =	slt.s32 s20, $0x401  }
0xfb: {  	p1 =	sgt.u32 @!p0 s21, $0xFFFFFC3E  }
0xfc: {  	p1 =	por p0, p1  }
.Ltmp12:
0xfd: {  	_ = 	snop;
	(pc) =	sbr.rel @p1 .LBB2_12-.Ltmp12, $4  }
0xfe: {  	s23 =	sshll.u32 s22, $0x1  }
0xff: {  	s24 =	sshrl.u32 s9, s23  }
0x100: {  	s25 =	sshrl.u32 s10, s23;
	s24 =	sor.u32 s19, s24  }
0x101: {  	s23 =	sor.u32 s25, s24;
	s25 =	sor.u32 s19, s25  }
0x102: {  	s26 =	simm.s32 $0x0  }
0x103: {  	v19 =	vld [tilespmem:s26+$0x30]  }
0x104: {  	v18 =	vld [tilespmem:s26+$0x20]  }
0x105: {  	v20 =	vld [tilespmem:s26+$0x10]  }
0x106: {  	v21 =	vld [tilespmem:s26+$0x0];
	_ =	sdelay $0x1  }
0x107: {  	s28 =	sxor.u32 $0x80000000, s24;
	s29 =	sxor.u32 $0x80000000, s23  }
0x108: {  	s31 =	sxor.u32 $0x80000000, s25;
	v15 =	vimm.s32 $0x0;
	v12 =	vmov s29;
	v13 =	vmov s28  }
0x109: {  	v14 =	vmov s31;
	v22 =	vshra.s32 v20, $0x1F;
	v16 =	vshra.s32 v18, $0x1F  }
0x10a: {  	v17 =	vshra.s32 v19, $0x1F;
	v24 =	vshra.s32 v21, $0x1F;
	v23 =	vand.u32 $0x7FFFFFFF, v16  }
0x10b: {  	s26 =	simm.s32 $0x100;
	v25 =	vand.u32 $0x7FFFFFFF, v17;
	v16 =	vimm.s32 $0x0;
	v17 =	vimm.s32 $0x0  }
.LBB2_14:
0x10c: {  	p0 =	sne.s32 s26, $0x1FF00;
	v24 =	vand.u32 $0x7FFFFFFF, v24;
	v22 =	vand.u32 $0x7FFFFFFF, v22;
	v19 =	vxor.u32 v19, v25  }
0x10d: {  	v18 =	vxor.u32 v18, v23;
	v21 =	vxor.u32 v21, v24;
	v20 =	vxor.u32 v20, v22  }
0x10e: {  	vm0 =	vge.s32 v19, v12;
	vm1 =	vge.s32 v19, v13;
	vm2 =	vge.s32 v19, v14  }
0x10f: {  	vm3 =	vge.s32 v18, v12;
	vm4 =	vge.s32 v18, v13;
	vm5 =	vge.s32 v18, v14  }
0x110: {  	vm6 =	vge.s32 v20, v12;
	vm7 =	vge.s32 v20, v13;
	vm8 =	vge.s32 v20, v14  }
0x111: {  	vm9 =	vge.s32 v21, v12;
	vm10 =	vge.s32 v21, v13;
	vm11 =	vge.s32 v21, v14  }
0x112: {  	s28 =	sshra.s32 s26, $0x2;
	v22 =	vsel vm0, $0x1, v0;
	v23 =	vsel vm1, $0x1, v0;
	v24 =	vsel vm2, $0x1, v0  }
0x113: {  	v25 =	vsel vm3, $0x1, v0;
	v26 =	vsel vm4, $0x1, v0;
	v27 =	vsel vm5, $0x1, v0;
	v19 =	vld [tilespmem:s28+$0x30]  }
0x114: {  	v28 =	vsel vm6, $0x1, v0;
	v29 =	vsel vm7, $0x1, v0;
	v30 =	vsel vm8, $0x1, v0;
	v18 =	vld [tilespmem:s28+$0x20]  }
0x115: {  	v31 =	vsel vm9, $0x1, v0;
	v32 =	vsel vm10, $0x1, v0;
	v33 =	vsel vm11, $0x1, v0;
	v20 =	vld [tilespmem:s28+$0x10]  }
0x116: {  	v15 =	vadd.s32 v31, v15;
	v16 =	vadd.s32 v32, v16;
	v17 =	vadd.s32 v33, v17;
	v21 =	vld [tilespmem:s28+$0x0]  }
.Ltmp13:
0x117: {  	v15 =	vadd.s32 v28, v15;
	v16 =	vadd.s32 v29, v16;
	v17 =	vadd.s32 v30, v17;
	(pc) =	sbr.rel @p0 .LBB2_14-.Ltmp13, $4  }
0x118: {  	v15 =	vadd.s32 v25, v15;
	v16 =	vadd.s32 v26, v16;
	v17 =	vadd.s32 v27, v17  }
0x119: {  	v15 =	vadd.s32 v22, v15;
	v16 =	vadd.s32 v23, v16;
	v17 =	vadd.s32 v24, v17  }
0x11a: {  	v25 =	vshra.s32 v19, $0x1F;
	v23 =	vshra.s32 v18, $0x1F;
	v22 =	vshra.s32 v20, $0x1F  }
0x11b: {  	s26 =	sadd.s32 $0x100, s26;
	v25 =	vand.u32 $0x7FFFFFFF, v25;
	v23 =	vand.u32 $0x7FFFFFFF, v23;
	v24 =	vshra.s32 v21, $0x1F  }
0x11c: {  	v24 =	vand.u32 $0x7FFFFFFF, v24;
	v22 =	vand.u32 $0x7FFFFFFF, v22;
	v19 =	vxor.u32 v19, v25  }
0x11d: {  	v18 =	vxor.u32 v18, v23;
	v21 =	vxor.u32 v21, v24;
	v20 =	vxor.u32 v20, v22  }
0x11e: {  	vm0 =	vge.s32 v19, v12;
	vm1 =	vge.s32 v19, v13;
	vm2 =	vge.s32 v19, v14  }
0x11f: {  	vm3 =	vge.s32 v18, v12;
	vm4 =	vge.s32 v18, v13;
	vm5 =	vge.s32 v18, v14  }
0x120: {  	vm6 =	vge.s32 v20, v12;
	vm7 =	vge.s32 v20, v13;
	vm8 =	vge.s32 v20, v14  }
0x121: {  	vm9 =	vge.s32 v21, v12;
	vm10 =	vge.s32 v21, v13;
	vm11 =	vge.s32 v21, v14  }
0x122: {  	v12 =	vsel vm0, $0x1, v0;
	v13 =	vsel vm1, $0x1, v0;
	v14 =	vsel vm2, $0x1, v0  }
0x123: {  	v56 =	vsel vm3, $0x1, v0;
	v57 =	vsel vm4, $0x1, v0;
	v58 =	vsel vm5, $0x1, v0  }
0x124: {  	v59 =	vsel vm6, $0x1, v0;
	v60 =	vsel vm7, $0x1, v0;
	v61 =	vsel vm8, $0x1, v0  }
.Ltmp14:
0x125: {  	v62 =	vsel vm9, $0x1, v0;
	v63 =	vsel vm10, $0x1, v0;
	v26 =	vsel vm11, $0x1, v0;
	(pc) =	sbr.rel .LBB2_16-.Ltmp14, $4  }
0x126: {  	v15 =	vadd.s32 v62, v15;
	v16 =	vadd.s32 v63, v16;
	v17 =	vadd.s32 v26, v17  }
0x127: {  	v15 =	vadd.s32 v59, v15;
	v16 =	vadd.s32 v60, v16;
	v17 =	vadd.s32 v61, v17  }
0x128: {  	v15 =	vadd.s32 v56, v15;
	v16 =	vadd.s32 v57, v16;
	v17 =	vadd.s32 v58, v17  }
0x129: {  	v12 =	vadd.s32 v12, v15;
	v13 =	vadd.s32 v13, v16;
	v14 =	vadd.s32 v14, v17  }
.LBB2_17:
0x12a: {  	p0 =	slt.u32 s21, $0xFFFFFC3F;
	p1 =	slt.s32 s20, $0x401  }
0x12b: {  	p1 =	por !p0, !p1  }
0x12c: {  	p1 =	por !p1, !p1  }
.Ltmp15:
0x12d: {  	_ = 	snop;
	(pc) =	sbr.rel @!p1 .LBB2_21-.Ltmp15, $2  }
0x12e: {  	_ =	sdelay $0x2  }
0x12f: {  	s21 =	simm.s32 $0x0;
	s22 =	simm.s32 $0x0  }
0x130: {  	s22 =	simm.s32 $0x0  }
0x131: {  	v13 =	vld [tilespmem:s22+$0x0];
	_ =	sdelay $0x4  }
0x132: {  	v12 =	vshra.s32 v13, $0x1F  }
0x133: {  	s31 =	sxor.u32 $0x80000000, s19;
	v14 =	vand.u32 $0x7FFFFFFF, v12  }
0x134: {  	v12 =	vmov s31;
	v13 =	vxor.u32 v13, v14  }
0x135: {  	vm0 =	vge.s32 v13, v12  }
0x136: {  	v14 =	vsel vm0, $0x1, v0  }
0x137: {  	v15 =	vperm.xlane v14, v5;
	_ =	sdelay $0x1  }
0x138: {  	v14 =	vadd.s32 v14, v15  }
0x139: {  	v15 =	vperm.xlane v14, v1;
	_ =	sdelay $0x1  }
0x13a: {  	v14 =	vadd.s32 v15, v14  }
0x13b: {  	v15 =	vperm.xlane v14, v2;
	_ =	sdelay $0x1  }
0x13c: {  	v16 =	vnsel vm0, $0x80000000, v13;
	v13 =	vadd.s32 v15, v14  }
0x13d: {  	s22 =	simm.s32 $0x0;
	v14 =	vperm.xlane v13, v4  }
0x13e: {  	s24 =	simm.s32 $0x10;
	s23 =	simm.s32 $0x80;
	[tilespmem:s22+$0x8000] =	vst v16  }
.LBB2_19:
0x13f: {  	p2 =	sne.s32 s23, $0x1FFC0;
	v15 =	vld [tilespmem:s24+$0x0];
	v13 =	vadd.s32 v14, v13  }
0x140: {  	(v2sf) =	vpush v13, $0x0;
	_ =	sdelay $0x3  }
0x141: {  	v13 =	vshra.s32 v15, $0x1F  }
0x142: {  	v13 =	vand.u32 $0x7FFFFFFF, v13  }
0x143: {  	v13 =	vxor.u32 v15, v13  }
0x144: {  	vm0 =	vge.s32 v13, v12  }
0x145: {  	v14 =	vnsel vm0, $0x80000000, v13;
	v13 =	vsel vm0, $0x1, v0  }
0x146: {  	v15 =	vperm.xlane v13, v5;
	_ =	sdelay $0x1  }
0x147: {  	v13 =	vadd.s32 v13, v15  }
0x148: {  	v15 =	vperm.xlane v13, v1;
	_ =	sdelay $0x1  }
0x149: {  	v13 =	vadd.s32 v15, v13  }
.Ltmp16:
0x14a: {  	v15 =	vperm.xlane v13, v2;
	s24 =	spop (v2sf);
	(pc) =	sbr.rel @p2 .LBB2_19-.Ltmp16, $4  }
0x14b: {  	p3 =	sgt.s32 s24, $0x0;
	s24 =	sadd.s32 $0x10, s22  }
0x14c: {  	v13 =	vadd.s32 v15, v13;
	s22 =	smov.u32 @p3 s24  }
0x14d: {  	[tilespmem:s22+$0x8000] =	vst v14;
	v14 =	vperm.xlane v13, v4  }
0x14e: {  	s24 =	sshra.s32 s23, $0x2;
	s23 =	sadd.s32 $0x40, s23  }
0x14f: {  	v15 =	vld [tilespmem:s24+$0x0];
	_ =	sdelay $0x4  }
0x150: {  	v16 =	vshra.s32 v15, $0x1F  }
0x151: {  	v16 =	vand.u32 $0x7FFFFFFF, v16  }
0x152: {  	v15 =	vxor.u32 v15, v16  }
0x153: {  	vm0 =	vge.s32 v15, v12  }
0x154: {  	v12 =	vsel vm0, $0x1, v0  }
0x155: {  	v61 =	vperm.xlane v12, v5;
	_ =	sdelay $0x1  }
0x156: {  	v12 =	vadd.s32 v12, v61  }
0x157: {  	v16 =	vperm.xlane v12, v1;
	_ =	sdelay $0x1  }
0x158: {  	v12 =	vadd.s32 v16, v12  }
0x159: {  	v16 =	vperm.xlane v12, v2;
	_ =	sdelay $0x1  }
0x15a: {  	v12 =	vadd.s32 v16, v12  }
0x15b: {  	v13 =	vadd.s32 v14, v13;
	v62 =	vperm.xlane v12, v4  }
0x15c: {  	(v2sf) =	vpush v13, $0x0  }
0x15d: {  	v12 =	vadd.s32 v62, v12  }
0x15e: {  	(v2sf) =	vpush v12, $0x0;
	_ =	sdelay $0xc  }
0x15f: {  	s23 =	spop (v2sf)  }
0x160: {  	p2 =	sgt.s32 s23, $0x0;
	s23 =	sadd.s32 $0x10, s22  }
0x161: {  	s22 =	smov.u32 @p2 s23;
	s31 =	spop (v2sf)  }
0x162: {  	v63 =	vnsel vm0, $0x80000000, v15;
	s23 =	sadd.s32 $0x10, s22;
	p2 =	sgt.s32 s31, $0x0  }
0x163: {  	[tilespmem:s22+$0x8000] =	vst v63;
	s22 =	smov.u32 @p2 s23  }
.LBB2_21:
0x164: {  	s17 =	smov.u32 @p0 s22  }
0x165: {  	s22 =	sand.u32 $0xF, s17  }
0x166: {  	s23 =	sshra.s32 s17, $0x1F;
	p2 =	slt.s32 s17, $0x1;
	p3 =	sne.s32 s22, $0x0  }
0x167: {  	s29 =	sshrl.u32 s23, $0x1C;
	p2 =	por !p2, !p3  }
0x168: {  	s23 =	simm.s32 $0x1;
	s22 =	sadd.s32 s29, s17;
	p2 =	por !p2, !p2  }
0x169: {  	s22 =	sshra.s32 s22, $0x4;
	s23 =	simm.s32 @!p2 $0x0  }
0x16a: {  	p2 =	por !p1, !p1;
	s22 =	ssub.s32 s22, s23  }
0x16b: {  	p2 =	por @!p0 p1, p1;
	s22 =	sadd.s32 $0x3, s22  }
0x16c: {  	s22 =	simm.s32 @p2 $0x3  }
0x16d: {  	s30 =	sand.u32 $0x3, s22  }
.Ltmp17:
0x16e: {  	p5 =	slt.s32 s22, $0x1;
	p6 =	sne.s32 s30, $0x0;
	(pc) =	sbr.rel .LBB2_22-.Ltmp17, $4  }
0x16f: {  	s31 =	sshrl.u32 s22, $0x1E;
	p1 =	por !p5, !p6  }
0x170: {  	s24 =	simm.s32 $0x1;
	[tilespmem:s17+$0x8000] =	vst v9;
	s23 =	sadd.s32 s31, s22;
	p1 =	por !p1, !p1  }
0x171: {  	[tilespmem:s17+$0x8010] =	vst v9;
	s22 =	smov.u32 s18;
	s23 =	sshra.s32 s23, $0x2;
	s24 =	simm.s32 @!p1 $0x0  }
0x172: {  	s19 =	simm.s32 @!p0 $0x0;
	[tilespmem:s17+$0x8020] =	vst v9;
	s22 =	smov.u32 @p0 s20;
	s17 =	ssub.s32 s23, s24  }
.LBB2_23:
0x173: {  	v12 =	vpsel p0, $0x0, v0;
	v13 =	vpsel p0, $0x0, v0;
	v14 =	vpsel p0, $0x0, v0  }
.LBB2_27:
0x174: {  	v15 =	vperm.xlane v12, v5  }
0x175: {  	v16 =	vperm.xlane v13, v5  }
0x176: {  	v52 =	vperm.xlane v14, v5;
	v12 =	vadd.s32 v12, v15  }
0x177: {  	v13 =	vadd.s32 v13, v16;
	v53 =	vperm.xlane v12, v6  }
0x178: {  	v14 =	vadd.s32 v14, v52;
	v54 =	vperm.xlane v13, v6  }
0x179: {  	v55 =	vperm.xlane v14, v6;
	v12 =	vadd.s32 v53, v12  }
0x17a: {  	v13 =	vadd.s32 v54, v13;
	v56 =	vperm.xlane v12, v7  }
0x17b: {  	v14 =	vadd.s32 v55, v14;
	v57 =	vperm.xlane v13, v7  }
0x17c: {  	v58 =	vperm.xlane v14, v7;
	v12 =	vadd.s32 v56, v12  }
0x17d: {  	v13 =	vadd.s32 v57, v13;
	v59 =	vperm.xlane v12, v8  }
0x17e: {  	v14 =	vadd.s32 v58, v14;
	v60 =	vperm.xlane v13, v8  }
0x17f: {  	v61 =	vperm.xlane v14, v8;
	v12 =	vadd.s32 v59, v12  }
0x180: {  	v62 =	vadd.s32 v60, v13;
	(v2sf) =	vpush v12, $0x0  }
0x181: {  	v63 =	vadd.s32 v61, v14;
	(v2sf) =	vpush v62, $0x0  }
0x182: {  	(v2sf) =	vpush v63, $0x0;
	_ =	sdelay $0xc  }
0x183: {  	s25 =	spop (v2sf)  }
0x184: {  	s26 =	spop (v2sf)  }
0x185: {  	p0 =	sgt.s32 s25, $0x3F;
	s28 =	spop (v2sf);
	p1 =	sgt.s32 s26, $0x3F  }
0x186: {  	p2 =	slt.s32 s25, $0x40;
	p3 =	slt.s32 s28, $0x40;
	p4 =	por p1, p0  }
0x187: {  	s21 =	sadd.s32 $0x1, s21;
	p1 =	por !p2, !p1;
	p2 =	por p4, p3  }
0x188: {  	p1 =	por !p1, !p1;
	s24 =	smov.u32 @p2 s19;
	s28 =	smov.u32 @p2 s22  }
0x189: {  	s24 =	smov.u32 @p1 s23;
	s28 =	smov.u32 @p1 s26;
	p1 =	sne.s32 s21, $0x10  }
.Ltmp18:
0x18a: {  	_ = 	snop;
	(pc) =	sbr.rel @!p1 .LBB2_28-.Ltmp18, $3  }
0x18b: {  	_ =	sdelay $0x1  }
0x18c: {  	s19 =	smov.u32 s24;
	s22 =	smov.u32 s28  }
0x18d: {  	s19 =	smov.u32 @p0 s20;
	s22 =	smov.u32 @p0 s25  }
.LBB2_22:
0x18e: {  	p0 =	slt.s32 s22, $0x41  }
0x18f: {  	p1 =	slt.s32 @!p0 s17, $0x1  }
0x190: {  	p1 =	por p0, p1  }
.Ltmp19:
0x191: {  	_ = 	snop;
	(pc) =	sbr.rel @p1 .LBB2_23-.Ltmp19, $4  }
0x192: {  	s20 =	sshll.u32 s21, $0x1  }
0x193: {  	s23 =	sshrl.u32 s9, s20  }
0x194: {  	s24 =	sshrl.u32 s10, s20;
	s23 =	sor.u32 s19, s23  }
0x195: {  	s20 =	sor.u32 s24, s23;
	s24 =	sor.u32 s19, s24  }
0x196: {  	s25 =	simm.s32 $0x8020  }
0x197: {  	v16 =	vld [tilespmem:s25+$0x10]  }
0x198: {  	v17 =	vld [tilespmem:s25+$0x0]  }
0x199: {  	v18 =	vld [tilespmem:s25+$0xFFFFFFF0]  }
0x19a: {  	s31 =	sxor.u32 $0x80000000, s20;
	v19 =	vld [tilespmem:s25+$0xFFFFFFE0]  }
0x19b: {  	s26 =	sxor.u32 $0x80000000, s24;
	s28 =	sxor.u32 $0x80000000, s23;
	v15 =	vimm.s32 $0x0;
	v20 =	vimm.s32 $0x0;
	v12 =	vmov s31  }
0x19c: {  	v13 =	vmov s28;
	v14 =	vmov s26;
	vm3 =	vge.s32 v16, v12  }
0x19d: {  	vm4 =	vge.s32 v16, v13;
	vm5 =	vge.s32 v16, v14;
	vm6 =	vge.s32 v17, v12  }
0x19e: {  	p0 =	sgt.s32 s17, $0x1;
	vm7 =	vge.s32 v17, v13;
	vm8 =	vge.s32 v17, v14;
	vm9 =	vge.s32 v18, v12  }
.Ltmp20:
0x19f: {  	vm10 =	vge.s32 v18, v13;
	vm11 =	vge.s32 v18, v14;
	vm0 =	vge.s32 v19, v12;
	(pc) =	sbr.rel @!p0 .LBB2_26-.Ltmp20, $4  }
0x1a0: {  	vm1 =	vge.s32 v19, v13;
	vm2 =	vge.s32 v19, v14;
	v19 =	vimm.s32 $0x0  }
0x1a1: {  	v16 =	vsel vm3, $0x1, v0;
	v17 =	vsel vm4, $0x1, v0;
	v18 =	vsel vm5, $0x1, v0  }
0x1a2: {  	v21 =	vsel vm6, $0x1, v0;
	v22 =	vsel vm7, $0x1, v0;
	v23 =	vsel vm8, $0x1, v0  }
0x1a3: {  	s25 =	simm.s32 $0x1;
	s26 =	simm.s32 $0x8060;
	v24 =	vsel vm9, $0x1, v0;
	v25 =	vsel vm10, $0x1, v0;
	v26 =	vsel vm11, $0x1, v0  }
.LBB2_25:
0x1a4: {  	v27 =	vld [tilespmem:s26+$0x10];
	v28 =	vsel vm0, $0x1, v0;
	v29 =	vsel vm1, $0x1, v0;
	v30 =	vsel vm2, $0x1, v0  }
0x1a5: {  	v31 =	vld [tilespmem:s26+$0x0];
	v15 =	vadd.s32 v28, v15;
	v19 =	vadd.s32 v29, v19;
	v20 =	vadd.s32 v30, v20  }
0x1a6: {  	v28 =	vld [tilespmem:s26+$0xFFFFFFF0];
	v15 =	vadd.s32 v24, v15;
	v19 =	vadd.s32 v25, v19;
	v20 =	vadd.s32 v26, v20  }
0x1a7: {  	v24 =	vld [tilespmem:s26+$0xFFFFFFE0];
	v15 =	vadd.s32 v21, v15;
	v19 =	vadd.s32 v22, v19;
	v20 =	vadd.s32 v23, v20  }
0x1a8: {  	v15 =	vadd.s32 v16, v15;
	v19 =	vadd.s32 v17, v19;
	v20 =	vadd.s32 v18, v20  }
0x1a9: {  	s25 =	sadd.s32 $0x1, s25;
	vm3 =	vge.s32 v27, v12;
	vm4 =	vge.s32 v27, v13;
	vm5 =	vge.s32 v27, v14  }
0x1aa: {  	p0 =	sgt.s32 s17, s25;
	vm6 =	vge.s32 v31, v12;
	vm7 =	vge.s32 v31, v13;
	vm8 =	vge.s32 v31, v14  }
.Ltmp21:
0x1ab: {  	vm9 =	vge.s32 v28, v12;
	vm10 =	vge.s32 v28, v13;
	vm11 =	vge.s32 v28, v14;
	(pc) =	sbr.rel @p0 .LBB2_25-.Ltmp21, $4  }
0x1ac: {  	vm0 =	vge.s32 v24, v12;
	vm1 =	vge.s32 v24, v13;
	vm2 =	vge.s32 v24, v14  }
0x1ad: {  	v16 =	vsel vm3, $0x1, v0;
	v17 =	vsel vm4, $0x1, v0;
	v18 =	vsel vm5, $0x1, v0  }
0x1ae: {  	v21 =	vsel vm6, $0x1, v0;
	v22 =	vsel vm7, $0x1, v0;
	v23 =	vsel vm8, $0x1, v0  }
0x1af: {  	s26 =	sadd.s32 $0x40, s26;
	v24 =	vsel vm9, $0x1, v0;
	v25 =	vsel vm10, $0x1, v0;
	v26 =	vsel vm11, $0x1, v0  }
.LBB2_26:
.Ltmp22:
0x1b0: {  	v12 =	vsel vm0, $0x1, v0;
	v13 =	vsel vm1, $0x1, v0;
	v14 =	vsel vm2, $0x1, v0;
	(pc) =	sbr.rel .LBB2_27-.Ltmp22, $4  }
0x1b1: {  	v12 =	vadd.s32 v12, v15;
	v13 =	vadd.s32 v13, v19;
	v14 =	vadd.s32 v14, v20  }
0x1b2: {  	v12 =	vadd.s32 v24, v12;
	v13 =	vadd.s32 v25, v13;
	v14 =	vadd.s32 v26, v14  }
0x1b3: {  	v12 =	vadd.s32 v21, v12;
	v13 =	vadd.s32 v22, v13;
	v14 =	vadd.s32 v23, v14  }
0x1b4: {  	v12 =	vadd.s32 v16, v12;
	v13 =	vadd.s32 v17, v13;
	v14 =	vadd.s32 v18, v14  }
.LBB2_28:
0x1b5: {  	p0 =	sne.s32 s18, $0x40;
	p1 =	sgt.s32 s22, $0x40  }
0x1b6: {  	s16 =	smov.u32 @p0 s19;
	p0 =	por !p0, !p1  }
0x1b7: {  	p0 =	por !p0, !p0  }
.Ltmp23:
0x1b8: {  	_ = 	snop;
	(pc) =	sbr.rel @!p0 .LBB2_32-.Ltmp23, $3  }
0x1b9: {  	_ =	sdelay $0x1  }
0x1ba: {  	s16 =	sxor.u32 $0x80000000, s16  }
0x1bb: {  	s18 =	simm.s32 $0x1;
	v15 =	vimm.s32 $0x0;
	v12 =	vmov s16;
	s16 =	simm.s32 $0x0  }
0x1bc: {  	s17 =	simm.s32 $0x0  }
0x1bd: {  	v18 =	vld [tilespmem:s17+$0x30]  }
0x1be: {  	v17 =	vld [tilespmem:s17+$0x20]  }
0x1bf: {  	v20 =	vld [tilespmem:s17+$0x0]  }
0x1c0: {  	v16 =	vld [tilespmem:s17+$0x10];
	_ =	sdelay $0x3  }
0x1c1: {  	s18 =	simm.s32 $0x40;
	v14 =	vshra.s32 v18, $0x1F;
	v19 =	vshra.s32 v20, $0x1F;
	v23 =	vshra.s32 v17, $0x1F  }
0x1c2: {  	v13 =	vld [tilespmem:s18+$0x30];
	v22 =	vshra.s32 v16, $0x1F;
	v21 =	vand.u32 $0x7FFFFFFF, v19;
	v19 =	vand.u32 $0x7FFFFFFF, v14  }
0x1c3: {  	s17 =	simm.s32 $0x200;
	v14 =	vld [tilespmem:s18+$0x20];
	v22 =	vand.u32 $0x7FFFFFFF, v22;
	v21 =	vxor.u32 v20, v21;
	v20 =	vand.u32 $0x7FFFFFFF, v23  }
.LBB2_30:
0x1c4: {  	p1 =	sne.s32 s17, $0x1FF00;
	v23 =	vld [tilespmem:s18+$0x0];
	vm0 =	vgt.s32 v21, v12;
	v21 =	vxor.u32 v16, v22;
	v18 =	vxor.u32 v18, v19  }
0x1c5: {  	v17 =	vxor.u32 v17, v20;
	v16 =	vld [tilespmem:s18+$0x10];
	v19 =	vsel vm0, $0x1, v0;
	vm0 =	vgt.s32 v21, v12  }
0x1c6: {  	v15 =	vadd.s32 v19, v15;
	v19 =	vsel vm0, $0x1, v0;
	vm0 =	vgt.s32 v17, v12  }
.Ltmp24:
0x1c7: {  	v15 =	vadd.s32 v19, v15;
	v20 =	vsel vm0, $0x1, v0;
	vm0 =	vgt.s32 v18, v12;
	v18 =	vmovc v13;
	(pc) =	sbr.rel @p1 .LBB2_30-.Ltmp24, $4  }
0x1c8: {  	v19 =	vshra.s32 v18, $0x1F;
	v13 =	vadd.s32 v20, v15;
	v15 =	vsel vm0, $0x1, v0;
	v17 =	vmovc v14  }
0x1c9: {  	s18 =	sshra.s32 s17, $0x2;
	v14 =	vshra.s32 v23, $0x1F;
	v20 =	vshra.s32 v17, $0x1F;
	v15 =	vadd.s32 v15, v13  }
0x1ca: {  	v19 =	vand.u32 $0x7FFFFFFF, v19;
	v13 =	vld [tilespmem:s18+$0x30];
	v21 =	vand.u32 $0x7FFFFFFF, v14;
	v22 =	vshra.s32 v16, $0x1F  }
0x1cb: {  	s17 =	sadd.s32 $0x100, s17;
	v20 =	vand.u32 $0x7FFFFFFF, v20;
	v14 =	vld [tilespmem:s18+$0x20];
	v21 =	vxor.u32 v23, v21;
	v22 =	vand.u32 $0x7FFFFFFF, v22  }
0x1cc: {  	v23 =	vld [tilespmem:s18+$0x0];
	vm0 =	vgt.s32 v21, v12;
	v16 =	vxor.u32 v16, v22;
	v18 =	vxor.u32 v18, v19  }
0x1cd: {  	v60 =	vld [tilespmem:s18+$0x10];
	v21 =	vsel vm0, $0x1, v0;
	vm9 =	vgt.s32 v16, v12;
	v16 =	vxor.u32 v17, v20  }
0x1ce: {  	v15 =	vadd.s32 v21, v15;
	v17 =	vsel vm9, $0x1, v0;
	vm10 =	vgt.s32 v16, v12  }
0x1cf: {  	vm11 =	vgt.s32 v18, v12;
	v15 =	vadd.s32 v17, v15;
	v16 =	vsel vm10, $0x1, v0  }
0x1d0: {  	v17 =	vshra.s32 v13, $0x1F;
	v15 =	vadd.s32 v16, v15;
	v16 =	vsel vm11, $0x1, v0  }
0x1d1: {  	v62 =	vshra.s32 v14, $0x1F;
	v17 =	vand.u32 $0x7FFFFFFF, v17;
	v61 =	vshra.s32 v23, $0x1F  }
0x1d2: {  	v15 =	vadd.s32 v16, v15;
	v63 =	vshra.s32 v60, $0x1F;
	v16 =	vand.u32 $0x7FFFFFFF, v61  }
0x1d3: {  	v20 =	vand.u32 $0x7FFFFFFF, v62;
	v18 =	vand.u32 $0x7FFFFFFF, v63;
	v16 =	vxor.u32 v23, v16  }
0x1d4: {  	v13 =	vxor.u32 v13, v17;
	vm12 =	vgt.s32 v16, v12;
	v16 =	vxor.u32 v60, v18  }
0x1d5: {  	v14 =	vxor.u32 v14, v20;
	v17 =	vsel vm12, $0x1, v0;
	vm13 =	vgt.s32 v16, v12  }
0x1d6: {  	vm14 =	vgt.s32 v14, v12;
	v15 =	vadd.s32 v17, v15;
	v16 =	vsel vm13, $0x1, v0  }
0x1d7: {  	vm15 =	vgt.s32 v13, v12;
	v14 =	vadd.s32 v16, v15;
	v15 =	vsel vm14, $0x1, v0  }
0x1d8: {  	v13 =	vadd.s32 v15, v14;
	v14 =	vsel vm15, $0x1, v0  }
0x1d9: {  	s18 =	simm.s32 $0x200;
	v15 =	vadd.s32 v14, v13  }
.LBB2_32:
0x1da: {  	v13 =	vperm.xlane v15, v5;
	_ =	sdelay $0x1  }
0x1db: {  	v13 =	vadd.s32 v15, v13  }
0x1dc: {  	v14 =	vperm.xlane v13, v1;
	_ =	sdelay $0x1  }
0x1dd: {  	v13 =	vadd.s32 v14, v13  }
0x1de: {  	v14 =	vperm.xlane v13, v2;
	_ =	sdelay $0x1  }
0x1df: {  	v13 =	vadd.s32 v14, v13  }
0x1e0: {  	v14 =	vperm.xlane v13, v4;
	_ =	sdelay $0x1  }
0x1e1: {  	v13 =	vadd.s32 v14, v13  }
0x1e2: {  	(v2sf) =	vpush v13, $0x0;
	_ =	sdelay $0xb  }
.Ltmp25:
0x1e3: {  	_ = 	snop;
	(pc) =	sbr.rel .LBB2_33-.Ltmp25, $3  }
0x1e4: {  	_ =	sdelay $0x1  }
0x1e5: {  	s17 =	spop (v2sf)  }
0x1e6: {  	s18 =	sshll.u32 s18, $0x6;
	s19 =	simm.s32 $0x0;
	s17 =	ssub.s32 $0x40, s17  }
.LBB2_36:
0x1e7: {  	v13 =	vadd.s32 v16, v19;
	v14 =	vadd.s32 v17, v20;
	v15 =	vadd.s32 v18, v21  }
.LBB2_37:
0x1e8: {  	v16 =	vperm.xlane v13, v5  }
0x1e9: {  	v17 =	vperm.xlane v14, v5  }
0x1ea: {  	v54 =	vperm.xlane v15, v5;
	v13 =	vadd.s32 v13, v16  }
0x1eb: {  	v14 =	vadd.s32 v14, v17;
	v55 =	vperm.xlane v13, v6  }
0x1ec: {  	v15 =	vadd.s32 v15, v54;
	v56 =	vperm.xlane v14, v6  }
0x1ed: {  	v57 =	vperm.xlane v15, v6;
	v13 =	vadd.s32 v55, v13  }
0x1ee: {  	v14 =	vadd.s32 v56, v14;
	v58 =	vperm.xlane v13, v7  }
0x1ef: {  	v15 =	vadd.s32 v57, v15;
	v59 =	vperm.xlane v14, v7  }
0x1f0: {  	v60 =	vperm.xlane v15, v7;
	v13 =	vadd.s32 v58, v13  }
0x1f1: {  	v14 =	vadd.s32 v59, v14;
	v61 =	vperm.xlane v13, v8  }
0x1f2: {  	v15 =	vadd.s32 v60, v15;
	v62 =	vperm.xlane v14, v8  }
0x1f3: {  	v63 =	vperm.xlane v15, v8;
	v13 =	vadd.s32 v61, v13  }
0x1f4: {  	(v2sf) =	vpush v13, $0x0;
	v13 =	vadd.s32 v62, v14  }
0x1f5: {  	(v2sf) =	vpush v13, $0x0;
	v13 =	vadd.s32 v63, v15  }
0x1f6: {  	(v2sf) =	vpush v13, $0x0;
	_ =	sdelay $0xc  }
0x1f7: {  	s23 =	spop (v2sf)  }
0x1f8: {  	s24 =	spop (v2sf)  }
0x1f9: {  	s25 =	spop (v2sf)  }
0x1fa: {  	p1 =	slt.s32 s25, s17  }
0x1fb: {  	p2 =	sge.s32 s24, s17;
	s21 =	smov.u32 @p1 s16  }
0x1fc: {  	p1 =	sge.s32 s23, s17;
	s21 =	smov.u32 @p2 s16  }
0x1fd: {  	s21 =	smov.u32 @p1 s16  }
0x1fe: {  	s19 =	sadd.s32 $0x1, s19;
	s16 =	smov.u32 s21  }
0x1ff: {  	s16 =	smov.u32 @p2 s22;
	p2 =	sne.s32 s19, $0x8  }
.Ltmp26:
0x200: {  	_ = 	snop;
	(pc) =	sbr.rel @!p2 .LBB2_38-.Ltmp26, $4  }
0x201: {  	p3 =	slt.s32 s23, s17  }
0x202: {  	s21 =	smov.u32 @p3 s16  }
0x203: {  	s16 =	smov.u32 s21  }
0x204: {  	s16 =	smov.u32 @p1 s20  }
.LBB2_33:
.Ltmp27:
0x205: {  	(pc) =	sbr.rel @!p0 .LBB2_37-.Ltmp27, $4  }
0x206: {  	s20 =	sshll.u32 s19, $0x1  }
0x207: {  	s21 =	sshrl.u32 s11, s20  }
0x208: {  	s23 =	sshrl.u32 s12, s20;
	s22 =	sor.u32 s16, s21  }
0x209: {  	v13 =	vimm.s32 $0x0;
	v14 =	vimm.s32 $0x0;
	v15 =	vimm.s32 $0x0;
	s21 =	sor.u32 s16, s23;
	s20 =	sor.u32 s23, s22  }
0x20a: {  	v13 =	vmov s20;
	s23 =	simm.s32 $0x20  }
0x20b: {  	v14 =	vmov s22;
	v15 =	vmov s21;
	v19 =	vimm.s32 $0x0;
	s24 =	simm.s32 $0x0;
	s25 =	simm.s32 $0x20;
	s26 =	simm.s32 $0x30;
	v16 =	vld [tilespmem:s23+$0x10]  }
0x20c: {  	s31 =	simm.s32 $0x10;
	v17 =	vmov s24;
	v18 =	vld [tilespmem:s23+$0x0];
	v20 =	vmov s25;
	v21 =	vmov s26  }
0x20d: {  	v22 =	vld [tilespmem:s23+$0xFFFFFFF0];
	v23 =	vmov s31;
	v17 =	vsub.s32 v10, v17;
	v21 =	vsub.s32 v10, v21  }
0x20e: {  	v24 =	vld [tilespmem:s23+$0xFFFFFFE0];
	v20 =	vsub.s32 v10, v20;
	vm0 =	vge.s32 v17, v13;
	vm1 =	vge.s32 v17, v14  }
0x20f: {  	vm2 =	vge.s32 v17, v15;
	v17 =	vsub.s32 v10, v23;
	vm3 =	vge.s32 v21, v13  }
0x210: {  	vm4 =	vge.s32 v20, v13;
	vm5 =	vge.s32 v21, v14;
	vm6 =	vge.s32 v21, v15  }
0x211: {  	vm8 =	vge.s32 v20, v14;
	vm9 =	vge.s32 v20, v15;
	vm7 =	vge.s32 v17, v13  }
0x212: {  	vm10 =	vge.s32 v17, v14;
	vm11 =	vge.s32 v17, v15;
	v17 =	vshra.s32 v16, $0x1F  }
0x213: {  	v20 =	vshra.s32 v24, $0x1F;
	v21 =	vshra.s32 v22, $0x1F;
	v23 =	vshra.s32 v18, $0x1F  }
0x214: {  	v21 =	vand.u32 $0x7FFFFFFF, v21;
	v23 =	vand.u32 $0x7FFFFFFF, v23;
	v17 =	vand.u32 $0x7FFFFFFF, v17  }
0x215: {  	v20 =	vand.u32 $0x7FFFFFFF, v20;
	v18 =	vxor.u32 v18, v23;
	v16 =	vxor.u32 v16, v17  }
0x216: {  	v17 =	vxor.u32 v24, v20;
	v20 =	vxor.u32 v22, v21;
	vm12 =	veq.s32 v16, v12  }
0x217: {  	vm13 =	veq.s32 v17, v12;
	vm14 =	veq.s32 v20, v12;
	vm15 =	veq.s32 v18, v12  }
0x218: {  	vm3 =	vmand vm3, vm12;
	vm5 =	vmand vm5, vm12;
	vm6 =	vmand vm6, vm12  }
0x219: {  	vm4 =	vmand vm4, vm15;
	vm8 =	vmand vm8, vm15;
	vm9 =	vmand vm9, vm15  }
0x21a: {  	vm7 =	vmand vm7, vm14;
	vm10 =	vmand vm10, vm14;
	vm11 =	vmand vm11, vm14  }
0x21b: {  	vm0 =	vmand vm0, vm13;
	vm1 =	vmand vm1, vm13;
	vm2 =	vmand vm2, vm13  }
0x21c: {  	v16 =	vsel vm3, $0x1, v0;
	v17 =	vsel vm5, $0x1, v0;
	v18 =	vsel vm6, $0x1, v0  }
0x21d: {  	p1 =	sne.s32 s18, $0x40;
	v20 =	vsel vm4, $0x1, v0;
	v21 =	vsel vm8, $0x1, v0;
	v22 =	vsel vm9, $0x1, v0  }
.Ltmp28:
0x21e: {  	v23 =	vsel vm7, $0x1, v0;
	v63 =	vsel vm10, $0x1, v0;
	v25 =	vsel vm11, $0x1, v0;
	(pc) =	sbr.rel @!p1 .LBB2_36-.Ltmp28, $4  }
0x21f: {  	v26 =	vsel vm0, $0x1, v0;
	v27 =	vsel vm1, $0x1, v0;
	v28 =	vsel vm2, $0x1, v0  }
0x220: {  	v26 =	vadd.s32 v26, v19;
	v27 =	vadd.s32 v27, v19;
	v19 =	vadd.s32 v28, v19  }
0x221: {  	v23 =	vadd.s32 v23, v26;
	v24 =	vadd.s32 v63, v27;
	v25 =	vadd.s32 v25, v19  }
0x222: {  	s23 =	simm.s32 $0x40;
	s24 =	simm.s32 $0x60;
	v19 =	vadd.s32 v20, v23;
	v20 =	vadd.s32 v21, v24;
	v21 =	vadd.s32 v22, v25  }
.LBB2_35:
0x223: {  	s25 =	sadd.s32 $0x20, s23;
	s26 =	sadd.s32 $0x30, s23;
	v22 =	vld [tilespmem:s24+$0x10];
	v19 =	vadd.s32 v16, v19;
	v20 =	vadd.s32 v17, v20;
	v21 =	vadd.s32 v18, v21  }
0x224: {  	v16 =	vmov s23;
	s28 =	sadd.s32 $0x10, s23;
	v17 =	vld [tilespmem:s24+$0x0];
	v18 =	vmov s25;
	v23 =	vmov s26  }
0x225: {  	v16 =	vsub.s32 v10, v16;
	v25 =	vmov s28;
	v24 =	vld [tilespmem:s24+$0xFFFFFFF0];
	v23 =	vsub.s32 v10, v23  }
0x226: {  	vm0 =	vge.s32 v16, v13;
	vm1 =	vge.s32 v16, v14;
	v18 =	vsub.s32 v10, v18;
	v26 =	vld [tilespmem:s24+$0xFFFFFFE0]  }
0x227: {  	vm2 =	vge.s32 v16, v15;
	v16 =	vsub.s32 v10, v25;
	vm5 =	vge.s32 v23, v13  }
0x228: {  	vm4 =	vge.s32 v18, v13;
	vm10 =	vge.s32 v23, v14;
	vm11 =	vge.s32 v23, v15  }
0x229: {  	vm3 =	vge.s32 v16, v13;
	vm8 =	vge.s32 v18, v14;
	vm9 =	vge.s32 v18, v15  }
0x22a: {  	vm6 =	vge.s32 v16, v14;
	vm7 =	vge.s32 v16, v15;
	v16 =	vshra.s32 v22, $0x1F  }
0x22b: {  	v25 =	vshra.s32 v17, $0x1F;
	v23 =	vshra.s32 v24, $0x1F;
	v18 =	vshra.s32 v26, $0x1F  }
0x22c: {  	v16 =	vand.u32 $0x7FFFFFFF, v16;
	v25 =	vand.u32 $0x7FFFFFFF, v25;
	v23 =	vand.u32 $0x7FFFFFFF, v23  }
0x22d: {  	s23 =	sadd.s32 $0x40, s23;
	v16 =	vxor.u32 v22, v16;
	v17 =	vxor.u32 v17, v25;
	v18 =	vand.u32 $0x7FFFFFFF, v18  }
0x22e: {  	p1 =	sne.s32 s18, s23;
	vm12 =	veq.s32 v16, v12;
	v22 =	vxor.u32 v24, v23;
	v18 =	vxor.u32 v26, v18  }
0x22f: {  	vm15 =	veq.s32 v17, v12;
	vm14 =	veq.s32 v22, v12;
	vm13 =	veq.s32 v18, v12  }
0x230: {  	vm5 =	vmand vm5, vm12;
	vm10 =	vmand vm10, vm12;
	vm11 =	vmand vm11, vm12  }
0x231: {  	vm4 =	vmand vm4, vm15;
	vm8 =	vmand vm8, vm15;
	vm9 =	vmand vm9, vm15  }
0x232: {  	vm3 =	vmand vm3, vm14;
	vm6 =	vmand vm6, vm14;
	vm7 =	vmand vm7, vm14  }
0x233: {  	vm0 =	vmand vm0, vm13;
	vm1 =	vmand vm1, vm13;
	vm2 =	vmand vm2, vm13  }
0x234: {  	v16 =	vsel vm5, $0x1, v0;
	v17 =	vsel vm10, $0x1, v0;
	v18 =	vsel vm11, $0x1, v0  }
0x235: {  	v22 =	vsel vm4, $0x1, v0;
	v23 =	vsel vm8, $0x1, v0;
	v24 =	vsel vm9, $0x1, v0  }
.Ltmp29:
0x236: {  	v25 =	vsel vm3, $0x1, v0;
	v26 =	vsel vm6, $0x1, v0;
	v27 =	vsel vm7, $0x1, v0;
	(pc) =	sbr.rel @p1 .LBB2_35-.Ltmp29, $4  }
0x237: {  	v28 =	vsel vm0, $0x1, v0;
	v29 =	vsel vm1, $0x1, v0;
	v30 =	vsel vm2, $0x1, v0  }
0x238: {  	v19 =	vadd.s32 v28, v19;
	v20 =	vadd.s32 v29, v20;
	v21 =	vadd.s32 v30, v21  }
0x239: {  	v19 =	vadd.s32 v25, v19;
	v20 =	vadd.s32 v26, v20;
	v21 =	vadd.s32 v27, v21  }
0x23a: {  	s24 =	sadd.s32 $0x40, s24;
	v19 =	vadd.s32 v22, v19;
	v20 =	vadd.s32 v23, v20;
	v21 =	vadd.s32 v24, v21  }
.Ltmp30:
0x23b: {  	_ = 	snop;
	(pc) =	sbr.rel .LBB2_36-.Ltmp30, $1  }
0x23c: {  	_ =	sdelay $0x3  }
.LBB2_40:
0x23d: {  	_ =	sfence.sel $0x180000  }
0x23e: {  	[bflag:$0x0] =	sbarrier.arrive $0xFFFF  }
0x23f: {  	p0 =	sne.s32 s2, $0x0;
	_ =	strace $0x90000047  }
0x240: {  	s0 =	sadd.s32 @!p0 $0x100000, s0;
	[bflag:$0x2] =	sbarrier.arrive $0xFFFF  }
0x241: {  	[sflag:s0] =	ssyncadd.tile.s32 @!p0 $0x1;
	_ =	shalt  }
.Lfunc_end2:
_tile_overlayer_lowered:
.L_overlay_start_2:
0x242: {  	(tag) =	ssettag $0x2  }
0x243: {  	s0 =	rddreg [dreg:$0x0];
	s2 =	stileid.u32  }
0x244: {  	s1 =	rddreg [dreg:$0x1];
	p0 =	sne.s32 s2, $0x0  }
0x245: {  	s3 =	rddreg [dreg:$0x2];
	[bflag:$0x3] =	sbarrier.arrive $0xFFFF;
	s2 =	simm.s32 @!p0 $0x1C01  }
0x246: {  	[timem:s3], [sflag:s2] =	dma.local @!p0 [hbm:s0], s1  }
0x247: {  	s0 =	simm.s32 @!p0 $0x1  }
0x248: {  	_ =	swait.ge @!p0 [sflag:s0], s1  }
0x249: {  	s1 =	ssub.s32 @!p0 $0x0, s1;
	[sflag:s0] =	ssyncset.done @!p0 $0x0  }
0x24a: {  	[sflag:s0] =	ssyncadd.s32 @!p0 s1  }
0x24b: {  	[bflag:$0x3] =	sbarrier.arrive $0xFFFF  }
0x24c: {  	_ =	shalt  }

</sc_bundles>
